<compile_context>
chip_gen: v7x
topology: tpu7x:2x2x1
jax: 0.10.2.dev20260603
libtpu: 0.0.44.dev20260713+nightly
codegen_flags: <defaults>
</compile_context>

<pallas_src>
import functools

import jax
import jax.numpy as jnp
from jax import lax
from jax.experimental import pallas as pl
from jax.experimental.pallas import tpu as pltpu
from jax.experimental.pallas import tpu_sc as plsc

N = 10000
E = 320000
NPAD = 10016
NW = 32
EPW = E // NW
CAP = 784
SLICE_W = 16 * CAP

_MESH = plsc.VectorSubcoreMesh(core_axis_name="c", subcore_axis_name="s")
_SC_PARAMS = pltpu.CompilerParams(needs_layout_passes=False)


def _wid():
    return lax.axis_index("s") * 2 + lax.axis_index("c")


def _lane_gather(vec, idx):
    return lax.gather(
        vec, idx[:, None],
        lax.GatherDimensionNumbers((), (0,), (0,)), (1,),
        mode=lax.GatherScatterMode.PROMISE_IN_BOUNDS)


@functools.partial(
    pl.kernel,
    out_type=[
        jax.ShapeDtypeStruct((NW * SLICE_W,), jnp.int32),
        jax.ShapeDtypeStruct((NW * 16,), jnp.int32),
        jax.ShapeDtypeStruct((NW * NPAD,), jnp.float32),
    ],
    mesh=_MESH,
    compiler_params=_SC_PARAMS,
    scratch_types=[
        pltpu.VMEM((EPW,), jnp.int32),
        pltpu.VMEM((EPW,), jnp.int32),
        pltpu.VMEM((NPAD,), jnp.float32),
        pltpu.VMEM((16 * (CAP + 8),), jnp.int32),
        pltpu.VMEM((256,), jnp.int32),
        pltpu.VMEM((256,), jnp.int32),
        pltpu.VMEM((16,), jnp.int32),
        pltpu.VMEM((16,), jnp.int32),
    ],
)
def _sc_prep(src_hbm, dst_hbm, eb_hbm, meta_hbm, hist_hbm,
             sbuf, dbuf, hist, obuf, cnt256, base256, cntv, kbuf):
    wid = _wid()
    base = wid * EPW
    pltpu.sync_copy(src_hbm.at[pl.ds(base, EPW)], sbuf)
    pltpu.sync_copy(dst_hbm.at[pl.ds(base, EPW)], dbuf)

    @pl.loop(0, NPAD, step=16)
    def _(i):
        hist[pl.ds(i, 16)] = jnp.zeros((16,), jnp.float32)

    @pl.loop(0, 256, step=16)
    def _(i):
        cnt256[pl.ds(i, 16)] = jnp.zeros((16,), jnp.int32)

    iota = lax.iota(jnp.int32, 16)
    ones_f = jnp.ones((16,), jnp.float32)
    ones_i = jnp.ones((16,), jnp.int32)

    def edge_key(i):
        s = sbuf[pl.ds(i, 16)]
        d = dbuf[pl.ds(i, 16)]
        dadj = jnp.where(s != d, d, N)
        r = dadj & 15
        q = (s - r) & 15
        return s, dadj, (r << 4) | q

    @pl.loop(0, EPW, step=16)
    def _(i):
        s, dadj, key = edge_key(i)
        plsc.addupdate_scatter(hist, [dadj], ones_f)
        plsc.addupdate_scatter(cnt256, [key], ones_i)

    for r in range(16):
        idx = (r << 4) + iota
        c = plsc.load_gather(cnt256, [idx])
        cs = plsc.cumsum(c)
        plsc.store_scatter(base256, [idx], cs - c)
        plsc.store_scatter(cntv, [jnp.full((16,), r, jnp.int32)],
                           jnp.full((16,), 1, jnp.int32) * cs[15],
                           mask=iota < 1)

    @pl.loop(0, 256, step=16)
    def _(i):
        cnt256[pl.ds(i, 16)] = jnp.zeros((16,), jnp.int32)

    @pl.loop(0, EPW, step=16)
    def _(i):
        s, dadj, key = edge_key(i)
        v = (s << 14) | dadj
        kk, vv = plsc.sort_key_val(key, v)
        prev = _lane_gather(kk, jnp.maximum(iota - 1, 0))
        seg = jnp.where(kk != prev, iota, 0)
        rank = iota - plsc.cummax(seg)
        b = plsc.load_gather(base256, [kk])
        c = plsc.load_gather(cnt256, [kk])
        pos = (jnp.minimum(b + c + rank, CAP + 6) << 4) | (kk >> 4)
        plsc.store_scatter(obuf, [pos], vv)
        plsc.addupdate_scatter(cnt256, [kk], ones_i)

    cfin = cntv[...]
    k = jnp.minimum(jnp.max(cfin), CAP)
    dump = jnp.int32(N) + iota

    @pl.loop(jnp.min(cfin), k)
    def _(j):
        plsc.store_scatter(obuf, [(j << 4) | iota], dump, mask=cfin <= j)

    kbuf[...] = jnp.full((16,), k, jnp.int32)
    pltpu.sync_copy(obuf.at[pl.ds(0, SLICE_W)],
                    eb_hbm.at[pl.ds(wid * SLICE_W, SLICE_W)])
    pltpu.sync_copy(kbuf, meta_hbm.at[pl.ds(wid * 16, 16)])
    pltpu.sync_copy(hist, hist_hbm.at[pl.ds(wid * NPAD, NPAD)])


def _make_sc_conv(nch, unroll):
    npair = nch // 2
    c_total = NW * nch
    half = c_total // 2

    @functools.partial(
        pl.kernel,
        out_type=jax.ShapeDtypeStruct((c_total * N,), jnp.float32),
        mesh=_MESH,
        compiler_params=_SC_PARAMS,
        scratch_types=[
            pltpu.VMEM((npair * NPAD,), jnp.int32),
            pltpu.VMEM((nch * NPAD,), jnp.float32),
            pltpu.VMEM((2 * SLICE_W,), jnp.int32),
            pltpu.VMEM((NW * 16,), jnp.int32),
            pltpu.SemaphoreType.DMA,
        ],
    )
    def conv(eb_hbm, meta_hbm, hp_hbm, agg_hbm, htab, acc, ebuf, kv, sem):
        wid = _wid()
        p0 = wid * npair
        pltpu.sync_copy(meta_hbm, kv)
        for j in range(npair):
            pltpu.sync_copy(hp_hbm.at[pl.ds((p0 + j) * N, N)],
                            htab.at[pl.ds(j * NPAD, N)])

        @pl.loop(0, nch * NPAD, step=16)
        def _(i):
            acc[pl.ds(i, 16)] = jnp.zeros((16,), jnp.float32)

        def start(si, off):
            pltpu.async_copy(eb_hbm.at[pl.ds(si * SLICE_W, SLICE_W)],
                             ebuf.at[pl.ds(off, SLICE_W)], sem)

        def wait(si, off):
            pltpu.make_async_copy(eb_hbm.at[pl.ds(si * SLICE_W, SLICE_W)],
                                  ebuf.at[pl.ds(off, SLICE_W)], sem).wait()

        start(0, 0)

        @pl.loop(0, NW)
        def _(si):
            off = lax.rem(si, 2) * SLICE_W

            @pl.when(si + 1 < NW)
            def _():
                start(si + 1, SLICE_W - off)

            wait(si, off)
            k16 = kv[pl.ds(si * 16, 16)][0] << 4

            @plsc.parallel_loop(0, k16, step=16, unroll=unroll)
            def _(i):
                p = ebuf[pl.ds(off + i, 16)]
                s = p >> 14
                d = p & 16383
                for j in range(npair):
                    g = plsc.load_gather(htab, [s + (j * NPAD)])
                    glo = plsc.bitcast(g << 16, jnp.float32)
                    ghi = plsc.bitcast(g & jnp.int32(-65536), jnp.float32)
                    plsc.addupdate_scatter(acc, [d + (j * NPAD)], glo)
                    plsc.addupdate_scatter(acc, [d + ((npair + j) * NPAD)], ghi)

        for j in range(npair):
            pltpu.sync_copy(acc.at[pl.ds(j * NPAD, N)],
                            agg_hbm.at[pl.ds((p0 + j) * N, N)])
            pltpu.sync_copy(acc.at[pl.ds((npair + j) * NPAD, N)],
                            agg_hbm.at[pl.ds((p0 + j + half) * N, N)])

    return conv


_sc_conv64 = _make_sc_conv(2, 8)
_sc_conv128 = _make_sc_conv(4, 4)


def _pack_pairs(hs):
    c = hs.shape[0]
    lo = lax.bitcast_convert_type(hs[: c // 2].astype(jnp.bfloat16),
                                  jnp.uint16).astype(jnp.uint32)
    hi = lax.bitcast_convert_type(hs[c // 2:].astype(jnp.bfloat16),
                                  jnp.uint16).astype(jnp.uint32)
    return lax.bitcast_convert_type(lo | (hi << 16), jnp.int32)


def _tc_first(W, x, hist):
    def body(w_ref, x_ref, hist_ref, o_ref, hp_ref, dinv_ref, deginv_ref):
        h = lax.dot_general(
            w_ref[...], x_ref[...], (((1,), (1,)), ((), ())),
            preferred_element_type=jnp.float32)
        deg = jnp.sum(hist_ref[...], axis=0, keepdims=True)[:, :N] + 1.0
        dinv = lax.rsqrt(deg)
        o_ref[...] = h
        hp_ref[...] = _pack_pairs(dinv * h)
        dinv_ref[...] = dinv
        deginv_ref[...] = 1.0 / deg

    return pl.pallas_call(
        body,
        out_shape=[
            jax.ShapeDtypeStruct((W.shape[0], x.shape[0]), jnp.float32),
            jax.ShapeDtypeStruct((W.shape[0] // 2, x.shape[0]), jnp.int32),
            jax.ShapeDtypeStruct((1, N), jnp.float32),
            jax.ShapeDtypeStruct((1, N), jnp.float32),
        ],
    )(W, x, hist)


def _tc_stage(aggT, hT, dinv, deginv, b, Wn):
    def body(a_ref, h_ref, di_ref, dg_ref, b_ref, w_ref, o_ref, hp_ref):
        t = di_ref[...] * a_ref[...] + dg_ref[...] * h_ref[...] + b_ref[...]
        mean = jnp.mean(t, axis=1, keepdims=True)
        cen = t - mean
        var = jnp.mean(cen * cen, axis=1, keepdims=True)
        z = jnp.maximum(cen * lax.rsqrt(var + 1e-5), 0.0)
        h = jnp.dot(w_ref[...], z,
                    preferred_element_type=jnp.float32)
        o_ref[...] = h
        hp_ref[...] = _pack_pairs(di_ref[...] * h)

    return pl.pallas_call(
        body,
        out_shape=[
            jax.ShapeDtypeStruct((Wn.shape[0], aggT.shape[1]), jnp.float32),
            jax.ShapeDtypeStruct((Wn.shape[0] // 2, aggT.shape[1]), jnp.int32),
        ],
    )(aggT, hT, dinv, deginv, b, Wn)


def _tc_final(aggT, hT, dinv, deginv, b):
    def body(a_ref, h_ref, di_ref, dg_ref, b_ref, o_ref):
        t = di_ref[...] * a_ref[...] + dg_ref[...] * h_ref[...] + b_ref[...]
        m = jnp.max(t, axis=0, keepdims=True)
        lse = jnp.log(jnp.sum(jnp.exp(t - m), axis=0, keepdims=True)) + m
        o_ref[...] = t - lse

    return pl.pallas_call(
        body,
        out_shape=jax.ShapeDtypeStruct(aggT.shape, jnp.float32),
    )(aggT, hT, dinv, deginv, b)


def kernel(x, edge_index, W0, b0, W1, b1, W2, b2):
    src = edge_index[0].astype(jnp.int32)
    dst = edge_index[1].astype(jnp.int32)

    ebkt, meta, hist = _sc_prep(src, dst)
    h0T, hp0, dinv, deginv = _tc_first(W0, x, hist.reshape(NW, NPAD))

    agg0 = _sc_conv64(ebkt, meta, hp0.reshape(-1)).reshape(64, N)
    h1T, hp1 = _tc_stage(agg0, h0T, dinv, deginv, b0.reshape(-1, 1), W1)
    agg1 = _sc_conv64(ebkt, meta, hp1.reshape(-1)).reshape(64, N)
    h2T, hp2 = _tc_stage(agg1, h1T, dinv, deginv, b1.reshape(-1, 1), W2)
    agg2 = _sc_conv128(ebkt, meta, hp2.reshape(-1)).reshape(128, N)
    outT = _tc_final(agg2, h2T, dinv, deginv, b2.reshape(-1, 1))
    return outT.T

# --- scband reference (transcript-rebuilt; emitter-appended) ---
"""Pipeline reference for scband-pmlp-gcn-79353815761143 (READ-ONLY COPY).

The authoritative reference and input builder live on the scoring server;
editing this copy changes nothing except your own understanding.
"""

import jax, jax.numpy as jnp
import numpy as np

N_NODES = 10000
N_EDGES = 320000
IN_CH = 128
HID = 64
OUT_CH = 128


def setup_inputs(seed: int = 0) -> dict:
    key = jax.random.key(seed)
    ks = jax.random.split(key, 10)
    x = jax.random.normal(ks[0], (N_NODES, IN_CH), dtype=jnp.float32)
    edge_index = jax.random.randint(ks[1], (2, N_EDGES), 0, N_NODES, dtype=jnp.int64)
    # xavier_uniform gain=1.414 for weights, zeros for biases (per reset_parameters)
    def xavier(k, shape, gain=1.414):
        fan_out, fan_in = shape
        a = gain * np.sqrt(6.0 / (fan_in + fan_out))
        return jax.random.uniform(k, shape, dtype=jnp.float32, minval=-a, maxval=a)
    W0 = xavier(ks[2], (HID, IN_CH))
    b0 = jnp.zeros((HID,), dtype=jnp.float32)
    W1 = xavier(ks[3], (HID, HID))
    b1 = jnp.zeros((HID,), dtype=jnp.float32)
    W2 = xavier(ks[4], (OUT_CH, HID))
    b2 = jnp.zeros((OUT_CH,), dtype=jnp.float32)
    return {"x": x, "edge_index": edge_index, "W0": W0, "b0": b0, "W1": W1, "b1": b1, "W2": W2, "b2": b2}


def _gcn_conv(h, edge_index, n):
    # remove self loops, add one self loop per node, sym-normalized aggregation
    src = edge_index[0]
    dst = edge_index[1]
    mask = (src != dst).astype(h.dtype)
    deg = jnp.zeros((n,), h.dtype).at[dst].add(mask) + 1.0  # +1 for added self loop
    dinv = deg ** -0.5
    w = dinv[src] * dinv[dst] * mask
    msg = w[:, None] * jnp.take(h, src, axis=0)
    out = jax.ops.segment_sum(msg, dst, num_segments=n)
    out = out + (1.0 / deg)[:, None] * h  # self-loop contribution: deg^-0.5 * deg^-0.5
    return out


def _batchnorm(h, eps=1e-5):
    # BatchNorm1d(affine=False, track_running_stats=False): always batch stats, biased var
    mean = jnp.mean(h, axis=0, keepdims=True)
    var = jnp.mean((h - mean) ** 2, axis=0, keepdims=True)
    return (h - mean) / jnp.sqrt(var + eps)


def reference(x, edge_index, W0, b0, W1, b1, W2, b2):
    n = x.shape[0]
    # eval mode: dropout is identity
    h = x @ W0.T
    h = _gcn_conv(h, edge_index, n)
    h = h + b0
    h = jax.nn.relu(_batchnorm(h))
    h = h @ W1.T
    h = _gcn_conv(h, edge_index, n)
    h = h + b1
    h = jax.nn.relu(_batchnorm(h))
    # classifier (use_conv=True)
    h = h @ W2.T
    h = _gcn_conv(h, edge_index, n)
    h = h + b2
    return jax.nn.log_softmax(h, axis=1)

if __name__ == "__main__":
    import jax
    _d = setup_inputs()
    print(jax.jit(kernel)(*tuple(_d.values())))

</pallas_src>

<mosaic_0001>
#map = affine_map<(d0, d1) -> (0)>
module attributes {stable_mosaic.version = 14 : i64} {
  func.func @_sc_prep(%arg0: i32, %arg1: i32, %arg2: memref<320000xi32, #tpu.memory_space<hbm>>, %arg3: memref<320000xi32, #tpu.memory_space<hbm>>, %arg4: memref<401408xi32, #tpu.memory_space<hbm>>, %arg5: memref<512xi32, #tpu.memory_space<hbm>>, %arg6: memref<320512xf32, #tpu.memory_space<hbm>>, %arg7: memref<10000xi32, #tpu.memory_space<vmem>>, %arg8: memref<10000xi32, #tpu.memory_space<vmem>>, %arg9: memref<10016xf32, #tpu.memory_space<vmem>>, %arg10: memref<12672xi32, #tpu.memory_space<vmem>>, %arg11: memref<256xi32, #tpu.memory_space<vmem>>, %arg12: memref<256xi32, #tpu.memory_space<vmem>>, %arg13: memref<16xi32, #tpu.memory_space<vmem>>, %arg14: memref<16xi32, #tpu.memory_space<vmem>>) attributes {dimension_semantics = [#tpu.dimension_semantics<core_parallel>, #tpu.dimension_semantics<subcore_parallel>], iteration_bounds = array<i64: 2, 16>, scalar_prefetch = 0 : i64, scratch_operands = 8 : i64, tpu.core_type = #tpu.core_type<sc_vector_subcore>, window_params = [{transform_indices = #map}, {transform_indices = #map}, {transform_indices = #map}, {transform_indices = #map}, {transform_indices = #map}]} {
    %mul3A = arith.constant 2 : i32
    %mul3A_0 = arith.muli %arg1, %mul3A : i32
    %add3A = arith.addi %mul3A_0, %arg0 : i32
    %mul3A_1 = arith.constant 10000 : i32
    %mul3A_2 = arith.muli %add3A, %mul3A_1 : i32
    "tpu.region"() ({
      %run_scoped3A = tpu.sem_alloc : memref<!tpu.dma_semaphore, #tpu.memory_space<semaphore_mem>>
      %dma_start3A = tpu.memref_slice %arg2[%mul3A_2] : memref<320000xi32, #tpu.memory_space<hbm>> -> memref<10000xi32, #tpu.memory_space<hbm>>
      %dma_start3A_370 = tpu.memref_slice %arg2[%mul3A_2] : memref<320000xi32, #tpu.memory_space<hbm>> -> memref<10000xi32, #tpu.memory_space<hbm>>
      tpu.enqueue_dma source(%dma_start3A_370 : memref<10000xi32, #tpu.memory_space<hbm>>) target(%arg7 : memref<10000xi32, #tpu.memory_space<vmem>>) target_semaphore(%run_scoped3A : memref<!tpu.dma_semaphore, #tpu.memory_space<semaphore_mem>>)
      %dma_wait3A = tpu.memref_slice %arg2[%mul3A_2] : memref<320000xi32, #tpu.memory_space<hbm>> -> memref<10000xi32, #tpu.memory_space<hbm>>
      %dma_wait3A_371 = tpu.memref_slice %arg2[%mul3A_2] : memref<320000xi32, #tpu.memory_space<hbm>> -> memref<10000xi32, #tpu.memory_space<hbm>>
      tpu.wait_dma2 semaphore(%run_scoped3A : memref<!tpu.dma_semaphore, #tpu.memory_space<semaphore_mem>>) src(%dma_wait3A_371 : memref<10000xi32, #tpu.memory_space<hbm>>) dst(%arg7 : memref<10000xi32, #tpu.memory_space<vmem>>)
      tpu.yield
    }) : () -> ()
    "tpu.region"() ({
      %run_scoped3A = tpu.sem_alloc : memref<!tpu.dma_semaphore, #tpu.memory_space<semaphore_mem>>
      %dma_start3A = tpu.memref_slice %arg3[%mul3A_2] : memref<320000xi32, #tpu.memory_space<hbm>> -> memref<10000xi32, #tpu.memory_space<hbm>>
      %dma_start3A_370 = tpu.memref_slice %arg3[%mul3A_2] : memref<320000xi32, #tpu.memory_space<hbm>> -> memref<10000xi32, #tpu.memory_space<hbm>>
      tpu.enqueue_dma source(%dma_start3A_370 : memref<10000xi32, #tpu.memory_space<hbm>>) target(%arg8 : memref<10000xi32, #tpu.memory_space<vmem>>) target_semaphore(%run_scoped3A : memref<!tpu.dma_semaphore, #tpu.memory_space<semaphore_mem>>)
      %dma_wait3A = tpu.memref_slice %arg3[%mul3A_2] : memref<320000xi32, #tpu.memory_space<hbm>> -> memref<10000xi32, #tpu.memory_space<hbm>>
      %dma_wait3A_371 = tpu.memref_slice %arg3[%mul3A_2] : memref<320000xi32, #tpu.memory_space<hbm>> -> memref<10000xi32, #tpu.memory_space<hbm>>
      tpu.wait_dma2 semaphore(%run_scoped3A : memref<!tpu.dma_semaphore, #tpu.memory_space<semaphore_mem>>) src(%dma_wait3A_371 : memref<10000xi32, #tpu.memory_space<hbm>>) dst(%arg8 : memref<10000xi32, #tpu.memory_space<vmem>>)
      tpu.yield
    }) : () -> ()
    %scan3A = arith.constant 0 : i32
    %scan3A_3 = arith.constant 626 : i32
    %scan3A_4 = arith.addi %scan3A, %scan3A_3 : i32
    %scan3A_5 = arith.constant 1 : i32
    scf.for %scan3A_370 = %scan3A to %scan3A_4 step %scan3A_5  : i32 {
      %mul3A_371 = arith.constant 16 : i32
      %mul3A_372 = arith.muli %scan3A_370, %mul3A_371 : i32
      %add3A_373 = arith.constant 0 : i32
      %add3A_374 = arith.addi %add3A_373, %mul3A_372 : i32
      %broadcast_in_dim3A_375 = arith.constant 0.000000e+00 : f32
      %broadcast_in_dim3A_376 = vector.broadcast %broadcast_in_dim3A_375 : f32 to vector<16xf32>
      %swap3A_377 = arith.index_cast %add3A_374 : i32 to index
      %swap3A_378 = tpu.vector_load %arg9[%swap3A_377] {strides = array<i32>} : memref<10016xf32, #tpu.memory_space<vmem>>, vector<16xf32>,
      tpu.vector_store %arg9[%swap3A_377], %broadcast_in_dim3A_376 {strides = array<i32>} : memref<10016xf32, #tpu.memory_space<vmem>>, vector<16xf32>,
    }
    %scan3A_6 = arith.constant 626 : i32
    %scan3A_7 = arith.constant 0 : i32
    %scan3A_8 = arith.constant 16 : i32
    %scan3A_9 = arith.addi %scan3A_7, %scan3A_8 : i32
    %scan3A_10 = arith.constant 1 : i32
    scf.for %scan3A_370 = %scan3A_7 to %scan3A_9 step %scan3A_10  : i32 {
      %mul3A_371 = arith.constant 16 : i32
      %mul3A_372 = arith.muli %scan3A_370, %mul3A_371 : i32
      %add3A_373 = arith.constant 0 : i32
      %add3A_374 = arith.addi %add3A_373, %mul3A_372 : i32
      %broadcast_in_dim3A_375 = arith.constant 0 : i32
      %broadcast_in_dim3A_376 = vector.broadcast %broadcast_in_dim3A_375 : i32 to vector<16xi32>
      %swap3A_377 = arith.index_cast %add3A_374 : i32 to index
      %swap3A_378 = tpu.vector_load %arg11[%swap3A_377] {strides = array<i32>} : memref<256xi32, #tpu.memory_space<vmem>>, vector<16xi32>,
      tpu.vector_store %arg11[%swap3A_377], %broadcast_in_dim3A_376 {strides = array<i32>} : memref<256xi32, #tpu.memory_space<vmem>>, vector<16xi32>,
    }
    %scan3A_11 = arith.constant 16 : i32
    %iota3A = tpu.iota {dimensions = array<i32: 0>} : vector<16xi32>
    %broadcast_in_dim3A = arith.constant 1.000000e+00 : f32
    %broadcast_in_dim3A_12 = vector.broadcast %broadcast_in_dim3A : f32 to vector<16xf32>
    %broadcast_in_dim3A_13 = arith.constant 1 : i32
    %broadcast_in_dim3A_14 = vector.broadcast %broadcast_in_dim3A_13 : i32 to vector<16xi32>
    %scan3A_15 = arith.constant 0 : i32
    %scan3A_16 = arith.constant 625 : i32
    %scan3A_17 = arith.addi %scan3A_15, %scan3A_16 : i32
    %scan3A_18 = arith.constant 1 : i32
    scf.for %scan3A_370 = %scan3A_15 to %scan3A_17 step %scan3A_18  : i32 {
      %mul3A_371 = arith.constant 16 : i32
      %mul3A_372 = arith.muli %scan3A_370, %mul3A_371 : i32
      %add3A_373 = arith.constant 0 : i32
      %add3A_374 = arith.addi %add3A_373, %mul3A_372 : i32
      %get3A_375 = arith.index_cast %add3A_374 : i32 to index
      %get3A_376 = tpu.vector_load %arg7[%get3A_375] {strides = array<i32>} : memref<10000xi32, #tpu.memory_space<vmem>>, vector<16xi32>,
      %get3A_377 = arith.index_cast %add3A_374 : i32 to index
      %get3A_378 = tpu.vector_load %arg8[%get3A_377] {strides = array<i32>} : memref<10000xi32, #tpu.memory_space<vmem>>, vector<16xi32>,
      %ne3A = arith.cmpi ne, %get3A_376, %get3A_378 : vector<16xi32>
      %jit3A = arith.constant 10000 : i32
      %broadcast_in_dim3A_379 = vector.broadcast %jit3A : i32 to vector<16xi32>
      %select_n3A = arith.select %ne3A, %get3A_378, %broadcast_in_dim3A_379 : vector<16xi1>, vector<16xi32>
      %and3A = arith.constant 15 : i32
      %and3A_380 = vector.broadcast %and3A : i32 to vector<16xi32>
      %and3A_381 = arith.andi %select_n3A, %and3A_380 : vector<16xi32>
      %sub3A_382 = arith.subi %get3A_376, %and3A_381 : vector<16xi32>
      %and3A_383 = arith.constant 15 : i32
      %and3A_384 = vector.broadcast %and3A_383 : i32 to vector<16xi32>
      %and3A_385 = arith.andi %sub3A_382, %and3A_384 : vector<16xi32>
      %shift_left3A = arith.constant 4 : i32
      %shift_left3A_386 = vector.broadcast %shift_left3A : i32 to vector<16xi32>
      %shift_left3A_387 = arith.shli %and3A_381, %shift_left3A_386 : vector<16xi32>
      %or3A = arith.ori %shift_left3A_387, %and3A_385 : vector<16xi32>
      tpu.vector_store_idx %arg9[%select_n3A], %broadcast_in_dim3A_12 {add = true} : memref<10016xf32, #tpu.memory_space<vmem>>[vector<16xi32>], vector<16xf32>,
      tpu.vector_store_idx %arg11[%or3A], %broadcast_in_dim3A_14 {add = true} : memref<256xi32, #tpu.memory_space<vmem>>[vector<16xi32>], vector<16xi32>,
    }
    %scan3A_19 = arith.constant 625 : i32
    %add3A_20 = arith.constant 0 : i32
    %add3A_21 = vector.broadcast %add3A_20 : i32 to vector<16xi32>
    %add3A_22 = arith.addi %add3A_21, %iota3A : vector<16xi32>
    %gather3A = tpu.vector_load_idx %arg11[%add3A_22] : memref<256xi32, #tpu.memory_space<vmem>>[vector<16xi32>], vector<16xi32>,
    %broadcast_in_dim3A_23 = arith.constant true
    %broadcast_in_dim3A_24 = vector.broadcast %broadcast_in_dim3A_23 : i1 to vector<16xi1>
    %masked_cumsum3A = tpu.scan <sum>, %gather3A masked %broadcast_in_dim3A_24 : vector<16xi32>, vector<16xi1> -> vector<16xi32>
    %sub3A = arith.subi %masked_cumsum3A, %gather3A : vector<16xi32>
    tpu.vector_store_idx %arg12[%add3A_22], %sub3A : memref<256xi32, #tpu.memory_space<vmem>>[vector<16xi32>], vector<16xi32>,
    %broadcast_in_dim3A_25 = arith.constant 0 : i32
    %broadcast_in_dim3A_26 = vector.broadcast %broadcast_in_dim3A_25 : i32 to vector<16xi32>
    %broadcast_in_dim3A_27 = arith.constant 1 : i32
    %broadcast_in_dim3A_28 = vector.broadcast %broadcast_in_dim3A_27 : i32 to vector<16xi32>
    %slice3A = vector.extract_strided_slice %masked_cumsum3A {offsets = [15], sizes = [1], strides = [1]} : vector<16xi32> to vector<1xi32>
    %squeeze3A = vector.extract %slice3A[0] : i32 from vector<1xi32>
    %mul3A_29 = vector.broadcast %squeeze3A : i32 to vector<16xi32>
    %mul3A_30 = arith.muli %broadcast_in_dim3A_28, %mul3A_29 : vector<16xi32>
    %lt3A = arith.constant 1 : i32
    %lt3A_31 = vector.broadcast %lt3A : i32 to vector<16xi32>
    %lt3A_32 = arith.cmpi slt, %iota3A, %lt3A_31 : vector<16xi32>
    tpu.vector_store_idx %arg13[%broadcast_in_dim3A_26], %mul3A_30 masked %lt3A_32 : memref<16xi32, #tpu.memory_space<vmem>>[vector<16xi32>], vector<16xi32>, vector<16xi1>
    %add3A_33 = arith.constant 16 : i32
    %add3A_34 = vector.broadcast %add3A_33 : i32 to vector<16xi32>
    %add3A_35 = arith.addi %add3A_34, %iota3A : vector<16xi32>
    %gather3A_36 = tpu.vector_load_idx %arg11[%add3A_35] : memref<256xi32, #tpu.memory_space<vmem>>[vector<16xi32>], vector<16xi32>,
    %broadcast_in_dim3A_37 = arith.constant true
    %broadcast_in_dim3A_38 = vector.broadcast %broadcast_in_dim3A_37 : i1 to vector<16xi1>
    %masked_cumsum3A_39 = tpu.scan <sum>, %gather3A_36 masked %broadcast_in_dim3A_38 : vector<16xi32>, vector<16xi1> -> vector<16xi32>
    %sub3A_40 = arith.subi %masked_cumsum3A_39, %gather3A_36 : vector<16xi32>
    tpu.vector_store_idx %arg12[%add3A_35], %sub3A_40 : memref<256xi32, #tpu.memory_space<vmem>>[vector<16xi32>], vector<16xi32>,
    %broadcast_in_dim3A_41 = arith.constant 1 : i32
    %broadcast_in_dim3A_42 = vector.broadcast %broadcast_in_dim3A_41 : i32 to vector<16xi32>
    %broadcast_in_dim3A_43 = arith.constant 1 : i32
    %broadcast_in_dim3A_44 = vector.broadcast %broadcast_in_dim3A_43 : i32 to vector<16xi32>
    %slice3A_45 = vector.extract_strided_slice %masked_cumsum3A_39 {offsets = [15], sizes = [1], strides = [1]} : vector<16xi32> to vector<1xi32>
    %squeeze3A_46 = vector.extract %slice3A_45[0] : i32 from vector<1xi32>
    %mul3A_47 = vector.broadcast %squeeze3A_46 : i32 to vector<16xi32>
    %mul3A_48 = arith.muli %broadcast_in_dim3A_44, %mul3A_47 : vector<16xi32>
    %lt3A_49 = arith.constant 1 : i32
    %lt3A_50 = vector.broadcast %lt3A_49 : i32 to vector<16xi32>
    %lt3A_51 = arith.cmpi slt, %iota3A, %lt3A_50 : vector<16xi32>
    tpu.vector_store_idx %arg13[%broadcast_in_dim3A_42], %mul3A_48 masked %lt3A_51 : memref<16xi32, #tpu.memory_space<vmem>>[vector<16xi32>], vector<16xi32>, vector<16xi1>
    %add3A_52 = arith.constant 32 : i32
    %add3A_53 = vector.broadcast %add3A_52 : i32 to vector<16xi32>
    %add3A_54 = arith.addi %add3A_53, %iota3A : vector<16xi32>
    %gather3A_55 = tpu.vector_load_idx %arg11[%add3A_54] : memref<256xi32, #tpu.memory_space<vmem>>[vector<16xi32>], vector<16xi32>,
    %broadcast_in_dim3A_56 = arith.constant true
    %broadcast_in_dim3A_57 = vector.broadcast %broadcast_in_dim3A_56 : i1 to vector<16xi1>
    %masked_cumsum3A_58 = tpu.scan <sum>, %gather3A_55 masked %broadcast_in_dim3A_57 : vector<16xi32>, vector<16xi1> -> vector<16xi32>
    %sub3A_59 = arith.subi %masked_cumsum3A_58, %gather3A_55 : vector<16xi32>
    tpu.vector_store_idx %arg12[%add3A_54], %sub3A_59 : memref<256xi32, #tpu.memory_space<vmem>>[vector<16xi32>], vector<16xi32>,
    %broadcast_in_dim3A_60 = arith.constant 2 : i32
    %broadcast_in_dim3A_61 = vector.broadcast %broadcast_in_dim3A_60 : i32 to vector<16xi32>
    %broadcast_in_dim3A_62 = arith.constant 1 : i32
    %broadcast_in_dim3A_63 = vector.broadcast %broadcast_in_dim3A_62 : i32 to vector<16xi32>
    %slice3A_64 = vector.extract_strided_slice %masked_cumsum3A_58 {offsets = [15], sizes = [1], strides = [1]} : vector<16xi32> to vector<1xi32>
    %squeeze3A_65 = vector.extract %slice3A_64[0] : i32 from vector<1xi32>
    %mul3A_66 = vector.broadcast %squeeze3A_65 : i32 to vector<16xi32>
    %mul3A_67 = arith.muli %broadcast_in_dim3A_63, %mul3A_66 : vector<16xi32>
    %lt3A_68 = arith.constant 1 : i32
    %lt3A_69 = vector.broadcast %lt3A_68 : i32 to vector<16xi32>
    %lt3A_70 = arith.cmpi slt, %iota3A, %lt3A_69 : vector<16xi32>
    tpu.vector_store_idx %arg13[%broadcast_in_dim3A_61], %mul3A_67 masked %lt3A_70 : memref<16xi32, #tpu.memory_space<vmem>>[vector<16xi32>], vector<16xi32>, vector<16xi1>
    %add3A_71 = arith.constant 48 : i32
    %add3A_72 = vector.broadcast %add3A_71 : i32 to vector<16xi32>
    %add3A_73 = arith.addi %add3A_72, %iota3A : vector<16xi32>
    %gather3A_74 = tpu.vector_load_idx %arg11[%add3A_73] : memref<256xi32, #tpu.memory_space<vmem>>[vector<16xi32>], vector<16xi32>,
    %broadcast_in_dim3A_75 = arith.constant true
    %broadcast_in_dim3A_76 = vector.broadcast %broadcast_in_dim3A_75 : i1 to vector<16xi1>
    %masked_cumsum3A_77 = tpu.scan <sum>, %gather3A_74 masked %broadcast_in_dim3A_76 : vector<16xi32>, vector<16xi1> -> vector<16xi32>
    %sub3A_78 = arith.subi %masked_cumsum3A_77, %gather3A_74 : vector<16xi32>
    tpu.vector_store_idx %arg12[%add3A_73], %sub3A_78 : memref<256xi32, #tpu.memory_space<vmem>>[vector<16xi32>], vector<16xi32>,
    %broadcast_in_dim3A_79 = arith.constant 3 : i32
    %broadcast_in_dim3A_80 = vector.broadcast %broadcast_in_dim3A_79 : i32 to vector<16xi32>
    %broadcast_in_dim3A_81 = arith.constant 1 : i32
    %broadcast_in_dim3A_82 = vector.broadcast %broadcast_in_dim3A_81 : i32 to vector<16xi32>
    %slice3A_83 = vector.extract_strided_slice %masked_cumsum3A_77 {offsets = [15], sizes = [1], strides = [1]} : vector<16xi32> to vector<1xi32>
    %squeeze3A_84 = vector.extract %slice3A_83[0] : i32 from vector<1xi32>
    %mul3A_85 = vector.broadcast %squeeze3A_84 : i32 to vector<16xi32>
    %mul3A_86 = arith.muli %broadcast_in_dim3A_82, %mul3A_85 : vector<16xi32>
    %lt3A_87 = arith.constant 1 : i32
    %lt3A_88 = vector.broadcast %lt3A_87 : i32 to vector<16xi32>
    %lt3A_89 = arith.cmpi slt, %iota3A, %lt3A_88 : vector<16xi32>
    tpu.vector_store_idx %arg13[%broadcast_in_dim3A_80], %mul3A_86 masked %lt3A_89 : memref<16xi32, #tpu.memory_space<vmem>>[vector<16xi32>], vector<16xi32>, vector<16xi1>
    %add3A_90 = arith.constant 64 : i32
    %add3A_91 = vector.broadcast %add3A_90 : i32 to vector<16xi32>
    %add3A_92 = arith.addi %add3A_91, %iota3A : vector<16xi32>
    %gather3A_93 = tpu.vector_load_idx %arg11[%add3A_92] : memref<256xi32, #tpu.memory_space<vmem>>[vector<16xi32>], vector<16xi32>,
    %broadcast_in_dim3A_94 = arith.constant true
    %broadcast_in_dim3A_95 = vector.broadcast %broadcast_in_dim3A_94 : i1 to vector<16xi1>
    %masked_cumsum3A_96 = tpu.scan <sum>, %gather3A_93 masked %broadcast_in_dim3A_95 : vector<16xi32>, vector<16xi1> -> vector<16xi32>
    %sub3A_97 = arith.subi %masked_cumsum3A_96, %gather3A_93 : vector<16xi32>
    tpu.vector_store_idx %arg12[%add3A_92], %sub3A_97 : memref<256xi32, #tpu.memory_space<vmem>>[vector<16xi32>], vector<16xi32>,
    %broadcast_in_dim3A_98 = arith.constant 4 : i32
    %broadcast_in_dim3A_99 = vector.broadcast %broadcast_in_dim3A_98 : i32 to vector<16xi32>
    %broadcast_in_dim3A_100 = arith.constant 1 : i32
    %broadcast_in_dim3A_101 = vector.broadcast %broadcast_in_dim3A_100 : i32 to vector<16xi32>
    %slice3A_102 = vector.extract_strided_slice %masked_cumsum3A_96 {offsets = [15], sizes = [1], strides = [1]} : vector<16xi32> to vector<1xi32>
    %squeeze3A_103 = vector.extract %slice3A_102[0] : i32 from vector<1xi32>
    %mul3A_104 = vector.broadcast %squeeze3A_103 : i32 to vector<16xi32>
    %mul3A_105 = arith.muli %broadcast_in_dim3A_101, %mul3A_104 : vector<16xi32>
    %lt3A_106 = arith.constant 1 : i32
    %lt3A_107 = vector.broadcast %lt3A_106 : i32 to vector<16xi32>
    %lt3A_108 = arith.cmpi slt, %iota3A, %lt3A_107 : vector<16xi32>
    tpu.vector_store_idx %arg13[%broadcast_in_dim3A_99], %mul3A_105 masked %lt3A_108 : memref<16xi32, #tpu.memory_space<vmem>>[vector<16xi32>], vector<16xi32>, vector<16xi1>
    %add3A_109 = arith.constant 80 : i32
    %add3A_110 = vector.broadcast %add3A_109 : i32 to vector<16xi32>
    %add3A_111 = arith.addi %add3A_110, %iota3A : vector<16xi32>
    %gather3A_112 = tpu.vector_load_idx %arg11[%add3A_111] : memref<256xi32, #tpu.memory_space<vmem>>[vector<16xi32>], vector<16xi32>,
    %broadcast_in_dim3A_113 = arith.constant true
    %broadcast_in_dim3A_114 = vector.broadcast %broadcast_in_dim3A_113 : i1 to vector<16xi1>
    %masked_cumsum3A_115 = tpu.scan <sum>, %gather3A_112 masked %broadcast_in_dim3A_114 : vector<16xi32>, vector<16xi1> -> vector<16xi32>
    %sub3A_116 = arith.subi %masked_cumsum3A_115, %gather3A_112 : vector<16xi32>
    tpu.vector_store_idx %arg12[%add3A_111], %sub3A_116 : memref<256xi32, #tpu.memory_space<vmem>>[vector<16xi32>], vector<16xi32>,
    %broadcast_in_dim3A_117 = arith.constant 5 : i32
    %broadcast_in_dim3A_118 = vector.broadcast %broadcast_in_dim3A_117 : i32 to vector<16xi32>
    %broadcast_in_dim3A_119 = arith.constant 1 : i32
    %broadcast_in_dim3A_120 = vector.broadcast %broadcast_in_dim3A_119 : i32 to vector<16xi32>
    %slice3A_121 = vector.extract_strided_slice %masked_cumsum3A_115 {offsets = [15], sizes = [1], strides = [1]} : vector<16xi32> to vector<1xi32>
    %squeeze3A_122 = vector.extract %slice3A_121[0] : i32 from vector<1xi32>
    %mul3A_123 = vector.broadcast %squeeze3A_122 : i32 to vector<16xi32>
    %mul3A_124 = arith.muli %broadcast_in_dim3A_120, %mul3A_123 : vector<16xi32>
    %lt3A_125 = arith.constant 1 : i32
    %lt3A_126 = vector.broadcast %lt3A_125 : i32 to vector<16xi32>
    %lt3A_127 = arith.cmpi slt, %iota3A, %lt3A_126 : vector<16xi32>
    tpu.vector_store_idx %arg13[%broadcast_in_dim3A_118], %mul3A_124 masked %lt3A_127 : memref<16xi32, #tpu.memory_space<vmem>>[vector<16xi32>], vector<16xi32>, vector<16xi1>
    %add3A_128 = arith.constant 96 : i32
    %add3A_129 = vector.broadcast %add3A_128 : i32 to vector<16xi32>
    %add3A_130 = arith.addi %add3A_129, %iota3A : vector<16xi32>
    %gather3A_131 = tpu.vector_load_idx %arg11[%add3A_130] : memref<256xi32, #tpu.memory_space<vmem>>[vector<16xi32>], vector<16xi32>,
    %broadcast_in_dim3A_132 = arith.constant true
    %broadcast_in_dim3A_133 = vector.broadcast %broadcast_in_dim3A_132 : i1 to vector<16xi1>
    %masked_cumsum3A_134 = tpu.scan <sum>, %gather3A_131 masked %broadcast_in_dim3A_133 : vector<16xi32>, vector<16xi1> -> vector<16xi32>
    %sub3A_135 = arith.subi %masked_cumsum3A_134, %gather3A_131 : vector<16xi32>
    tpu.vector_store_idx %arg12[%add3A_130], %sub3A_135 : memref<256xi32, #tpu.memory_space<vmem>>[vector<16xi32>], vector<16xi32>,
    %broadcast_in_dim3A_136 = arith.constant 6 : i32
    %broadcast_in_dim3A_137 = vector.broadcast %broadcast_in_dim3A_136 : i32 to vector<16xi32>
    %broadcast_in_dim3A_138 = arith.constant 1 : i32
    %broadcast_in_dim3A_139 = vector.broadcast %broadcast_in_dim3A_138 : i32 to vector<16xi32>
    %slice3A_140 = vector.extract_strided_slice %masked_cumsum3A_134 {offsets = [15], sizes = [1], strides = [1]} : vector<16xi32> to vector<1xi32>
    %squeeze3A_141 = vector.extract %slice3A_140[0] : i32 from vector<1xi32>
    %mul3A_142 = vector.broadcast %squeeze3A_141 : i32 to vector<16xi32>
    %mul3A_143 = arith.muli %broadcast_in_dim3A_139, %mul3A_142 : vector<16xi32>
    %lt3A_144 = arith.constant 1 : i32
    %lt3A_145 = vector.broadcast %lt3A_144 : i32 to vector<16xi32>
    %lt3A_146 = arith.cmpi slt, %iota3A, %lt3A_145 : vector<16xi32>
    tpu.vector_store_idx %arg13[%broadcast_in_dim3A_137], %mul3A_143 masked %lt3A_146 : memref<16xi32, #tpu.memory_space<vmem>>[vector<16xi32>], vector<16xi32>, vector<16xi1>
    %add3A_147 = arith.constant 112 : i32
    %add3A_148 = vector.broadcast %add3A_147 : i32 to vector<16xi32>
    %add3A_149 = arith.addi %add3A_148, %iota3A : vector<16xi32>
    %gather3A_150 = tpu.vector_load_idx %arg11[%add3A_149] : memref<256xi32, #tpu.memory_space<vmem>>[vector<16xi32>], vector<16xi32>,
    %broadcast_in_dim3A_151 = arith.constant true
    %broadcast_in_dim3A_152 = vector.broadcast %broadcast_in_dim3A_151 : i1 to vector<16xi1>
    %masked_cumsum3A_153 = tpu.scan <sum>, %gather3A_150 masked %broadcast_in_dim3A_152 : vector<16xi32>, vector<16xi1> -> vector<16xi32>
    %sub3A_154 = arith.subi %masked_cumsum3A_153, %gather3A_150 : vector<16xi32>
    tpu.vector_store_idx %arg12[%add3A_149], %sub3A_154 : memref<256xi32, #tpu.memory_space<vmem>>[vector<16xi32>], vector<16xi32>,
    %broadcast_in_dim3A_155 = arith.constant 7 : i32
    %broadcast_in_dim3A_156 = vector.broadcast %broadcast_in_dim3A_155 : i32 to vector<16xi32>
    %broadcast_in_dim3A_157 = arith.constant 1 : i32
    %broadcast_in_dim3A_158 = vector.broadcast %broadcast_in_dim3A_157 : i32 to vector<16xi32>
    %slice3A_159 = vector.extract_strided_slice %masked_cumsum3A_153 {offsets = [15], sizes = [1], strides = [1]} : vector<16xi32> to vector<1xi32>
    %squeeze3A_160 = vector.extract %slice3A_159[0] : i32 from vector<1xi32>
    %mul3A_161 = vector.broadcast %squeeze3A_160 : i32 to vector<16xi32>
    %mul3A_162 = arith.muli %broadcast_in_dim3A_158, %mul3A_161 : vector<16xi32>
    %lt3A_163 = arith.constant 1 : i32
    %lt3A_164 = vector.broadcast %lt3A_163 : i32 to vector<16xi32>
    %lt3A_165 = arith.cmpi slt, %iota3A, %lt3A_164 : vector<16xi32>
    tpu.vector_store_idx %arg13[%broadcast_in_dim3A_156], %mul3A_162 masked %lt3A_165 : memref<16xi32, #tpu.memory_space<vmem>>[vector<16xi32>], vector<16xi32>, vector<16xi1>
    %add3A_166 = arith.constant 128 : i32
    %add3A_167 = vector.broadcast %add3A_166 : i32 to vector<16xi32>
    %add3A_168 = arith.addi %add3A_167, %iota3A : vector<16xi32>
    %gather3A_169 = tpu.vector_load_idx %arg11[%add3A_168] : memref<256xi32, #tpu.memory_space<vmem>>[vector<16xi32>], vector<16xi32>,
    %broadcast_in_dim3A_170 = arith.constant true
    %broadcast_in_dim3A_171 = vector.broadcast %broadcast_in_dim3A_170 : i1 to vector<16xi1>
    %masked_cumsum3A_172 = tpu.scan <sum>, %gather3A_169 masked %broadcast_in_dim3A_171 : vector<16xi32>, vector<16xi1> -> vector<16xi32>
    %sub3A_173 = arith.subi %masked_cumsum3A_172, %gather3A_169 : vector<16xi32>
    tpu.vector_store_idx %arg12[%add3A_168], %sub3A_173 : memref<256xi32, #tpu.memory_space<vmem>>[vector<16xi32>], vector<16xi32>,
    %broadcast_in_dim3A_174 = arith.constant 8 : i32
    %broadcast_in_dim3A_175 = vector.broadcast %broadcast_in_dim3A_174 : i32 to vector<16xi32>
    %broadcast_in_dim3A_176 = arith.constant 1 : i32
    %broadcast_in_dim3A_177 = vector.broadcast %broadcast_in_dim3A_176 : i32 to vector<16xi32>
    %slice3A_178 = vector.extract_strided_slice %masked_cumsum3A_172 {offsets = [15], sizes = [1], strides = [1]} : vector<16xi32> to vector<1xi32>
    %squeeze3A_179 = vector.extract %slice3A_178[0] : i32 from vector<1xi32>
    %mul3A_180 = vector.broadcast %squeeze3A_179 : i32 to vector<16xi32>
    %mul3A_181 = arith.muli %broadcast_in_dim3A_177, %mul3A_180 : vector<16xi32>
    %lt3A_182 = arith.constant 1 : i32
    %lt3A_183 = vector.broadcast %lt3A_182 : i32 to vector<16xi32>
    %lt3A_184 = arith.cmpi slt, %iota3A, %lt3A_183 : vector<16xi32>
    tpu.vector_store_idx %arg13[%broadcast_in_dim3A_175], %mul3A_181 masked %lt3A_184 : memref<16xi32, #tpu.memory_space<vmem>>[vector<16xi32>], vector<16xi32>, vector<16xi1>
    %add3A_185 = arith.constant 144 : i32
    %add3A_186 = vector.broadcast %add3A_185 : i32 to vector<16xi32>
    %add3A_187 = arith.addi %add3A_186, %iota3A : vector<16xi32>
    %gather3A_188 = tpu.vector_load_idx %arg11[%add3A_187] : memref<256xi32, #tpu.memory_space<vmem>>[vector<16xi32>], vector<16xi32>,
    %broadcast_in_dim3A_189 = arith.constant true
    %broadcast_in_dim3A_190 = vector.broadcast %broadcast_in_dim3A_189 : i1 to vector<16xi1>
    %masked_cumsum3A_191 = tpu.scan <sum>, %gather3A_188 masked %broadcast_in_dim3A_190 : vector<16xi32>, vector<16xi1> -> vector<16xi32>
    %sub3A_192 = arith.subi %masked_cumsum3A_191, %gather3A_188 : vector<16xi32>
    tpu.vector_store_idx %arg12[%add3A_187], %sub3A_192 : memref<256xi32, #tpu.memory_space<vmem>>[vector<16xi32>], vector<16xi32>,
    %broadcast_in_dim3A_193 = arith.constant 9 : i32
    %broadcast_in_dim3A_194 = vector.broadcast %broadcast_in_dim3A_193 : i32 to vector<16xi32>
    %broadcast_in_dim3A_195 = arith.constant 1 : i32
    %broadcast_in_dim3A_196 = vector.broadcast %broadcast_in_dim3A_195 : i32 to vector<16xi32>
    %slice3A_197 = vector.extract_strided_slice %masked_cumsum3A_191 {offsets = [15], sizes = [1], strides = [1]} : vector<16xi32> to vector<1xi32>
    %squeeze3A_198 = vector.extract %slice3A_197[0] : i32 from vector<1xi32>
    %mul3A_199 = vector.broadcast %squeeze3A_198 : i32 to vector<16xi32>
    %mul3A_200 = arith.muli %broadcast_in_dim3A_196, %mul3A_199 : vector<16xi32>
    %lt3A_201 = arith.constant 1 : i32
    %lt3A_202 = vector.broadcast %lt3A_201 : i32 to vector<16xi32>
    %lt3A_203 = arith.cmpi slt, %iota3A, %lt3A_202 : vector<16xi32>
    tpu.vector_store_idx %arg13[%broadcast_in_dim3A_194], %mul3A_200 masked %lt3A_203 : memref<16xi32, #tpu.memory_space<vmem>>[vector<16xi32>], vector<16xi32>, vector<16xi1>
    %add3A_204 = arith.constant 160 : i32
    %add3A_205 = vector.broadcast %add3A_204 : i32 to vector<16xi32>
    %add3A_206 = arith.addi %add3A_205, %iota3A : vector<16xi32>
    %gather3A_207 = tpu.vector_load_idx %arg11[%add3A_206] : memref<256xi32, #tpu.memory_space<vmem>>[vector<16xi32>], vector<16xi32>,
    %broadcast_in_dim3A_208 = arith.constant true
    %broadcast_in_dim3A_209 = vector.broadcast %broadcast_in_dim3A_208 : i1 to vector<16xi1>
    %masked_cumsum3A_210 = tpu.scan <sum>, %gather3A_207 masked %broadcast_in_dim3A_209 : vector<16xi32>, vector<16xi1> -> vector<16xi32>
    %sub3A_211 = arith.subi %masked_cumsum3A_210, %gather3A_207 : vector<16xi32>
    tpu.vector_store_idx %arg12[%add3A_206], %sub3A_211 : memref<256xi32, #tpu.memory_space<vmem>>[vector<16xi32>], vector<16xi32>,
    %broadcast_in_dim3A_212 = arith.constant 10 : i32
    %broadcast_in_dim3A_213 = vector.broadcast %broadcast_in_dim3A_212 : i32 to vector<16xi32>
    %broadcast_in_dim3A_214 = arith.constant 1 : i32
    %broadcast_in_dim3A_215 = vector.broadcast %broadcast_in_dim3A_214 : i32 to vector<16xi32>
    %slice3A_216 = vector.extract_strided_slice %masked_cumsum3A_210 {offsets = [15], sizes = [1], strides = [1]} : vector<16xi32> to vector<1xi32>
    %squeeze3A_217 = vector.extract %slice3A_216[0] : i32 from vector<1xi32>
    %mul3A_218 = vector.broadcast %squeeze3A_217 : i32 to vector<16xi32>
    %mul3A_219 = arith.muli %broadcast_in_dim3A_215, %mul3A_218 : vector<16xi32>
    %lt3A_220 = arith.constant 1 : i32
    %lt3A_221 = vector.broadcast %lt3A_220 : i32 to vector<16xi32>
    %lt3A_222 = arith.cmpi slt, %iota3A, %lt3A_221 : vector<16xi32>
    tpu.vector_store_idx %arg13[%broadcast_in_dim3A_213], %mul3A_219 masked %lt3A_222 : memref<16xi32, #tpu.memory_space<vmem>>[vector<16xi32>], vector<16xi32>, vector<16xi1>
    %add3A_223 = arith.constant 176 : i32
    %add3A_224 = vector.broadcast %add3A_223 : i32 to vector<16xi32>
    %add3A_225 = arith.addi %add3A_224, %iota3A : vector<16xi32>
    %gather3A_226 = tpu.vector_load_idx %arg11[%add3A_225] : memref<256xi32, #tpu.memory_space<vmem>>[vector<16xi32>], vector<16xi32>,
    %broadcast_in_dim3A_227 = arith.constant true
    %broadcast_in_dim3A_228 = vector.broadcast %broadcast_in_dim3A_227 : i1 to vector<16xi1>
    %masked_cumsum3A_229 = tpu.scan <sum>, %gather3A_226 masked %broadcast_in_dim3A_228 : vector<16xi32>, vector<16xi1> -> vector<16xi32>
    %sub3A_230 = arith.subi %masked_cumsum3A_229, %gather3A_226 : vector<16xi32>
    tpu.vector_store_idx %arg12[%add3A_225], %sub3A_230 : memref<256xi32, #tpu.memory_space<vmem>>[vector<16xi32>], vector<16xi32>,
    %broadcast_in_dim3A_231 = arith.constant 11 : i32
    %broadcast_in_dim3A_232 = vector.broadcast %broadcast_in_dim3A_231 : i32 to vector<16xi32>
    %broadcast_in_dim3A_233 = arith.constant 1 : i32
    %broadcast_in_dim3A_234 = vector.broadcast %broadcast_in_dim3A_233 : i32 to vector<16xi32>
    %slice3A_235 = vector.extract_strided_slice %masked_cumsum3A_229 {offsets = [15], sizes = [1], strides = [1]} : vector<16xi32> to vector<1xi32>
    %squeeze3A_236 = vector.extract %slice3A_235[0] : i32 from vector<1xi32>
    %mul3A_237 = vector.broadcast %squeeze3A_236 : i32 to vector<16xi32>
    %mul3A_238 = arith.muli %broadcast_in_dim3A_234, %mul3A_237 : vector<16xi32>
    %lt3A_239 = arith.constant 1 : i32
    %lt3A_240 = vector.broadcast %lt3A_239 : i32 to vector<16xi32>
    %lt3A_241 = arith.cmpi slt, %iota3A, %lt3A_240 : vector<16xi32>
    tpu.vector_store_idx %arg13[%broadcast_in_dim3A_232], %mul3A_238 masked %lt3A_241 : memref<16xi32, #tpu.memory_space<vmem>>[vector<16xi32>], vector<16xi32>, vector<16xi1>
    %add3A_242 = arith.constant 192 : i32
    %add3A_243 = vector.broadcast %add3A_242 : i32 to vector<16xi32>
    %add3A_244 = arith.addi %add3A_243, %iota3A : vector<16xi32>
    %gather3A_245 = tpu.vector_load_idx %arg11[%add3A_244] : memref<256xi32, #tpu.memory_space<vmem>>[vector<16xi32>], vector<16xi32>,
    %broadcast_in_dim3A_246 = arith.constant true
    %broadcast_in_dim3A_247 = vector.broadcast %broadcast_in_dim3A_246 : i1 to vector<16xi1>
    %masked_cumsum3A_248 = tpu.scan <sum>, %gather3A_245 masked %broadcast_in_dim3A_247 : vector<16xi32>, vector<16xi1> -> vector<16xi32>
    %sub3A_249 = arith.subi %masked_cumsum3A_248, %gather3A_245 : vector<16xi32>
    tpu.vector_store_idx %arg12[%add3A_244], %sub3A_249 : memref<256xi32, #tpu.memory_space<vmem>>[vector<16xi32>], vector<16xi32>,
    %broadcast_in_dim3A_250 = arith.constant 12 : i32
    %broadcast_in_dim3A_251 = vector.broadcast %broadcast_in_dim3A_250 : i32 to vector<16xi32>
    %broadcast_in_dim3A_252 = arith.constant 1 : i32
    %broadcast_in_dim3A_253 = vector.broadcast %broadcast_in_dim3A_252 : i32 to vector<16xi32>
    %slice3A_254 = vector.extract_strided_slice %masked_cumsum3A_248 {offsets = [15], sizes = [1], strides = [1]} : vector<16xi32> to vector<1xi32>
    %squeeze3A_255 = vector.extract %slice3A_254[0] : i32 from vector<1xi32>
    %mul3A_256 = vector.broadcast %squeeze3A_255 : i32 to vector<16xi32>
    %mul3A_257 = arith.muli %broadcast_in_dim3A_253, %mul3A_256 : vector<16xi32>
    %lt3A_258 = arith.constant 1 : i32
    %lt3A_259 = vector.broadcast %lt3A_258 : i32 to vector<16xi32>
    %lt3A_260 = arith.cmpi slt, %iota3A, %lt3A_259 : vector<16xi32>
    tpu.vector_store_idx %arg13[%broadcast_in_dim3A_251], %mul3A_257 masked %lt3A_260 : memref<16xi32, #tpu.memory_space<vmem>>[vector<16xi32>], vector<16xi32>, vector<16xi1>
    %add3A_261 = arith.constant 208 : i32
    %add3A_262 = vector.broadcast %add3A_261 : i32 to vector<16xi32>
    %add3A_263 = arith.addi %add3A_262, %iota3A : vector<16xi32>
    %gather3A_264 = tpu.vector_load_idx %arg11[%add3A_263] : memref<256xi32, #tpu.memory_space<vmem>>[vector<16xi32>], vector<16xi32>,
    %broadcast_in_dim3A_265 = arith.constant true
    %broadcast_in_dim3A_266 = vector.broadcast %broadcast_in_dim3A_265 : i1 to vector<16xi1>
    %masked_cumsum3A_267 = tpu.scan <sum>, %gather3A_264 masked %broadcast_in_dim3A_266 : vector<16xi32>, vector<16xi1> -> vector<16xi32>
    %sub3A_268 = arith.subi %masked_cumsum3A_267, %gather3A_264 : vector<16xi32>
    tpu.vector_store_idx %arg12[%add3A_263], %sub3A_268 : memref<256xi32, #tpu.memory_space<vmem>>[vector<16xi32>], vector<16xi32>,
    %broadcast_in_dim3A_269 = arith.constant 13 : i32
    %broadcast_in_dim3A_270 = vector.broadcast %broadcast_in_dim3A_269 : i32 to vector<16xi32>
    %broadcast_in_dim3A_271 = arith.constant 1 : i32
    %broadcast_in_dim3A_272 = vector.broadcast %broadcast_in_dim3A_271 : i32 to vector<16xi32>
    %slice3A_273 = vector.extract_strided_slice %masked_cumsum3A_267 {offsets = [15], sizes = [1], strides = [1]} : vector<16xi32> to vector<1xi32>
    %squeeze3A_274 = vector.extract %slice3A_273[0] : i32 from vector<1xi32>
    %mul3A_275 = vector.broadcast %squeeze3A_274 : i32 to vector<16xi32>
    %mul3A_276 = arith.muli %broadcast_in_dim3A_272, %mul3A_275 : vector<16xi32>
    %lt3A_277 = arith.constant 1 : i32
    %lt3A_278 = vector.broadcast %lt3A_277 : i32 to vector<16xi32>
    %lt3A_279 = arith.cmpi slt, %iota3A, %lt3A_278 : vector<16xi32>
    tpu.vector_store_idx %arg13[%broadcast_in_dim3A_270], %mul3A_276 masked %lt3A_279 : memref<16xi32, #tpu.memory_space<vmem>>[vector<16xi32>], vector<16xi32>, vector<16xi1>
    %add3A_280 = arith.constant 224 : i32
    %add3A_281 = vector.broadcast %add3A_280 : i32 to vector<16xi32>
    %add3A_282 = arith.addi %add3A_281, %iota3A : vector<16xi32>
    %gather3A_283 = tpu.vector_load_idx %arg11[%add3A_282] : memref<256xi32, #tpu.memory_space<vmem>>[vector<16xi32>], vector<16xi32>,
    %broadcast_in_dim3A_284 = arith.constant true
    %broadcast_in_dim3A_285 = vector.broadcast %broadcast_in_dim3A_284 : i1 to vector<16xi1>
    %masked_cumsum3A_286 = tpu.scan <sum>, %gather3A_283 masked %broadcast_in_dim3A_285 : vector<16xi32>, vector<16xi1> -> vector<16xi32>
    %sub3A_287 = arith.subi %masked_cumsum3A_286, %gather3A_283 : vector<16xi32>
    tpu.vector_store_idx %arg12[%add3A_282], %sub3A_287 : memref<256xi32, #tpu.memory_space<vmem>>[vector<16xi32>], vector<16xi32>,
    %broadcast_in_dim3A_288 = arith.constant 14 : i32
    %broadcast_in_dim3A_289 = vector.broadcast %broadcast_in_dim3A_288 : i32 to vector<16xi32>
    %broadcast_in_dim3A_290 = arith.constant 1 : i32
    %broadcast_in_dim3A_291 = vector.broadcast %broadcast_in_dim3A_290 : i32 to vector<16xi32>
    %slice3A_292 = vector.extract_strided_slice %masked_cumsum3A_286 {offsets = [15], sizes = [1], strides = [1]} : vector<16xi32> to vector<1xi32>
    %squeeze3A_293 = vector.extract %slice3A_292[0] : i32 from vector<1xi32>
    %mul3A_294 = vector.broadcast %squeeze3A_293 : i32 to vector<16xi32>
    %mul3A_295 = arith.muli %broadcast_in_dim3A_291, %mul3A_294 : vector<16xi32>
    %lt3A_296 = arith.constant 1 : i32
    %lt3A_297 = vector.broadcast %lt3A_296 : i32 to vector<16xi32>
    %lt3A_298 = arith.cmpi slt, %iota3A, %lt3A_297 : vector<16xi32>
    tpu.vector_store_idx %arg13[%broadcast_in_dim3A_289], %mul3A_295 masked %lt3A_298 : memref<16xi32, #tpu.memory_space<vmem>>[vector<16xi32>], vector<16xi32>, vector<16xi1>
    %add3A_299 = arith.constant 240 : i32
    %add3A_300 = vector.broadcast %add3A_299 : i32 to vector<16xi32>
    %add3A_301 = arith.addi %add3A_300, %iota3A : vector<16xi32>
    %gather3A_302 = tpu.vector_load_idx %arg11[%add3A_301] : memref<256xi32, #tpu.memory_space<vmem>>[vector<16xi32>], vector<16xi32>,
    %broadcast_in_dim3A_303 = arith.constant true
    %broadcast_in_dim3A_304 = vector.broadcast %broadcast_in_dim3A_303 : i1 to vector<16xi1>
    %masked_cumsum3A_305 = tpu.scan <sum>, %gather3A_302 masked %broadcast_in_dim3A_304 : vector<16xi32>, vector<16xi1> -> vector<16xi32>
    %sub3A_306 = arith.subi %masked_cumsum3A_305, %gather3A_302 : vector<16xi32>
    tpu.vector_store_idx %arg12[%add3A_301], %sub3A_306 : memref<256xi32, #tpu.memory_space<vmem>>[vector<16xi32>], vector<16xi32>,
    %broadcast_in_dim3A_307 = arith.constant 15 : i32
    %broadcast_in_dim3A_308 = vector.broadcast %broadcast_in_dim3A_307 : i32 to vector<16xi32>
    %broadcast_in_dim3A_309 = arith.constant 1 : i32
    %broadcast_in_dim3A_310 = vector.broadcast %broadcast_in_dim3A_309 : i32 to vector<16xi32>
    %slice3A_311 = vector.extract_strided_slice %masked_cumsum3A_305 {offsets = [15], sizes = [1], strides = [1]} : vector<16xi32> to vector<1xi32>
    %squeeze3A_312 = vector.extract %slice3A_311[0] : i32 from vector<1xi32>
    %mul3A_313 = vector.broadcast %squeeze3A_312 : i32 to vector<16xi32>
    %mul3A_314 = arith.muli %broadcast_in_dim3A_310, %mul3A_313 : vector<16xi32>
    %lt3A_315 = arith.constant 1 : i32
    %lt3A_316 = vector.broadcast %lt3A_315 : i32 to vector<16xi32>
    %lt3A_317 = arith.cmpi slt, %iota3A, %lt3A_316 : vector<16xi32>
    tpu.vector_store_idx %arg13[%broadcast_in_dim3A_308], %mul3A_314 masked %lt3A_317 : memref<16xi32, #tpu.memory_space<vmem>>[vector<16xi32>], vector<16xi32>, vector<16xi1>
    %scan3A_318 = arith.constant 0 : i32
    %scan3A_319 = arith.constant 16 : i32
    %scan3A_320 = arith.addi %scan3A_318, %scan3A_319 : i32
    %scan3A_321 = arith.constant 1 : i32
    scf.for %scan3A_370 = %scan3A_318 to %scan3A_320 step %scan3A_321  : i32 {
      %mul3A_371 = arith.constant 16 : i32
      %mul3A_372 = arith.muli %scan3A_370, %mul3A_371 : i32
      %add3A_373 = arith.constant 0 : i32
      %add3A_374 = arith.addi %add3A_373, %mul3A_372 : i32
      %broadcast_in_dim3A_375 = arith.constant 0 : i32
      %broadcast_in_dim3A_376 = vector.broadcast %broadcast_in_dim3A_375 : i32 to vector<16xi32>
      %swap3A_377 = arith.index_cast %add3A_374 : i32 to index
      %swap3A_378 = tpu.vector_load %arg11[%swap3A_377] {strides = array<i32>} : memref<256xi32, #tpu.memory_space<vmem>>, vector<16xi32>,
      tpu.vector_store %arg11[%swap3A_377], %broadcast_in_dim3A_376 {strides = array<i32>} : memref<256xi32, #tpu.memory_space<vmem>>, vector<16xi32>,
    }
    %scan3A_322 = arith.constant 16 : i32
    %scan3A_323 = arith.constant 0 : i32
    %scan3A_324 = arith.constant 625 : i32
    %scan3A_325 = arith.addi %scan3A_323, %scan3A_324 : i32
    %scan3A_326 = arith.constant 1 : i32
    scf.for %scan3A_370 = %scan3A_323 to %scan3A_325 step %scan3A_326  : i32 {
      %mul3A_371 = arith.constant 16 : i32
      %mul3A_372 = arith.muli %scan3A_370, %mul3A_371 : i32
      %add3A_373 = arith.constant 0 : i32
      %add3A_374 = arith.addi %add3A_373, %mul3A_372 : i32
      %get3A_375 = arith.index_cast %add3A_374 : i32 to index
      %get3A_376 = tpu.vector_load %arg7[%get3A_375] {strides = array<i32>} : memref<10000xi32, #tpu.memory_space<vmem>>, vector<16xi32>,
      %get3A_377 = arith.index_cast %add3A_374 : i32 to index
      %get3A_378 = tpu.vector_load %arg8[%get3A_377] {strides = array<i32>} : memref<10000xi32, #tpu.memory_space<vmem>>, vector<16xi32>,
      %ne3A = arith.cmpi ne, %get3A_376, %get3A_378 : vector<16xi32>
      %jit3A = arith.constant 10000 : i32
      %broadcast_in_dim3A_379 = vector.broadcast %jit3A : i32 to vector<16xi32>
      %select_n3A = arith.select %ne3A, %get3A_378, %broadcast_in_dim3A_379 : vector<16xi1>, vector<16xi32>
      %and3A = arith.constant 15 : i32
      %and3A_380 = vector.broadcast %and3A : i32 to vector<16xi32>
      %and3A_381 = arith.andi %select_n3A, %and3A_380 : vector<16xi32>
      %sub3A_382 = arith.subi %get3A_376, %and3A_381 : vector<16xi32>
      %and3A_383 = arith.constant 15 : i32
      %and3A_384 = vector.broadcast %and3A_383 : i32 to vector<16xi32>
      %and3A_385 = arith.andi %sub3A_382, %and3A_384 : vector<16xi32>
      %shift_left3A = arith.constant 4 : i32
      %shift_left3A_386 = vector.broadcast %shift_left3A : i32 to vector<16xi32>
      %shift_left3A_387 = arith.shli %and3A_381, %shift_left3A_386 : vector<16xi32>
      %or3A = arith.ori %shift_left3A_387, %and3A_385 : vector<16xi32>
      %shift_left3A_388 = arith.constant 14 : i32
      %shift_left3A_389 = vector.broadcast %shift_left3A_388 : i32 to vector<16xi32>
      %shift_left3A_390 = arith.shli %get3A_376, %shift_left3A_389 : vector<16xi32>
      %or3A_391 = arith.ori %shift_left3A_390, %select_n3A : vector<16xi32>
      %masked_sort3A = arith.constant dense<true> : vector<16xi1>
      %masked_sort3A_392 = arith.constant -2147483648 : i32
      %masked_sort3A_393 = vector.broadcast %masked_sort3A_392 : i32 to vector<16xi32>
      %masked_sort3A_394 = arith.xori %or3A, %masked_sort3A_393 : vector<16xi32>
      %masked_sort3A_395, %masked_sort3A_396, %masked_sort3A_397 = tpu.sort %masked_sort3A_394, %or3A_391 masked %masked_sort3A : (vector<16xi32>, vector<16xi32>, vector<16xi1>) -> (vector<16xi1>, vector<16xi32>, vector<16xi32>)
      %masked_sort3A_398 = arith.xori %masked_sort3A_396, %masked_sort3A_393 : vector<16xi32>
      %sub3A_399 = arith.constant 1 : i32
      %sub3A_400 = vector.broadcast %sub3A_399 : i32 to vector<16xi32>
      %sub3A_401 = arith.subi %iota3A, %sub3A_400 : vector<16xi32>
      %max3A = arith.constant 0 : i32
      %max3A_402 = vector.broadcast %max3A : i32 to vector<16xi32>
      %max3A_403 = arith.maxsi %sub3A_401, %max3A_402 : vector<16xi32>
      %broadcast_in_dim3A_404 = vector.shape_cast %max3A_403 : vector<16xi32> to vector<16x1xi32>
      %gather3A_405 = vector.shape_cast %broadcast_in_dim3A_404 : vector<16x1xi32> to vector<16xi32>
      %gather3A_406 = tpu.dynamic_gather %masked_sort3A_398[%gather3A_405] in [0] : vector<16xi32>, vector<16xi32> -> vector<16xi32>
      %ne3A_407 = arith.cmpi ne, %masked_sort3A_398, %gather3A_406 : vector<16xi32>
      %jit3A_408 = arith.constant 0 : i32
      %broadcast_in_dim3A_409 = vector.broadcast %jit3A_408 : i32 to vector<16xi32>
      %select_n3A_410 = arith.select %ne3A_407, %iota3A, %broadcast_in_dim3A_409 : vector<16xi1>, vector<16xi32>
      %broadcast_in_dim3A_411 = arith.constant true
      %broadcast_in_dim3A_412 = vector.broadcast %broadcast_in_dim3A_411 : i1 to vector<16xi1>
      %masked_cummax3A = arith.constant -2147483648 : i32
      %masked_cummax3A_413 = vector.broadcast %masked_cummax3A : i32 to vector<16xi32>
      %masked_cummax3A_414 = arith.xori %select_n3A_410, %masked_cummax3A_413 : vector<16xi32>
      %masked_cummax3A_415 = tpu.scan <max>, %masked_cummax3A_414 masked %broadcast_in_dim3A_412 : vector<16xi32>, vector<16xi1> -> vector<16xi32>
      %masked_cummax3A_416 = arith.xori %masked_cummax3A_415, %masked_cummax3A_413 : vector<16xi32>
      %sub3A_417 = arith.subi %iota3A, %masked_cummax3A_416 : vector<16xi32>
      %gather3A_418 = tpu.vector_load_idx %arg12[%masked_sort3A_398] : memref<256xi32, #tpu.memory_space<vmem>>[vector<16xi32>], vector<16xi32>,
      %gather3A_419 = tpu.vector_load_idx %arg11[%masked_sort3A_398] : memref<256xi32, #tpu.memory_space<vmem>>[vector<16xi32>], vector<16xi32>,
      %add3A_420 = arith.addi %gather3A_418, %gather3A_419 : vector<16xi32>
      %add3A_421 = arith.addi %add3A_420, %sub3A_417 : vector<16xi32>
      %min3A_422 = arith.constant 790 : i32
      %min3A_423 = vector.broadcast %min3A_422 : i32 to vector<16xi32>
      %min3A_424 = arith.minsi %add3A_421, %min3A_423 : vector<16xi32>
      %shift_left3A_425 = arith.constant 4 : i32
      %shift_left3A_426 = vector.broadcast %shift_left3A_425 : i32 to vector<16xi32>
      %shift_left3A_427 = arith.shli %min3A_424, %shift_left3A_426 : vector<16xi32>
      %shift_right_arithmetic3A = arith.constant 4 : i32
      %shift_right_arithmetic3A_428 = vector.broadcast %shift_right_arithmetic3A : i32 to vector<16xi32>
      %shift_right_arithmetic3A_429 = arith.shrsi %masked_sort3A_398, %shift_right_arithmetic3A_428 : vector<16xi32>
      %or3A_430 = arith.ori %shift_left3A_427, %shift_right_arithmetic3A_429 : vector<16xi32>
      tpu.vector_store_idx %arg10[%or3A_430], %masked_sort3A_397 : memref<12672xi32, #tpu.memory_space<vmem>>[vector<16xi32>], vector<16xi32>,
      tpu.vector_store_idx %arg11[%masked_sort3A_398], %broadcast_in_dim3A_14 {add = true} : memref<256xi32, #tpu.memory_space<vmem>>[vector<16xi32>], vector<16xi32>,
    }
    %scan3A_327 = arith.constant 625 : i32
    %get3A = arith.constant 0 : index
    %get3A_328 = tpu.vector_load %arg13[%get3A] {strides = array<i32>} : memref<16xi32, #tpu.memory_space<vmem>>, vector<16xi32>,
    %reduce_max3A = arith.constant true
    %reduce_max3A_329 = vector.broadcast %reduce_max3A : i1 to vector<16xi1>
    %reduce_max3A_330 = arith.constant -2147483648 : i32
    %reduce_max3A_331 = vector.broadcast %reduce_max3A_330 : i32 to vector<16xi32>
    %reduce_max3A_332 = arith.xori %get3A_328, %reduce_max3A_331 : vector<16xi32>
    %reduce_max3A_333 = tpu.scan <max>, %reduce_max3A_332 masked %reduce_max3A_329 : vector<16xi32>, vector<16xi1> -> vector<16xi32>
    %reduce_max3A_334 = arith.xori %reduce_max3A_333, %reduce_max3A_331 : vector<16xi32>
    %reduce_max3A_335 = vector.extract %reduce_max3A_334[15] : i32 from vector<16xi32>
    %min3A = arith.constant 784 : i32
    %min3A_336 = arith.minsi %reduce_max3A_335, %min3A : i32
    %add3A_337 = arith.constant 10000 : i32
    %add3A_338 = vector.broadcast %add3A_337 : i32 to vector<16xi32>
    %add3A_339 = arith.addi %add3A_338, %iota3A : vector<16xi32>
    %reduce_min3A = arith.constant true
    %reduce_min3A_340 = vector.broadcast %reduce_min3A : i1 to vector<16xi1>
    %reduce_min3A_341 = arith.constant -2147483648 : i32
    %reduce_min3A_342 = vector.broadcast %reduce_min3A_341 : i32 to vector<16xi32>
    %reduce_min3A_343 = arith.xori %get3A_328, %reduce_min3A_342 : vector<16xi32>
    %reduce_min3A_344 = tpu.scan <min>, %reduce_min3A_343 masked %reduce_min3A_340 : vector<16xi32>, vector<16xi1> -> vector<16xi32>
    %reduce_min3A_345 = arith.xori %reduce_min3A_344, %reduce_min3A_342 : vector<16xi32>
    %reduce_min3A_346 = vector.extract %reduce_min3A_345[15] : i32 from vector<16xi32>
    %sub3A_347 = arith.subi %min3A_336, %reduce_min3A_346 : i32
    %sub3A_348 = arith.constant 1 : i32
    %sub3A_349 = arith.constant 1 : i32
    %sub3A_350 = arith.subi %sub3A_348, %sub3A_349 : i32
    %add3A_351 = arith.addi %sub3A_347, %sub3A_350 : i32
    %div3A = arith.constant 1 : i32
    %div3A_352 = arith.divsi %add3A_351, %div3A : i32
    %while3A = arith.constant 1 : i32
    %while3A_353 = arith.constant 0 : i32
    %while3A_354 = arith.subi %div3A_352, %while3A_353 : i32
    %while3A_355 = arith.addi %while3A_353, %while3A_354 : i32
    %while3A_356 = arith.constant 1 : i32
    %while3A_357 = arith.divsi %while3A_354, %while3A_356 : i32
    %while3A_358 = arith.muli %while3A_357, %while3A_356 : i32
    %while3A_359 = arith.addi %while3A_353, %while3A_358 : i32
    %while3A_360 = arith.constant 1 : i32
    scf.for %while3A_370 = %while3A_353 to %while3A_359 step %while3A_360  : i32 {
      %mul3A_371 = arith.muli %while3A_370, %while3A : i32
      %add3A_372 = arith.addi %reduce_min3A_346, %mul3A_371 : i32
      %shift_left3A = arith.constant 4 : i32
      %shift_left3A_373 = arith.shli %add3A_372, %shift_left3A : i32
      %or3A = vector.broadcast %shift_left3A_373 : i32 to vector<16xi32>
      %or3A_374 = arith.ori %or3A, %iota3A : vector<16xi32>
      %le3A = vector.broadcast %add3A_372 : i32 to vector<16xi32>
      %le3A_375 = arith.cmpi sle, %get3A_328, %le3A : vector<16xi32>
      tpu.vector_store_idx %arg10[%or3A_374], %add3A_339 masked %le3A_375 : memref<12672xi32, #tpu.memory_space<vmem>>[vector<16xi32>], vector<16xi32>, vector<16xi1>
    }
    %while3A_361 = arith.constant 1 : i32
    scf.for %while3A_370 = %while3A_359 to %while3A_355 step %while3A_361  : i32 {
      %mul3A_371 = arith.muli %while3A_370, %while3A : i32
      %add3A_372 = arith.addi %reduce_min3A_346, %mul3A_371 : i32
      %shift_left3A = arith.constant 4 : i32
      %shift_left3A_373 = arith.shli %add3A_372, %shift_left3A : i32
      %or3A = vector.broadcast %shift_left3A_373 : i32 to vector<16xi32>
      %or3A_374 = arith.ori %or3A, %iota3A : vector<16xi32>
      %le3A = vector.broadcast %add3A_372 : i32 to vector<16xi32>
      %le3A_375 = arith.cmpi sle, %get3A_328, %le3A : vector<16xi32>
      tpu.vector_store_idx %arg10[%or3A_374], %add3A_339 masked %le3A_375 : memref<12672xi32, #tpu.memory_space<vmem>>[vector<16xi32>], vector<16xi32>, vector<16xi1>
    }
    %broadcast_in_dim3A_362 = vector.broadcast %min3A_336 : i32 to vector<16xi32>
    %swap3A = arith.constant 0 : index
    %swap3A_363 = tpu.vector_load %arg14[%swap3A] {strides = array<i32>} : memref<16xi32, #tpu.memory_space<vmem>>, vector<16xi32>,
    tpu.vector_store %arg14[%swap3A], %broadcast_in_dim3A_362 {strides = array<i32>} : memref<16xi32, #tpu.memory_space<vmem>>, vector<16xi32>,
    %mul3A_364 = arith.constant 12544 : i32
    %mul3A_365 = arith.muli %add3A, %mul3A_364 : i32
    "tpu.region"() ({
      %run_scoped3A = tpu.sem_alloc : memref<!tpu.dma_semaphore, #tpu.memory_space<semaphore_mem>>
      %dma_start3A = arith.constant 0 : i32
      %dma_start3A_370 = tpu.memref_slice %arg10[%dma_start3A] : memref<12672xi32, #tpu.memory_space<vmem>> -> memref<12544xi32, #tpu.memory_space<vmem>>
      %dma_start3A_371 = tpu.memref_slice %arg4[%mul3A_365] : memref<401408xi32, #tpu.memory_space<hbm>> -> memref<12544xi32, #tpu.memory_space<hbm>>
      %dma_start3A_372 = tpu.memref_slice %arg4[%mul3A_365] : memref<401408xi32, #tpu.memory_space<hbm>> -> memref<12544xi32, #tpu.memory_space<hbm>>
      %dma_start3A_373 = arith.constant 0 : i32
      %dma_start3A_374 = tpu.memref_slice %arg10[%dma_start3A_373] : memref<12672xi32, #tpu.memory_space<vmem>> -> memref<12544xi32, #tpu.memory_space<vmem>>
      tpu.enqueue_dma source(%dma_start3A_374 : memref<12544xi32, #tpu.memory_space<vmem>>) target(%dma_start3A_372 : memref<12544xi32, #tpu.memory_space<hbm>>) target_semaphore(%run_scoped3A : memref<!tpu.dma_semaphore, #tpu.memory_space<semaphore_mem>>)
      %dma_wait3A = arith.constant 0 : i32
      %dma_wait3A_375 = tpu.memref_slice %arg10[%dma_wait3A] : memref<12672xi32, #tpu.memory_space<vmem>> -> memref<12544xi32, #tpu.memory_space<vmem>>
      %dma_wait3A_376 = tpu.memref_slice %arg4[%mul3A_365] : memref<401408xi32, #tpu.memory_space<hbm>> -> memref<12544xi32, #tpu.memory_space<hbm>>
      %dma_wait3A_377 = tpu.memref_slice %arg4[%mul3A_365] : memref<401408xi32, #tpu.memory_space<hbm>> -> memref<12544xi32, #tpu.memory_space<hbm>>
      %dma_wait3A_378 = arith.constant 0 : i32
      %dma_wait3A_379 = tpu.memref_slice %arg10[%dma_wait3A_378] : memref<12672xi32, #tpu.memory_space<vmem>> -> memref<12544xi32, #tpu.memory_space<vmem>>
      tpu.wait_dma2 semaphore(%run_scoped3A : memref<!tpu.dma_semaphore, #tpu.memory_space<semaphore_mem>>) src(%dma_wait3A_379 : memref<12544xi32, #tpu.memory_space<vmem>>) dst(%dma_wait3A_377 : memref<12544xi32, #tpu.memory_space<hbm>>)
      tpu.yield
    }) : () -> ()
    %mul3A_366 = arith.constant 16 : i32
    %mul3A_367 = arith.muli %add3A, %mul3A_366 : i32
    "tpu.region"() ({
      %run_scoped3A = tpu.sem_alloc : memref<!tpu.dma_semaphore, #tpu.memory_space<semaphore_mem>>
      %dma_start3A = tpu.memref_slice %arg5[%mul3A_367] : memref<512xi32, #tpu.memory_space<hbm>> -> memref<16xi32, #tpu.memory_space<hbm>>
      %dma_start3A_370 = tpu.memref_slice %arg5[%mul3A_367] : memref<512xi32, #tpu.memory_space<hbm>> -> memref<16xi32, #tpu.memory_space<hbm>>
      tpu.enqueue_dma source(%arg14 : memref<16xi32, #tpu.memory_space<vmem>>) target(%dma_start3A_370 : memref<16xi32, #tpu.memory_space<hbm>>) target_semaphore(%run_scoped3A : memref<!tpu.dma_semaphore, #tpu.memory_space<semaphore_mem>>)
      %dma_wait3A = tpu.memref_slice %arg5[%mul3A_367] : memref<512xi32, #tpu.memory_space<hbm>> -> memref<16xi32, #tpu.memory_space<hbm>>
      %dma_wait3A_371 = tpu.memref_slice %arg5[%mul3A_367] : memref<512xi32, #tpu.memory_space<hbm>> -> memref<16xi32, #tpu.memory_space<hbm>>
      tpu.wait_dma2 semaphore(%run_scoped3A : memref<!tpu.dma_semaphore, #tpu.memory_space<semaphore_mem>>) src(%arg14 : memref<16xi32, #tpu.memory_space<vmem>>) dst(%dma_wait3A_371 : memref<16xi32, #tpu.memory_space<hbm>>)
      tpu.yield
    }) : () -> ()
    %mul3A_368 = arith.constant 10016 : i32
    %mul3A_369 = arith.muli %add3A, %mul3A_368 : i32
    "tpu.region"() ({
      %run_scoped3A = tpu.sem_alloc : memref<!tpu.dma_semaphore, #tpu.memory_space<semaphore_mem>>
      %dma_start3A = tpu.memref_slice %arg6[%mul3A_369] : memref<320512xf32, #tpu.memory_space<hbm>> -> memref<10016xf32, #tpu.memory_space<hbm>>
      %dma_start3A_370 = tpu.memref_slice %arg6[%mul3A_369] : memref<320512xf32, #tpu.memory_space<hbm>> -> memref<10016xf32, #tpu.memory_space<hbm>>
      tpu.enqueue_dma source(%arg9 : memref<10016xf32, #tpu.memory_space<vmem>>) target(%dma_start3A_370 : memref<10016xf32, #tpu.memory_space<hbm>>) target_semaphore(%run_scoped3A : memref<!tpu.dma_semaphore, #tpu.memory_space<semaphore_mem>>)
      %dma_wait3A = tpu.memref_slice %arg6[%mul3A_369] : memref<320512xf32, #tpu.memory_space<hbm>> -> memref<10016xf32, #tpu.memory_space<hbm>>
      %dma_wait3A_371 = tpu.memref_slice %arg6[%mul3A_369] : memref<320512xf32, #tpu.memory_space<hbm>> -> memref<10016xf32, #tpu.memory_space<hbm>>
      tpu.wait_dma2 semaphore(%run_scoped3A : memref<!tpu.dma_semaphore, #tpu.memory_space<semaphore_mem>>) src(%arg9 : memref<10016xf32, #tpu.memory_space<vmem>>) dst(%dma_wait3A_371 : memref<10016xf32, #tpu.memory_space<hbm>>)
      tpu.yield
    }) : () -> ()
    return
  }
}

#map = affine_map<(d0, d1) -> (0)>
module attributes {stable_mosaic.version = 14 : i64} {
  func.func @conv(%arg0: i32, %arg1: i32, %arg2: memref<401408xi32, #tpu.memory_space<hbm>>, %arg3: memref<512xi32, #tpu.memory_space<hbm>>, %arg4: memref<320000xi32, #tpu.memory_space<hbm>>, %arg5: memref<640000xf32, #tpu.memory_space<hbm>>, %arg6: memref<10016xi32, #tpu.memory_space<vmem>>, %arg7: memref<20032xf32, #tpu.memory_space<vmem>>, %arg8: memref<25088xi32, #tpu.memory_space<vmem>>, %arg9: memref<512xi32, #tpu.memory_space<vmem>>, %arg10: memref<!tpu.dma_semaphore, #tpu.memory_space<semaphore_mem>>) attributes {dimension_semantics = [#tpu.dimension_semantics<core_parallel>, #tpu.dimension_semantics<subcore_parallel>], iteration_bounds = array<i64: 2, 16>, scalar_prefetch = 0 : i64, scratch_operands = 5 : i64, tpu.core_type = #tpu.core_type<sc_vector_subcore>, window_params = [{transform_indices = #map}, {transform_indices = #map}, {transform_indices = #map}, {transform_indices = #map}]} {
    %mul3A = arith.constant 2 : i32
    %mul3A_0 = arith.muli %arg1, %mul3A : i32
    %add3A = arith.addi %mul3A_0, %arg0 : i32
    %mul3A_1 = arith.constant 1 : i32
    %mul3A_2 = arith.muli %add3A, %mul3A_1 : i32
    "tpu.region"() ({
      %run_scoped3A = tpu.sem_alloc : memref<!tpu.dma_semaphore, #tpu.memory_space<semaphore_mem>>
      tpu.enqueue_dma source(%arg3 : memref<512xi32, #tpu.memory_space<hbm>>) target(%arg9 : memref<512xi32, #tpu.memory_space<vmem>>) target_semaphore(%run_scoped3A : memref<!tpu.dma_semaphore, #tpu.memory_space<semaphore_mem>>)
      tpu.wait_dma2 semaphore(%run_scoped3A : memref<!tpu.dma_semaphore, #tpu.memory_space<semaphore_mem>>) src(%arg3 : memref<512xi32, #tpu.memory_space<hbm>>) dst(%arg9 : memref<512xi32, #tpu.memory_space<vmem>>)
      tpu.yield
    }) : () -> ()
    %add3A_3 = arith.constant 0 : i32
    %add3A_4 = arith.addi %mul3A_2, %add3A_3 : i32
    %mul3A_5 = arith.constant 10000 : i32
    %mul3A_6 = arith.muli %add3A_4, %mul3A_5 : i32
    "tpu.region"() ({
      %run_scoped3A = tpu.sem_alloc : memref<!tpu.dma_semaphore, #tpu.memory_space<semaphore_mem>>
      %dma_start3A_33 = arith.constant 0 : i32
      %dma_start3A_34 = tpu.memref_slice %arg6[%dma_start3A_33] : memref<10016xi32, #tpu.memory_space<vmem>> -> memref<10000xi32, #tpu.memory_space<vmem>>
      %dma_start3A_35 = tpu.memref_slice %arg4[%mul3A_6] : memref<320000xi32, #tpu.memory_space<hbm>> -> memref<10000xi32, #tpu.memory_space<hbm>>
      %dma_start3A_36 = arith.constant 0 : i32
      %dma_start3A_37 = tpu.memref_slice %arg6[%dma_start3A_36] : memref<10016xi32, #tpu.memory_space<vmem>> -> memref<10000xi32, #tpu.memory_space<vmem>>
      %dma_start3A_38 = tpu.memref_slice %arg4[%mul3A_6] : memref<320000xi32, #tpu.memory_space<hbm>> -> memref<10000xi32, #tpu.memory_space<hbm>>
      tpu.enqueue_dma source(%dma_start3A_38 : memref<10000xi32, #tpu.memory_space<hbm>>) target(%dma_start3A_37 : memref<10000xi32, #tpu.memory_space<vmem>>) target_semaphore(%run_scoped3A : memref<!tpu.dma_semaphore, #tpu.memory_space<semaphore_mem>>)
      %dma_wait3A = arith.constant 0 : i32
      %dma_wait3A_39 = tpu.memref_slice %arg6[%dma_wait3A] : memref<10016xi32, #tpu.memory_space<vmem>> -> memref<10000xi32, #tpu.memory_space<vmem>>
      %dma_wait3A_40 = tpu.memref_slice %arg4[%mul3A_6] : memref<320000xi32, #tpu.memory_space<hbm>> -> memref<10000xi32, #tpu.memory_space<hbm>>
      %dma_wait3A_41 = arith.constant 0 : i32
      %dma_wait3A_42 = tpu.memref_slice %arg6[%dma_wait3A_41] : memref<10016xi32, #tpu.memory_space<vmem>> -> memref<10000xi32, #tpu.memory_space<vmem>>
      %dma_wait3A_43 = tpu.memref_slice %arg4[%mul3A_6] : memref<320000xi32, #tpu.memory_space<hbm>> -> memref<10000xi32, #tpu.memory_space<hbm>>
      tpu.wait_dma2 semaphore(%run_scoped3A : memref<!tpu.dma_semaphore, #tpu.memory_space<semaphore_mem>>) src(%dma_wait3A_43 : memref<10000xi32, #tpu.memory_space<hbm>>) dst(%dma_wait3A_42 : memref<10000xi32, #tpu.memory_space<vmem>>)
      tpu.yield
    }) : () -> ()
    %scan3A = arith.constant 0 : i32
    %scan3A_7 = arith.constant 1252 : i32
    %scan3A_8 = arith.addi %scan3A, %scan3A_7 : i32
    %scan3A_9 = arith.constant 1 : i32
    scf.for %scan3A_33 = %scan3A to %scan3A_8 step %scan3A_9  : i32 {
      %mul3A_34 = arith.constant 16 : i32
      %mul3A_35 = arith.muli %scan3A_33, %mul3A_34 : i32
      %add3A_36 = arith.constant 0 : i32
      %add3A_37 = arith.addi %add3A_36, %mul3A_35 : i32
      %broadcast_in_dim3A = arith.constant 0.000000e+00 : f32
      %broadcast_in_dim3A_38 = vector.broadcast %broadcast_in_dim3A : f32 to vector<16xf32>
      %swap3A = arith.index_cast %add3A_37 : i32 to index
      %swap3A_39 = tpu.vector_load %arg7[%swap3A] {strides = array<i32>} : memref<20032xf32, #tpu.memory_space<vmem>>, vector<16xf32>,
      tpu.vector_store %arg7[%swap3A], %broadcast_in_dim3A_38 {strides = array<i32>} : memref<20032xf32, #tpu.memory_space<vmem>>, vector<16xf32>,
    }
    %scan3A_10 = arith.constant 1252 : i32
    %dma_start3A = arith.constant 0 : i32
    %dma_start3A_11 = tpu.memref_slice %arg8[%dma_start3A] : memref<25088xi32, #tpu.memory_space<vmem>> -> memref<12544xi32, #tpu.memory_space<vmem>>
    %dma_start3A_12 = arith.constant 0 : i32
    %dma_start3A_13 = tpu.memref_slice %arg2[%dma_start3A_12] : memref<401408xi32, #tpu.memory_space<hbm>> -> memref<12544xi32, #tpu.memory_space<hbm>>
    %dma_start3A_14 = arith.constant 0 : i32
    %dma_start3A_15 = tpu.memref_slice %arg8[%dma_start3A_14] : memref<25088xi32, #tpu.memory_space<vmem>> -> memref<12544xi32, #tpu.memory_space<vmem>>
    %dma_start3A_16 = arith.constant 0 : i32
    %dma_start3A_17 = tpu.memref_slice %arg2[%dma_start3A_16] : memref<401408xi32, #tpu.memory_space<hbm>> -> memref<12544xi32, #tpu.memory_space<hbm>>
    tpu.enqueue_dma source(%dma_start3A_17 : memref<12544xi32, #tpu.memory_space<hbm>>) target(%dma_start3A_15 : memref<12544xi32, #tpu.memory_space<vmem>>) target_semaphore(%arg10 : memref<!tpu.dma_semaphore, #tpu.memory_space<semaphore_mem>>)
    %scan3A_18 = arith.constant 0 : i32
    %scan3A_19 = arith.constant 32 : i32
    %scan3A_20 = arith.addi %scan3A_18, %scan3A_19 : i32
    %scan3A_21 = arith.constant 1 : i32
    scf.for %scan3A_33 = %scan3A_18 to %scan3A_20 step %scan3A_21  : i32 {
      %mul3A_34 = arith.constant 1 : i32
      %mul3A_35 = arith.muli %scan3A_33, %mul3A_34 : i32
      %add3A_36 = arith.constant 0 : i32
      %add3A_37 = arith.addi %add3A_36, %mul3A_35 : i32
      %rem3A = arith.constant 2 : i32
      %rem3A_38 = arith.remsi %add3A_37, %rem3A : i32
      %mul3A_39 = arith.constant 12544 : i32
      %mul3A_40 = arith.muli %rem3A_38, %mul3A_39 : i32
      %add3A_41 = arith.constant 1 : i32
      %add3A_42 = arith.addi %add3A_37, %add3A_41 : i32
      %lt3A = arith.constant 32 : i32
      %lt3A_43 = arith.cmpi slt, %add3A_42, %lt3A : i32
      %convert_element_type3A = arith.extui %lt3A_43 : i1 to i32
      %cond3A = arith.constant 0 : i32
      %cond3A_44 = arith.cmpi ne, %convert_element_type3A, %cond3A : i32
      scf.if %cond3A_44 {
        %add3A_55 = arith.constant 1 : i32
        %add3A_56 = arith.addi %add3A_37, %add3A_55 : i32
        %sub3A = arith.constant 12544 : i32
        %sub3A_57 = arith.subi %sub3A, %mul3A_40 : i32
        %mul3A_58 = arith.constant 12544 : i32
        %mul3A_59 = arith.muli %add3A_56, %mul3A_58 : i32
        %dma_start3A_60 = tpu.memref_slice %arg8[%sub3A_57] : memref<25088xi32, #tpu.memory_space<vmem>> -> memref<12544xi32, #tpu.memory_space<vmem>>
        %dma_start3A_61 = tpu.memref_slice %arg2[%mul3A_59] : memref<401408xi32, #tpu.memory_space<hbm>> -> memref<12544xi32, #tpu.memory_space<hbm>>
        %dma_start3A_62 = tpu.memref_slice %arg8[%sub3A_57] : memref<25088xi32, #tpu.memory_space<vmem>> -> memref<12544xi32, #tpu.memory_space<vmem>>
        %dma_start3A_63 = tpu.memref_slice %arg2[%mul3A_59] : memref<401408xi32, #tpu.memory_space<hbm>> -> memref<12544xi32, #tpu.memory_space<hbm>>
        tpu.enqueue_dma source(%dma_start3A_63 : memref<12544xi32, #tpu.memory_space<hbm>>) target(%dma_start3A_62 : memref<12544xi32, #tpu.memory_space<vmem>>) target_semaphore(%arg10 : memref<!tpu.dma_semaphore, #tpu.memory_space<semaphore_mem>>)
      } else {
      }
      %mul3A_45 = arith.constant 12544 : i32
      %mul3A_46 = arith.muli %add3A_37, %mul3A_45 : i32
      %dma_wait3A = tpu.memref_slice %arg8[%mul3A_40] : memref<25088xi32, #tpu.memory_space<vmem>> -> memref<12544xi32, #tpu.memory_space<vmem>>
      %dma_wait3A_47 = tpu.memref_slice %arg2[%mul3A_46] : memref<401408xi32, #tpu.memory_space<hbm>> -> memref<12544xi32, #tpu.memory_space<hbm>>
      %dma_wait3A_48 = tpu.memref_slice %arg8[%mul3A_40] : memref<25088xi32, #tpu.memory_space<vmem>> -> memref<12544xi32, #tpu.memory_space<vmem>>
      %dma_wait3A_49 = tpu.memref_slice %arg2[%mul3A_46] : memref<401408xi32, #tpu.memory_space<hbm>> -> memref<12544xi32, #tpu.memory_space<hbm>>
      tpu.wait_dma2 semaphore(%arg10 : memref<!tpu.dma_semaphore, #tpu.memory_space<semaphore_mem>>) src(%dma_wait3A_49 : memref<12544xi32, #tpu.memory_space<hbm>>) dst(%dma_wait3A_48 : memref<12544xi32, #tpu.memory_space<vmem>>)
      %mul3A_50 = arith.constant 16 : i32
      %mul3A_51 = arith.muli %add3A_37, %mul3A_50 : i32
      %get3A = arith.index_cast %mul3A_51 : i32 to index
      %get3A_52 = tpu.vector_load %arg9[%get3A] {strides = array<i32>} : memref<512xi32, #tpu.memory_space<vmem>>, vector<16xi32>,
      %slice3A = vector.extract_strided_slice %get3A_52 {offsets = [0], sizes = [1], strides = [1]} : vector<16xi32> to vector<1xi32>
      %squeeze3A = vector.extract %slice3A[0] : i32 from vector<1xi32>
      %shift_left3A = arith.constant 4 : i32
      %shift_left3A_53 = arith.shli %squeeze3A, %shift_left3A : i32
      %parallel_loop3A = arith.constant 0 : i32
      %parallel_loop3A_54 = arith.constant 16 : i32
      scf.for %parallel_loop3A_55 = %parallel_loop3A to %shift_left3A_53 step %parallel_loop3A_54  : i32 {
        %parallel_loop3A_56 = arith.addi %mul3A_40, %parallel_loop3A_55 : i32
        %parallel_loop3A_57 = arith.index_cast %parallel_loop3A_56 : i32 to index
        %parallel_loop3A_58 = tpu.vector_load %arg8[%parallel_loop3A_57] {strides = array<i32>} : memref<25088xi32, #tpu.memory_space<vmem>>, vector<16xi32>,
        %parallel_loop3A_59 = arith.constant 14 : i32
        %parallel_loop3A_60 = vector.broadcast %parallel_loop3A_59 : i32 to vector<16xi32>
        %parallel_loop3A_61 = arith.shrsi %parallel_loop3A_58, %parallel_loop3A_60 : vector<16xi32>
        %parallel_loop3A_62 = arith.constant 16383 : i32
        %parallel_loop3A_63 = vector.broadcast %parallel_loop3A_62 : i32 to vector<16xi32>
        %parallel_loop3A_64 = arith.andi %parallel_loop3A_58, %parallel_loop3A_63 : vector<16xi32>
        %parallel_loop3A_65 = arith.constant 0 : i32
        %parallel_loop3A_66 = vector.broadcast %parallel_loop3A_65 : i32 to vector<16xi32>
        %parallel_loop3A_67 = arith.addi %parallel_loop3A_61, %parallel_loop3A_66 : vector<16xi32>
        %parallel_loop3A_68 = tpu.vector_load_idx %arg6[%parallel_loop3A_67] : memref<10016xi32, #tpu.memory_space<vmem>>[vector<16xi32>], vector<16xi32>,
        %parallel_loop3A_69 = arith.constant 16 : i32
        %parallel_loop3A_70 = vector.broadcast %parallel_loop3A_69 : i32 to vector<16xi32>
        %parallel_loop3A_71 = arith.shli %parallel_loop3A_68, %parallel_loop3A_70 : vector<16xi32>
        %parallel_loop3A_72 = vector.bitcast %parallel_loop3A_71 : vector<16xi32> to vector<16xf32>
        %parallel_loop3A_73 = arith.constant -65536 : i32
        %parallel_loop3A_74 = vector.broadcast %parallel_loop3A_73 : i32 to vector<16xi32>
        %parallel_loop3A_75 = arith.andi %parallel_loop3A_68, %parallel_loop3A_74 : vector<16xi32>
        %parallel_loop3A_76 = vector.bitcast %parallel_loop3A_75 : vector<16xi32> to vector<16xf32>
        %parallel_loop3A_77 = arith.constant 0 : i32
        %parallel_loop3A_78 = vector.broadcast %parallel_loop3A_77 : i32 to vector<16xi32>
        %parallel_loop3A_79 = arith.addi %parallel_loop3A_64, %parallel_loop3A_78 : vector<16xi32>
        tpu.vector_store_idx %arg7[%parallel_loop3A_79], %parallel_loop3A_72 {add = true} : memref<20032xf32, #tpu.memory_space<vmem>>[vector<16xi32>], vector<16xf32>,
        %parallel_loop3A_80 = arith.constant 10016 : i32
        %parallel_loop3A_81 = vector.broadcast %parallel_loop3A_80 : i32 to vector<16xi32>
        %parallel_loop3A_82 = arith.addi %parallel_loop3A_64, %parallel_loop3A_81 : vector<16xi32>
        tpu.vector_store_idx %arg7[%parallel_loop3A_82], %parallel_loop3A_76 {add = true} : memref<20032xf32, #tpu.memory_space<vmem>>[vector<16xi32>], vector<16xf32>,
      } {sc.loop_unroll_factor = 8 : i64, sc.parallel_access}
    }
    %scan3A_22 = arith.constant 32 : i32
    %add3A_23 = arith.constant 0 : i32
    %add3A_24 = arith.addi %mul3A_2, %add3A_23 : i32
    %mul3A_25 = arith.constant 10000 : i32
    %mul3A_26 = arith.muli %add3A_24, %mul3A_25 : i32
    "tpu.region"() ({
      %run_scoped3A = tpu.sem_alloc : memref<!tpu.dma_semaphore, #tpu.memory_space<semaphore_mem>>
      %dma_start3A_33 = arith.constant 0 : i32
      %dma_start3A_34 = tpu.memref_slice %arg7[%dma_start3A_33] : memref<20032xf32, #tpu.memory_space<vmem>> -> memref<10000xf32, #tpu.memory_space<vmem>>
      %dma_start3A_35 = tpu.memref_slice %arg5[%mul3A_26] : memref<640000xf32, #tpu.memory_space<hbm>> -> memref<10000xf32, #tpu.memory_space<hbm>>
      %dma_start3A_36 = tpu.memref_slice %arg5[%mul3A_26] : memref<640000xf32, #tpu.memory_space<hbm>> -> memref<10000xf32, #tpu.memory_space<hbm>>
      %dma_start3A_37 = arith.constant 0 : i32
      %dma_start3A_38 = tpu.memref_slice %arg7[%dma_start3A_37] : memref<20032xf32, #tpu.memory_space<vmem>> -> memref<10000xf32, #tpu.memory_space<vmem>>
      tpu.enqueue_dma source(%dma_start3A_38 : memref<10000xf32, #tpu.memory_space<vmem>>) target(%dma_start3A_36 : memref<10000xf32, #tpu.memory_space<hbm>>) target_semaphore(%run_scoped3A : memref<!tpu.dma_semaphore, #tpu.memory_space<semaphore_mem>>)
      %dma_wait3A = arith.constant 0 : i32
      %dma_wait3A_39 = tpu.memref_slice %arg7[%dma_wait3A] : memref<20032xf32, #tpu.memory_space<vmem>> -> memref<10000xf32, #tpu.memory_space<vmem>>
      %dma_wait3A_40 = tpu.memref_slice %arg5[%mul3A_26] : memref<640000xf32, #tpu.memory_space<hbm>> -> memref<10000xf32, #tpu.memory_space<hbm>>
      %dma_wait3A_41 = tpu.memref_slice %arg5[%mul3A_26] : memref<640000xf32, #tpu.memory_space<hbm>> -> memref<10000xf32, #tpu.memory_space<hbm>>
      %dma_wait3A_42 = arith.constant 0 : i32
      %dma_wait3A_43 = tpu.memref_slice %arg7[%dma_wait3A_42] : memref<20032xf32, #tpu.memory_space<vmem>> -> memref<10000xf32, #tpu.memory_space<vmem>>
      tpu.wait_dma2 semaphore(%run_scoped3A : memref<!tpu.dma_semaphore, #tpu.memory_space<semaphore_mem>>) src(%dma_wait3A_43 : memref<10000xf32, #tpu.memory_space<vmem>>) dst(%dma_wait3A_41 : memref<10000xf32, #tpu.memory_space<hbm>>)
      tpu.yield
    }) : () -> ()
    %add3A_27 = arith.constant 0 : i32
    %add3A_28 = arith.addi %mul3A_2, %add3A_27 : i32
    %add3A_29 = arith.constant 32 : i32
    %add3A_30 = arith.addi %add3A_28, %add3A_29 : i32
    %mul3A_31 = arith.constant 10000 : i32
    %mul3A_32 = arith.muli %add3A_30, %mul3A_31 : i32
    "tpu.region"() ({
      %run_scoped3A = tpu.sem_alloc : memref<!tpu.dma_semaphore, #tpu.memory_space<semaphore_mem>>
      %dma_start3A_33 = arith.constant 10016 : i32
      %dma_start3A_34 = tpu.memref_slice %arg7[%dma_start3A_33] : memref<20032xf32, #tpu.memory_space<vmem>> -> memref<10000xf32, #tpu.memory_space<vmem>>
      %dma_start3A_35 = tpu.memref_slice %arg5[%mul3A_32] : memref<640000xf32, #tpu.memory_space<hbm>> -> memref<10000xf32, #tpu.memory_space<hbm>>
      %dma_start3A_36 = tpu.memref_slice %arg5[%mul3A_32] : memref<640000xf32, #tpu.memory_space<hbm>> -> memref<10000xf32, #tpu.memory_space<hbm>>
      %dma_start3A_37 = arith.constant 10016 : i32
      %dma_start3A_38 = tpu.memref_slice %arg7[%dma_start3A_37] : memref<20032xf32, #tpu.memory_space<vmem>> -> memref<10000xf32, #tpu.memory_space<vmem>>
      tpu.enqueue_dma source(%dma_start3A_38 : memref<10000xf32, #tpu.memory_space<vmem>>) target(%dma_start3A_36 : memref<10000xf32, #tpu.memory_space<hbm>>) target_semaphore(%run_scoped3A : memref<!tpu.dma_semaphore, #tpu.memory_space<semaphore_mem>>)
      %dma_wait3A = arith.constant 10016 : i32
      %dma_wait3A_39 = tpu.memref_slice %arg7[%dma_wait3A] : memref<20032xf32, #tpu.memory_space<vmem>> -> memref<10000xf32, #tpu.memory_space<vmem>>
      %dma_wait3A_40 = tpu.memref_slice %arg5[%mul3A_32] : memref<640000xf32, #tpu.memory_space<hbm>> -> memref<10000xf32, #tpu.memory_space<hbm>>
      %dma_wait3A_41 = tpu.memref_slice %arg5[%mul3A_32] : memref<640000xf32, #tpu.memory_space<hbm>> -> memref<10000xf32, #tpu.memory_space<hbm>>
      %dma_wait3A_42 = arith.constant 10016 : i32
      %dma_wait3A_43 = tpu.memref_slice %arg7[%dma_wait3A_42] : memref<20032xf32, #tpu.memory_space<vmem>> -> memref<10000xf32, #tpu.memory_space<vmem>>
      tpu.wait_dma2 semaphore(%run_scoped3A : memref<!tpu.dma_semaphore, #tpu.memory_space<semaphore_mem>>) src(%dma_wait3A_43 : memref<10000xf32, #tpu.memory_space<vmem>>) dst(%dma_wait3A_41 : memref<10000xf32, #tpu.memory_space<hbm>>)
      tpu.yield
    }) : () -> ()
    return
  }
}

#map = affine_map<(d0, d1) -> (0)>
module attributes {stable_mosaic.version = 14 : i64} {
  func.func @conv(%arg0: i32, %arg1: i32, %arg2: memref<401408xi32, #tpu.memory_space<hbm>>, %arg3: memref<512xi32, #tpu.memory_space<hbm>>, %arg4: memref<320000xi32, #tpu.memory_space<hbm>>, %arg5: memref<640000xf32, #tpu.memory_space<hbm>>, %arg6: memref<10016xi32, #tpu.memory_space<vmem>>, %arg7: memref<20032xf32, #tpu.memory_space<vmem>>, %arg8: memref<25088xi32, #tpu.memory_space<vmem>>, %arg9: memref<512xi32, #tpu.memory_space<vmem>>, %arg10: memref<!tpu.dma_semaphore, #tpu.memory_space<semaphore_mem>>) attributes {dimension_semantics = [#tpu.dimension_semantics<core_parallel>, #tpu.dimension_semantics<subcore_parallel>], iteration_bounds = array<i64: 2, 16>, scalar_prefetch = 0 : i64, scratch_operands = 5 : i64, tpu.core_type = #tpu.core_type<sc_vector_subcore>, window_params = [{transform_indices = #map}, {transform_indices = #map}, {transform_indices = #map}, {transform_indices = #map}]} {
    %mul3A = arith.constant 2 : i32
    %mul3A_0 = arith.muli %arg1, %mul3A : i32
    %add3A = arith.addi %mul3A_0, %arg0 : i32
    %mul3A_1 = arith.constant 1 : i32
    %mul3A_2 = arith.muli %add3A, %mul3A_1 : i32
    "tpu.region"() ({
      %run_scoped3A = tpu.sem_alloc : memref<!tpu.dma_semaphore, #tpu.memory_space<semaphore_mem>>
      tpu.enqueue_dma source(%arg3 : memref<512xi32, #tpu.memory_space<hbm>>) target(%arg9 : memref<512xi32, #tpu.memory_space<vmem>>) target_semaphore(%run_scoped3A : memref<!tpu.dma_semaphore, #tpu.memory_space<semaphore_mem>>)
      tpu.wait_dma2 semaphore(%run_scoped3A : memref<!tpu.dma_semaphore, #tpu.memory_space<semaphore_mem>>) src(%arg3 : memref<512xi32, #tpu.memory_space<hbm>>) dst(%arg9 : memref<512xi32, #tpu.memory_space<vmem>>)
      tpu.yield
    }) : () -> ()
    %add3A_3 = arith.constant 0 : i32
    %add3A_4 = arith.addi %mul3A_2, %add3A_3 : i32
    %mul3A_5 = arith.constant 10000 : i32
    %mul3A_6 = arith.muli %add3A_4, %mul3A_5 : i32
    "tpu.region"() ({
      %run_scoped3A = tpu.sem_alloc : memref<!tpu.dma_semaphore, #tpu.memory_space<semaphore_mem>>
      %dma_start3A_33 = arith.constant 0 : i32
      %dma_start3A_34 = tpu.memref_slice %arg6[%dma_start3A_33] : memref<10016xi32, #tpu.memory_space<vmem>> -> memref<10000xi32, #tpu.memory_space<vmem>>
      %dma_start3A_35 = tpu.memref_slice %arg4[%mul3A_6] : memref<320000xi32, #tpu.memory_space<hbm>> -> memref<10000xi32, #tpu.memory_space<hbm>>
      %dma_start3A_36 = arith.constant 0 : i32
      %dma_start3A_37 = tpu.memref_slice %arg6[%dma_start3A_36] : memref<10016xi32, #tpu.memory_space<vmem>> -> memref<10000xi32, #tpu.memory_space<vmem>>
      %dma_start3A_38 = tpu.memref_slice %arg4[%mul3A_6] : memref<320000xi32, #tpu.memory_space<hbm>> -> memref<10000xi32, #tpu.memory_space<hbm>>
      tpu.enqueue_dma source(%dma_start3A_38 : memref<10000xi32, #tpu.memory_space<hbm>>) target(%dma_start3A_37 : memref<10000xi32, #tpu.memory_space<vmem>>) target_semaphore(%run_scoped3A : memref<!tpu.dma_semaphore, #tpu.memory_space<semaphore_mem>>)
      %dma_wait3A = arith.constant 0 : i32
      %dma_wait3A_39 = tpu.memref_slice %arg6[%dma_wait3A] : memref<10016xi32, #tpu.memory_space<vmem>> -> memref<10000xi32, #tpu.memory_space<vmem>>
      %dma_wait3A_40 = tpu.memref_slice %arg4[%mul3A_6] : memref<320000xi32, #tpu.memory_space<hbm>> -> memref<10000xi32, #tpu.memory_space<hbm>>
      %dma_wait3A_41 = arith.constant 0 : i32
      %dma_wait3A_42 = tpu.memref_slice %arg6[%dma_wait3A_41] : memref<10016xi32, #tpu.memory_space<vmem>> -> memref<10000xi32, #tpu.memory_space<vmem>>
      %dma_wait3A_43 = tpu.memref_slice %arg4[%mul3A_6] : memref<320000xi32, #tpu.memory_space<hbm>> -> memref<10000xi32, #tpu.memory_space<hbm>>
      tpu.wait_dma2 semaphore(%run_scoped3A : memref<!tpu.dma_semaphore, #tpu.memory_space<semaphore_mem>>) src(%dma_wait3A_43 : memref<10000xi32, #tpu.memory_space<hbm>>) dst(%dma_wait3A_42 : memref<10000xi32, #tpu.memory_space<vmem>>)
      tpu.yield
    }) : () -> ()
    %scan3A = arith.constant 0 : i32
    %scan3A_7 = arith.constant 1252 : i32
    %scan3A_8 = arith.addi %scan3A, %scan3A_7 : i32
    %scan3A_9 = arith.constant 1 : i32
    scf.for %scan3A_33 = %scan3A to %scan3A_8 step %scan3A_9  : i32 {
      %mul3A_34 = arith.constant 16 : i32
      %mul3A_35 = arith.muli %scan3A_33, %mul3A_34 : i32
      %add3A_36 = arith.constant 0 : i32
      %add3A_37 = arith.addi %add3A_36, %mul3A_35 : i32
      %broadcast_in_dim3A = arith.constant 0.000000e+00 : f32
      %broadcast_in_dim3A_38 = vector.broadcast %broadcast_in_dim3A : f32 to vector<16xf32>
      %swap3A = arith.index_cast %add3A_37 : i32 to index
      %swap3A_39 = tpu.vector_load %arg7[%swap3A] {strides = array<i32>} : memref<20032xf32, #tpu.memory_space<vmem>>, vector<16xf32>,
      tpu.vector_store %arg7[%swap3A], %broadcast_in_dim3A_38 {strides = array<i32>} : memref<20032xf32, #tpu.memory_space<vmem>>, vector<16xf32>,
    }
    %scan3A_10 = arith.constant 1252 : i32
    %dma_start3A = arith.constant 0 : i32
    %dma_start3A_11 = tpu.memref_slice %arg8[%dma_start3A] : memref<25088xi32, #tpu.memory_space<vmem>> -> memref<12544xi32, #tpu.memory_space<vmem>>
    %dma_start3A_12 = arith.constant 0 : i32
    %dma_start3A_13 = tpu.memref_slice %arg2[%dma_start3A_12] : memref<401408xi32, #tpu.memory_space<hbm>> -> memref<12544xi32, #tpu.memory_space<hbm>>
    %dma_start3A_14 = arith.constant 0 : i32
    %dma_start3A_15 = tpu.memref_slice %arg8[%dma_start3A_14] : memref<25088xi32, #tpu.memory_space<vmem>> -> memref<12544xi32, #tpu.memory_space<vmem>>
    %dma_start3A_16 = arith.constant 0 : i32
    %dma_start3A_17 = tpu.memref_slice %arg2[%dma_start3A_16] : memref<401408xi32, #tpu.memory_space<hbm>> -> memref<12544xi32, #tpu.memory_space<hbm>>
    tpu.enqueue_dma source(%dma_start3A_17 : memref<12544xi32, #tpu.memory_space<hbm>>) target(%dma_start3A_15 : memref<12544xi32, #tpu.memory_space<vmem>>) target_semaphore(%arg10 : memref<!tpu.dma_semaphore, #tpu.memory_space<semaphore_mem>>)
    %scan3A_18 = arith.constant 0 : i32
    %scan3A_19 = arith.constant 32 : i32
    %scan3A_20 = arith.addi %scan3A_18, %scan3A_19 : i32
    %scan3A_21 = arith.constant 1 : i32
    scf.for %scan3A_33 = %scan3A_18 to %scan3A_20 step %scan3A_21  : i32 {
      %mul3A_34 = arith.constant 1 : i32
      %mul3A_35 = arith.muli %scan3A_33, %mul3A_34 : i32
      %add3A_36 = arith.constant 0 : i32
      %add3A_37 = arith.addi %add3A_36, %mul3A_35 : i32
      %rem3A = arith.constant 2 : i32
      %rem3A_38 = arith.remsi %add3A_37, %rem3A : i32
      %mul3A_39 = arith.constant 12544 : i32
      %mul3A_40 = arith.muli %rem3A_38, %mul3A_39 : i32
      %add3A_41 = arith.constant 1 : i32
      %add3A_42 = arith.addi %add3A_37, %add3A_41 : i32
      %lt3A = arith.constant 32 : i32
      %lt3A_43 = arith.cmpi slt, %add3A_42, %lt3A : i32
      %convert_element_type3A = arith.extui %lt3A_43 : i1 to i32
      %cond3A = arith.constant 0 : i32
      %cond3A_44 = arith.cmpi ne, %convert_element_type3A, %cond3A : i32
      scf.if %cond3A_44 {
        %add3A_55 = arith.constant 1 : i32
        %add3A_56 = arith.addi %add3A_37, %add3A_55 : i32
        %sub3A = arith.constant 12544 : i32
        %sub3A_57 = arith.subi %sub3A, %mul3A_40 : i32
        %mul3A_58 = arith.constant 12544 : i32
        %mul3A_59 = arith.muli %add3A_56, %mul3A_58 : i32
        %dma_start3A_60 = tpu.memref_slice %arg8[%sub3A_57] : memref<25088xi32, #tpu.memory_space<vmem>> -> memref<12544xi32, #tpu.memory_space<vmem>>
        %dma_start3A_61 = tpu.memref_slice %arg2[%mul3A_59] : memref<401408xi32, #tpu.memory_space<hbm>> -> memref<12544xi32, #tpu.memory_space<hbm>>
        %dma_start3A_62 = tpu.memref_slice %arg8[%sub3A_57] : memref<25088xi32, #tpu.memory_space<vmem>> -> memref<12544xi32, #tpu.memory_space<vmem>>
        %dma_start3A_63 = tpu.memref_slice %arg2[%mul3A_59] : memref<401408xi32, #tpu.memory_space<hbm>> -> memref<12544xi32, #tpu.memory_space<hbm>>
        tpu.enqueue_dma source(%dma_start3A_63 : memref<12544xi32, #tpu.memory_space<hbm>>) target(%dma_start3A_62 : memref<12544xi32, #tpu.memory_space<vmem>>) target_semaphore(%arg10 : memref<!tpu.dma_semaphore, #tpu.memory_space<semaphore_mem>>)
      } else {
      }
      %mul3A_45 = arith.constant 12544 : i32
      %mul3A_46 = arith.muli %add3A_37, %mul3A_45 : i32
      %dma_wait3A = tpu.memref_slice %arg8[%mul3A_40] : memref<25088xi32, #tpu.memory_space<vmem>> -> memref<12544xi32, #tpu.memory_space<vmem>>
      %dma_wait3A_47 = tpu.memref_slice %arg2[%mul3A_46] : memref<401408xi32, #tpu.memory_space<hbm>> -> memref<12544xi32, #tpu.memory_space<hbm>>
      %dma_wait3A_48 = tpu.memref_slice %arg8[%mul3A_40] : memref<25088xi32, #tpu.memory_space<vmem>> -> memref<12544xi32, #tpu.memory_space<vmem>>
      %dma_wait3A_49 = tpu.memref_slice %arg2[%mul3A_46] : memref<401408xi32, #tpu.memory_space<hbm>> -> memref<12544xi32, #tpu.memory_space<hbm>>
      tpu.wait_dma2 semaphore(%arg10 : memref<!tpu.dma_semaphore, #tpu.memory_space<semaphore_mem>>) src(%dma_wait3A_49 : memref<12544xi32, #tpu.memory_space<hbm>>) dst(%dma_wait3A_48 : memref<12544xi32, #tpu.memory_space<vmem>>)
      %mul3A_50 = arith.constant 16 : i32
      %mul3A_51 = arith.muli %add3A_37, %mul3A_50 : i32
      %get3A = arith.index_cast %mul3A_51 : i32 to index
      %get3A_52 = tpu.vector_load %arg9[%get3A] {strides = array<i32>} : memref<512xi32, #tpu.memory_space<vmem>>, vector<16xi32>,
      %slice3A = vector.extract_strided_slice %get3A_52 {offsets = [0], sizes = [1], strides = [1]} : vector<16xi32> to vector<1xi32>
      %squeeze3A = vector.extract %slice3A[0] : i32 from vector<1xi32>
      %shift_left3A = arith.constant 4 : i32
      %shift_left3A_53 = arith.shli %squeeze3A, %shift_left3A : i32
      %parallel_loop3A = arith.constant 0 : i32
      %parallel_loop3A_54 = arith.constant 16 : i32
      scf.for %parallel_loop3A_55 = %parallel_loop3A to %shift_left3A_53 step %parallel_loop3A_54  : i32 {
        %parallel_loop3A_56 = arith.addi %mul3A_40, %parallel_loop3A_55 : i32
        %parallel_loop3A_57 = arith.index_cast %parallel_loop3A_56 : i32 to index
        %parallel_loop3A_58 = tpu.vector_load %arg8[%parallel_loop3A_57] {strides = array<i32>} : memref<25088xi32, #tpu.memory_space<vmem>>, vector<16xi32>,
        %parallel_loop3A_59 = arith.constant 14 : i32
        %parallel_loop3A_60 = vector.broadcast %parallel_loop3A_59 : i32 to vector<16xi32>
        %parallel_loop3A_61 = arith.shrsi %parallel_loop3A_58, %parallel_loop3A_60 : vector<16xi32>
        %parallel_loop3A_62 = arith.constant 16383 : i32
        %parallel_loop3A_63 = vector.broadcast %parallel_loop3A_62 : i32 to vector<16xi32>
        %parallel_loop3A_64 = arith.andi %parallel_loop3A_58, %parallel_loop3A_63 : vector<16xi32>
        %parallel_loop3A_65 = arith.constant 0 : i32
        %parallel_loop3A_66 = vector.broadcast %parallel_loop3A_65 : i32 to vector<16xi32>
        %parallel_loop3A_67 = arith.addi %parallel_loop3A_61, %parallel_loop3A_66 : vector<16xi32>
        %parallel_loop3A_68 = tpu.vector_load_idx %arg6[%parallel_loop3A_67] : memref<10016xi32, #tpu.memory_space<vmem>>[vector<16xi32>], vector<16xi32>,
        %parallel_loop3A_69 = arith.constant 16 : i32
        %parallel_loop3A_70 = vector.broadcast %parallel_loop3A_69 : i32 to vector<16xi32>
        %parallel_loop3A_71 = arith.shli %parallel_loop3A_68, %parallel_loop3A_70 : vector<16xi32>
        %parallel_loop3A_72 = vector.bitcast %parallel_loop3A_71 : vector<16xi32> to vector<16xf32>
        %parallel_loop3A_73 = arith.constant -65536 : i32
        %parallel_loop3A_74 = vector.broadcast %parallel_loop3A_73 : i32 to vector<16xi32>
        %parallel_loop3A_75 = arith.andi %parallel_loop3A_68, %parallel_loop3A_74 : vector<16xi32>
        %parallel_loop3A_76 = vector.bitcast %parallel_loop3A_75 : vector<16xi32> to vector<16xf32>
        %parallel_loop3A_77 = arith.constant 0 : i32
        %parallel_loop3A_78 = vector.broadcast %parallel_loop3A_77 : i32 to vector<16xi32>
        %parallel_loop3A_79 = arith.addi %parallel_loop3A_64, %parallel_loop3A_78 : vector<16xi32>
        tpu.vector_store_idx %arg7[%parallel_loop3A_79], %parallel_loop3A_72 {add = true} : memref<20032xf32, #tpu.memory_space<vmem>>[vector<16xi32>], vector<16xf32>,
        %parallel_loop3A_80 = arith.constant 10016 : i32
        %parallel_loop3A_81 = vector.broadcast %parallel_loop3A_80 : i32 to vector<16xi32>
        %parallel_loop3A_82 = arith.addi %parallel_loop3A_64, %parallel_loop3A_81 : vector<16xi32>
        tpu.vector_store_idx %arg7[%parallel_loop3A_82], %parallel_loop3A_76 {add = true} : memref<20032xf32, #tpu.memory_space<vmem>>[vector<16xi32>], vector<16xf32>,
      } {sc.loop_unroll_factor = 8 : i64, sc.parallel_access}
    }
    %scan3A_22 = arith.constant 32 : i32
    %add3A_23 = arith.constant 0 : i32
    %add3A_24 = arith.addi %mul3A_2, %add3A_23 : i32
    %mul3A_25 = arith.constant 10000 : i32
    %mul3A_26 = arith.muli %add3A_24, %mul3A_25 : i32
    "tpu.region"() ({
      %run_scoped3A = tpu.sem_alloc : memref<!tpu.dma_semaphore, #tpu.memory_space<semaphore_mem>>
      %dma_start3A_33 = arith.constant 0 : i32
      %dma_start3A_34 = tpu.memref_slice %arg7[%dma_start3A_33] : memref<20032xf32, #tpu.memory_space<vmem>> -> memref<10000xf32, #tpu.memory_space<vmem>>
      %dma_start3A_35 = tpu.memref_slice %arg5[%mul3A_26] : memref<640000xf32, #tpu.memory_space<hbm>> -> memref<10000xf32, #tpu.memory_space<hbm>>
      %dma_start3A_36 = tpu.memref_slice %arg5[%mul3A_26] : memref<640000xf32, #tpu.memory_space<hbm>> -> memref<10000xf32, #tpu.memory_space<hbm>>
      %dma_start3A_37 = arith.constant 0 : i32
      %dma_start3A_38 = tpu.memref_slice %arg7[%dma_start3A_37] : memref<20032xf32, #tpu.memory_space<vmem>> -> memref<10000xf32, #tpu.memory_space<vmem>>
      tpu.enqueue_dma source(%dma_start3A_38 : memref<10000xf32, #tpu.memory_space<vmem>>) target(%dma_start3A_36 : memref<10000xf32, #tpu.memory_space<hbm>>) target_semaphore(%run_scoped3A : memref<!tpu.dma_semaphore, #tpu.memory_space<semaphore_mem>>)
      %dma_wait3A = arith.constant 0 : i32
      %dma_wait3A_39 = tpu.memref_slice %arg7[%dma_wait3A] : memref<20032xf32, #tpu.memory_space<vmem>> -> memref<10000xf32, #tpu.memory_space<vmem>>
      %dma_wait3A_40 = tpu.memref_slice %arg5[%mul3A_26] : memref<640000xf32, #tpu.memory_space<hbm>> -> memref<10000xf32, #tpu.memory_space<hbm>>
      %dma_wait3A_41 = tpu.memref_slice %arg5[%mul3A_26] : memref<640000xf32, #tpu.memory_space<hbm>> -> memref<10000xf32, #tpu.memory_space<hbm>>
      %dma_wait3A_42 = arith.constant 0 : i32
      %dma_wait3A_43 = tpu.memref_slice %arg7[%dma_wait3A_42] : memref<20032xf32, #tpu.memory_space<vmem>> -> memref<10000xf32, #tpu.memory_space<vmem>>
      tpu.wait_dma2 semaphore(%run_scoped3A : memref<!tpu.dma_semaphore, #tpu.memory_space<semaphore_mem>>) src(%dma_wait3A_43 : memref<10000xf32, #tpu.memory_space<vmem>>) dst(%dma_wait3A_41 : memref<10000xf32, #tpu.memory_space<hbm>>)
      tpu.yield
    }) : () -> ()
    %add3A_27 = arith.constant 0 : i32
    %add3A_28 = arith.addi %mul3A_2, %add3A_27 : i32
    %add3A_29 = arith.constant 32 : i32
    %add3A_30 = arith.addi %add3A_28, %add3A_29 : i32
    %mul3A_31 = arith.constant 10000 : i32
    %mul3A_32 = arith.muli %add3A_30, %mul3A_31 : i32
    "tpu.region"() ({
      %run_scoped3A = tpu.sem_alloc : memref<!tpu.dma_semaphore, #tpu.memory_space<semaphore_mem>>
      %dma_start3A_33 = arith.constant 10016 : i32
      %dma_start3A_34 = tpu.memref_slice %arg7[%dma_start3A_33] : memref<20032xf32, #tpu.memory_space<vmem>> -> memref<10000xf32, #tpu.memory_space<vmem>>
      %dma_start3A_35 = tpu.memref_slice %arg5[%mul3A_32] : memref<640000xf32, #tpu.memory_space<hbm>> -> memref<10000xf32, #tpu.memory_space<hbm>>
      %dma_start3A_36 = tpu.memref_slice %arg5[%mul3A_32] : memref<640000xf32, #tpu.memory_space<hbm>> -> memref<10000xf32, #tpu.memory_space<hbm>>
      %dma_start3A_37 = arith.constant 10016 : i32
      %dma_start3A_38 = tpu.memref_slice %arg7[%dma_start3A_37] : memref<20032xf32, #tpu.memory_space<vmem>> -> memref<10000xf32, #tpu.memory_space<vmem>>
      tpu.enqueue_dma source(%dma_start3A_38 : memref<10000xf32, #tpu.memory_space<vmem>>) target(%dma_start3A_36 : memref<10000xf32, #tpu.memory_space<hbm>>) target_semaphore(%run_scoped3A : memref<!tpu.dma_semaphore, #tpu.memory_space<semaphore_mem>>)
      %dma_wait3A = arith.constant 10016 : i32
      %dma_wait3A_39 = tpu.memref_slice %arg7[%dma_wait3A] : memref<20032xf32, #tpu.memory_space<vmem>> -> memref<10000xf32, #tpu.memory_space<vmem>>
      %dma_wait3A_40 = tpu.memref_slice %arg5[%mul3A_32] : memref<640000xf32, #tpu.memory_space<hbm>> -> memref<10000xf32, #tpu.memory_space<hbm>>
      %dma_wait3A_41 = tpu.memref_slice %arg5[%mul3A_32] : memref<640000xf32, #tpu.memory_space<hbm>> -> memref<10000xf32, #tpu.memory_space<hbm>>
      %dma_wait3A_42 = arith.constant 10016 : i32
      %dma_wait3A_43 = tpu.memref_slice %arg7[%dma_wait3A_42] : memref<20032xf32, #tpu.memory_space<vmem>> -> memref<10000xf32, #tpu.memory_space<vmem>>
      tpu.wait_dma2 semaphore(%run_scoped3A : memref<!tpu.dma_semaphore, #tpu.memory_space<semaphore_mem>>) src(%dma_wait3A_43 : memref<10000xf32, #tpu.memory_space<vmem>>) dst(%dma_wait3A_41 : memref<10000xf32, #tpu.memory_space<hbm>>)
      tpu.yield
    }) : () -> ()
    return
  }
}

#map = affine_map<(d0, d1) -> (0)>
module attributes {stable_mosaic.version = 14 : i64} {
  func.func @conv(%arg0: i32, %arg1: i32, %arg2: memref<401408xi32, #tpu.memory_space<hbm>>, %arg3: memref<512xi32, #tpu.memory_space<hbm>>, %arg4: memref<640000xi32, #tpu.memory_space<hbm>>, %arg5: memref<1280000xf32, #tpu.memory_space<hbm>>, %arg6: memref<20032xi32, #tpu.memory_space<vmem>>, %arg7: memref<40064xf32, #tpu.memory_space<vmem>>, %arg8: memref<25088xi32, #tpu.memory_space<vmem>>, %arg9: memref<512xi32, #tpu.memory_space<vmem>>, %arg10: memref<!tpu.dma_semaphore, #tpu.memory_space<semaphore_mem>>) attributes {dimension_semantics = [#tpu.dimension_semantics<core_parallel>, #tpu.dimension_semantics<subcore_parallel>], iteration_bounds = array<i64: 2, 16>, scalar_prefetch = 0 : i64, scratch_operands = 5 : i64, tpu.core_type = #tpu.core_type<sc_vector_subcore>, window_params = [{transform_indices = #map}, {transform_indices = #map}, {transform_indices = #map}, {transform_indices = #map}]} {
    %mul3A = arith.constant 2 : i32
    %mul3A_0 = arith.muli %arg1, %mul3A : i32
    %add3A = arith.addi %mul3A_0, %arg0 : i32
    %mul3A_1 = arith.constant 2 : i32
    %mul3A_2 = arith.muli %add3A, %mul3A_1 : i32
    "tpu.region"() ({
      %run_scoped3A = tpu.sem_alloc : memref<!tpu.dma_semaphore, #tpu.memory_space<semaphore_mem>>
      tpu.enqueue_dma source(%arg3 : memref<512xi32, #tpu.memory_space<hbm>>) target(%arg9 : memref<512xi32, #tpu.memory_space<vmem>>) target_semaphore(%run_scoped3A : memref<!tpu.dma_semaphore, #tpu.memory_space<semaphore_mem>>)
      tpu.wait_dma2 semaphore(%run_scoped3A : memref<!tpu.dma_semaphore, #tpu.memory_space<semaphore_mem>>) src(%arg3 : memref<512xi32, #tpu.memory_space<hbm>>) dst(%arg9 : memref<512xi32, #tpu.memory_space<vmem>>)
      tpu.yield
    }) : () -> ()
    %add3A_3 = arith.constant 0 : i32
    %add3A_4 = arith.addi %mul3A_2, %add3A_3 : i32
    %mul3A_5 = arith.constant 10000 : i32
    %mul3A_6 = arith.muli %add3A_4, %mul3A_5 : i32
    "tpu.region"() ({
      %run_scoped3A = tpu.sem_alloc : memref<!tpu.dma_semaphore, #tpu.memory_space<semaphore_mem>>
      %dma_start3A_47 = arith.constant 0 : i32
      %dma_start3A_48 = tpu.memref_slice %arg6[%dma_start3A_47] : memref<20032xi32, #tpu.memory_space<vmem>> -> memref<10000xi32, #tpu.memory_space<vmem>>
      %dma_start3A_49 = tpu.memref_slice %arg4[%mul3A_6] : memref<640000xi32, #tpu.memory_space<hbm>> -> memref<10000xi32, #tpu.memory_space<hbm>>
      %dma_start3A_50 = arith.constant 0 : i32
      %dma_start3A_51 = tpu.memref_slice %arg6[%dma_start3A_50] : memref<20032xi32, #tpu.memory_space<vmem>> -> memref<10000xi32, #tpu.memory_space<vmem>>
      %dma_start3A_52 = tpu.memref_slice %arg4[%mul3A_6] : memref<640000xi32, #tpu.memory_space<hbm>> -> memref<10000xi32, #tpu.memory_space<hbm>>
      tpu.enqueue_dma source(%dma_start3A_52 : memref<10000xi32, #tpu.memory_space<hbm>>) target(%dma_start3A_51 : memref<10000xi32, #tpu.memory_space<vmem>>) target_semaphore(%run_scoped3A : memref<!tpu.dma_semaphore, #tpu.memory_space<semaphore_mem>>)
      %dma_wait3A = arith.constant 0 : i32
      %dma_wait3A_53 = tpu.memref_slice %arg6[%dma_wait3A] : memref<20032xi32, #tpu.memory_space<vmem>> -> memref<10000xi32, #tpu.memory_space<vmem>>
      %dma_wait3A_54 = tpu.memref_slice %arg4[%mul3A_6] : memref<640000xi32, #tpu.memory_space<hbm>> -> memref<10000xi32, #tpu.memory_space<hbm>>
      %dma_wait3A_55 = arith.constant 0 : i32
      %dma_wait3A_56 = tpu.memref_slice %arg6[%dma_wait3A_55] : memref<20032xi32, #tpu.memory_space<vmem>> -> memref<10000xi32, #tpu.memory_space<vmem>>
      %dma_wait3A_57 = tpu.memref_slice %arg4[%mul3A_6] : memref<640000xi32, #tpu.memory_space<hbm>> -> memref<10000xi32, #tpu.memory_space<hbm>>
      tpu.wait_dma2 semaphore(%run_scoped3A : memref<!tpu.dma_semaphore, #tpu.memory_space<semaphore_mem>>) src(%dma_wait3A_57 : memref<10000xi32, #tpu.memory_space<hbm>>) dst(%dma_wait3A_56 : memref<10000xi32, #tpu.memory_space<vmem>>)
      tpu.yield
    }) : () -> ()
    %add3A_7 = arith.constant 1 : i32
    %add3A_8 = arith.addi %mul3A_2, %add3A_7 : i32
    %mul3A_9 = arith.constant 10000 : i32
    %mul3A_10 = arith.muli %add3A_8, %mul3A_9 : i32
    "tpu.region"() ({
      %run_scoped3A = tpu.sem_alloc : memref<!tpu.dma_semaphore, #tpu.memory_space<semaphore_mem>>
      %dma_start3A_47 = arith.constant 10016 : i32
      %dma_start3A_48 = tpu.memref_slice %arg6[%dma_start3A_47] : memref<20032xi32, #tpu.memory_space<vmem>> -> memref<10000xi32, #tpu.memory_space<vmem>>
      %dma_start3A_49 = tpu.memref_slice %arg4[%mul3A_10] : memref<640000xi32, #tpu.memory_space<hbm>> -> memref<10000xi32, #tpu.memory_space<hbm>>
      %dma_start3A_50 = arith.constant 10016 : i32
      %dma_start3A_51 = tpu.memref_slice %arg6[%dma_start3A_50] : memref<20032xi32, #tpu.memory_space<vmem>> -> memref<10000xi32, #tpu.memory_space<vmem>>
      %dma_start3A_52 = tpu.memref_slice %arg4[%mul3A_10] : memref<640000xi32, #tpu.memory_space<hbm>> -> memref<10000xi32, #tpu.memory_space<hbm>>
      tpu.enqueue_dma source(%dma_start3A_52 : memref<10000xi32, #tpu.memory_space<hbm>>) target(%dma_start3A_51 : memref<10000xi32, #tpu.memory_space<vmem>>) target_semaphore(%run_scoped3A : memref<!tpu.dma_semaphore, #tpu.memory_space<semaphore_mem>>)
      %dma_wait3A = arith.constant 10016 : i32
      %dma_wait3A_53 = tpu.memref_slice %arg6[%dma_wait3A] : memref<20032xi32, #tpu.memory_space<vmem>> -> memref<10000xi32, #tpu.memory_space<vmem>>
      %dma_wait3A_54 = tpu.memref_slice %arg4[%mul3A_10] : memref<640000xi32, #tpu.memory_space<hbm>> -> memref<10000xi32, #tpu.memory_space<hbm>>
      %dma_wait3A_55 = arith.constant 10016 : i32
      %dma_wait3A_56 = tpu.memref_slice %arg6[%dma_wait3A_55] : memref<20032xi32, #tpu.memory_space<vmem>> -> memref<10000xi32, #tpu.memory_space<vmem>>
      %dma_wait3A_57 = tpu.memref_slice %arg4[%mul3A_10] : memref<640000xi32, #tpu.memory_space<hbm>> -> memref<10000xi32, #tpu.memory_space<hbm>>
      tpu.wait_dma2 semaphore(%run_scoped3A : memref<!tpu.dma_semaphore, #tpu.memory_space<semaphore_mem>>) src(%dma_wait3A_57 : memref<10000xi32, #tpu.memory_space<hbm>>) dst(%dma_wait3A_56 : memref<10000xi32, #tpu.memory_space<vmem>>)
      tpu.yield
    }) : () -> ()
    %scan3A = arith.constant 0 : i32
    %scan3A_11 = arith.constant 2504 : i32
    %scan3A_12 = arith.addi %scan3A, %scan3A_11 : i32
    %scan3A_13 = arith.constant 1 : i32
    scf.for %scan3A_47 = %scan3A to %scan3A_12 step %scan3A_13  : i32 {
      %mul3A_48 = arith.constant 16 : i32
      %mul3A_49 = arith.muli %scan3A_47, %mul3A_48 : i32
      %add3A_50 = arith.constant 0 : i32
      %add3A_51 = arith.addi %add3A_50, %mul3A_49 : i32
      %broadcast_in_dim3A = arith.constant 0.000000e+00 : f32
      %broadcast_in_dim3A_52 = vector.broadcast %broadcast_in_dim3A : f32 to vector<16xf32>
      %swap3A = arith.index_cast %add3A_51 : i32 to index
      %swap3A_53 = tpu.vector_load %arg7[%swap3A] {strides = array<i32>} : memref<40064xf32, #tpu.memory_space<vmem>>, vector<16xf32>,
      tpu.vector_store %arg7[%swap3A], %broadcast_in_dim3A_52 {strides = array<i32>} : memref<40064xf32, #tpu.memory_space<vmem>>, vector<16xf32>,
    }
    %scan3A_14 = arith.constant 2504 : i32
    %dma_start3A = arith.constant 0 : i32
    %dma_start3A_15 = tpu.memref_slice %arg8[%dma_start3A] : memref<25088xi32, #tpu.memory_space<vmem>> -> memref<12544xi32, #tpu.memory_space<vmem>>
    %dma_start3A_16 = arith.constant 0 : i32
    %dma_start3A_17 = tpu.memref_slice %arg2[%dma_start3A_16] : memref<401408xi32, #tpu.memory_space<hbm>> -> memref<12544xi32, #tpu.memory_space<hbm>>
    %dma_start3A_18 = arith.constant 0 : i32
    %dma_start3A_19 = tpu.memref_slice %arg8[%dma_start3A_18] : memref<25088xi32, #tpu.memory_space<vmem>> -> memref<12544xi32, #tpu.memory_space<vmem>>
    %dma_start3A_20 = arith.constant 0 : i32
    %dma_start3A_21 = tpu.memref_slice %arg2[%dma_start3A_20] : memref<401408xi32, #tpu.memory_space<hbm>> -> memref<12544xi32, #tpu.memory_space<hbm>>
    tpu.enqueue_dma source(%dma_start3A_21 : memref<12544xi32, #tpu.memory_space<hbm>>) target(%dma_start3A_19 : memref<12544xi32, #tpu.memory_space<vmem>>) target_semaphore(%arg10 : memref<!tpu.dma_semaphore, #tpu.memory_space<semaphore_mem>>)
    %scan3A_22 = arith.constant 0 : i32
    %scan3A_23 = arith.constant 32 : i32
    %scan3A_24 = arith.addi %scan3A_22, %scan3A_23 : i32
    %scan3A_25 = arith.constant 1 : i32
    scf.for %scan3A_47 = %scan3A_22 to %scan3A_24 step %scan3A_25  : i32 {
      %mul3A_48 = arith.constant 1 : i32
      %mul3A_49 = arith.muli %scan3A_47, %mul3A_48 : i32
      %add3A_50 = arith.constant 0 : i32
      %add3A_51 = arith.addi %add3A_50, %mul3A_49 : i32
      %rem3A = arith.constant 2 : i32
      %rem3A_52 = arith.remsi %add3A_51, %rem3A : i32
      %mul3A_53 = arith.constant 12544 : i32
      %mul3A_54 = arith.muli %rem3A_52, %mul3A_53 : i32
      %add3A_55 = arith.constant 1 : i32
      %add3A_56 = arith.addi %add3A_51, %add3A_55 : i32
      %lt3A = arith.constant 32 : i32
      %lt3A_57 = arith.cmpi slt, %add3A_56, %lt3A : i32
      %convert_element_type3A = arith.extui %lt3A_57 : i1 to i32
      %cond3A = arith.constant 0 : i32
      %cond3A_58 = arith.cmpi ne, %convert_element_type3A, %cond3A : i32
      scf.if %cond3A_58 {
        %add3A_69 = arith.constant 1 : i32
        %add3A_70 = arith.addi %add3A_51, %add3A_69 : i32
        %sub3A = arith.constant 12544 : i32
        %sub3A_71 = arith.subi %sub3A, %mul3A_54 : i32
        %mul3A_72 = arith.constant 12544 : i32
        %mul3A_73 = arith.muli %add3A_70, %mul3A_72 : i32
        %dma_start3A_74 = tpu.memref_slice %arg8[%sub3A_71] : memref<25088xi32, #tpu.memory_space<vmem>> -> memref<12544xi32, #tpu.memory_space<vmem>>
        %dma_start3A_75 = tpu.memref_slice %arg2[%mul3A_73] : memref<401408xi32, #tpu.memory_space<hbm>> -> memref<12544xi32, #tpu.memory_space<hbm>>
        %dma_start3A_76 = tpu.memref_slice %arg8[%sub3A_71] : memref<25088xi32, #tpu.memory_space<vmem>> -> memref<12544xi32, #tpu.memory_space<vmem>>
        %dma_start3A_77 = tpu.memref_slice %arg2[%mul3A_73] : memref<401408xi32, #tpu.memory_space<hbm>> -> memref<12544xi32, #tpu.memory_space<hbm>>
        tpu.enqueue_dma source(%dma_start3A_77 : memref<12544xi32, #tpu.memory_space<hbm>>) target(%dma_start3A_76 : memref<12544xi32, #tpu.memory_space<vmem>>) target_semaphore(%arg10 : memref<!tpu.dma_semaphore, #tpu.memory_space<semaphore_mem>>)
      } else {
      }
      %mul3A_59 = arith.constant 12544 : i32
      %mul3A_60 = arith.muli %add3A_51, %mul3A_59 : i32
      %dma_wait3A = tpu.memref_slice %arg8[%mul3A_54] : memref<25088xi32, #tpu.memory_space<vmem>> -> memref<12544xi32, #tpu.memory_space<vmem>>
      %dma_wait3A_61 = tpu.memref_slice %arg2[%mul3A_60] : memref<401408xi32, #tpu.memory_space<hbm>> -> memref<12544xi32, #tpu.memory_space<hbm>>
      %dma_wait3A_62 = tpu.memref_slice %arg8[%mul3A_54] : memref<25088xi32, #tpu.memory_space<vmem>> -> memref<12544xi32, #tpu.memory_space<vmem>>
      %dma_wait3A_63 = tpu.memref_slice %arg2[%mul3A_60] : memref<401408xi32, #tpu.memory_space<hbm>> -> memref<12544xi32, #tpu.memory_space<hbm>>
      tpu.wait_dma2 semaphore(%arg10 : memref<!tpu.dma_semaphore, #tpu.memory_space<semaphore_mem>>) src(%dma_wait3A_63 : memref<12544xi32, #tpu.memory_space<hbm>>) dst(%dma_wait3A_62 : memref<12544xi32, #tpu.memory_space<vmem>>)
      %mul3A_64 = arith.constant 16 : i32
      %mul3A_65 = arith.muli %add3A_51, %mul3A_64 : i32
      %get3A = arith.index_cast %mul3A_65 : i32 to index
      %get3A_66 = tpu.vector_load %arg9[%get3A] {strides = array<i32>} : memref<512xi32, #tpu.memory_space<vmem>>, vector<16xi32>,
      %slice3A = vector.extract_strided_slice %get3A_66 {offsets = [0], sizes = [1], strides = [1]} : vector<16xi32> to vector<1xi32>
      %squeeze3A = vector.extract %slice3A[0] : i32 from vector<1xi32>
      %shift_left3A = arith.constant 4 : i32
      %shift_left3A_67 = arith.shli %squeeze3A, %shift_left3A : i32
      %parallel_loop3A = arith.constant 0 : i32
      %parallel_loop3A_68 = arith.constant 16 : i32
      scf.for %parallel_loop3A_69 = %parallel_loop3A to %shift_left3A_67 step %parallel_loop3A_68  : i32 {
        %parallel_loop3A_70 = arith.addi %mul3A_54, %parallel_loop3A_69 : i32
        %parallel_loop3A_71 = arith.index_cast %parallel_loop3A_70 : i32 to index
        %parallel_loop3A_72 = tpu.vector_load %arg8[%parallel_loop3A_71] {strides = array<i32>} : memref<25088xi32, #tpu.memory_space<vmem>>, vector<16xi32>,
        %parallel_loop3A_73 = arith.constant 14 : i32
        %parallel_loop3A_74 = vector.broadcast %parallel_loop3A_73 : i32 to vector<16xi32>
        %parallel_loop3A_75 = arith.shrsi %parallel_loop3A_72, %parallel_loop3A_74 : vector<16xi32>
        %parallel_loop3A_76 = arith.constant 16383 : i32
        %parallel_loop3A_77 = vector.broadcast %parallel_loop3A_76 : i32 to vector<16xi32>
        %parallel_loop3A_78 = arith.andi %parallel_loop3A_72, %parallel_loop3A_77 : vector<16xi32>
        %parallel_loop3A_79 = arith.constant 0 : i32
        %parallel_loop3A_80 = vector.broadcast %parallel_loop3A_79 : i32 to vector<16xi32>
        %parallel_loop3A_81 = arith.addi %parallel_loop3A_75, %parallel_loop3A_80 : vector<16xi32>
        %parallel_loop3A_82 = tpu.vector_load_idx %arg6[%parallel_loop3A_81] : memref<20032xi32, #tpu.memory_space<vmem>>[vector<16xi32>], vector<16xi32>,
        %parallel_loop3A_83 = arith.constant 16 : i32
        %parallel_loop3A_84 = vector.broadcast %parallel_loop3A_83 : i32 to vector<16xi32>
        %parallel_loop3A_85 = arith.shli %parallel_loop3A_82, %parallel_loop3A_84 : vector<16xi32>
        %parallel_loop3A_86 = vector.bitcast %parallel_loop3A_85 : vector<16xi32> to vector<16xf32>
        %parallel_loop3A_87 = arith.constant -65536 : i32
        %parallel_loop3A_88 = vector.broadcast %parallel_loop3A_87 : i32 to vector<16xi32>
        %parallel_loop3A_89 = arith.andi %parallel_loop3A_82, %parallel_loop3A_88 : vector<16xi32>
        %parallel_loop3A_90 = vector.bitcast %parallel_loop3A_89 : vector<16xi32> to vector<16xf32>
        %parallel_loop3A_91 = arith.constant 0 : i32
        %parallel_loop3A_92 = vector.broadcast %parallel_loop3A_91 : i32 to vector<16xi32>
        %parallel_loop3A_93 = arith.addi %parallel_loop3A_78, %parallel_loop3A_92 : vector<16xi32>
        tpu.vector_store_idx %arg7[%parallel_loop3A_93], %parallel_loop3A_86 {add = true} : memref<40064xf32, #tpu.memory_space<vmem>>[vector<16xi32>], vector<16xf32>,
        %parallel_loop3A_94 = arith.constant 20032 : i32
        %parallel_loop3A_95 = vector.broadcast %parallel_loop3A_94 : i32 to vector<16xi32>
        %parallel_loop3A_96 = arith.addi %parallel_loop3A_78, %parallel_loop3A_95 : vector<16xi32>
        tpu.vector_store_idx %arg7[%parallel_loop3A_96], %parallel_loop3A_90 {add = true} : memref<40064xf32, #tpu.memory_space<vmem>>[vector<16xi32>], vector<16xf32>,
        %parallel_loop3A_97 = arith.constant 10016 : i32
        %parallel_loop3A_98 = vector.broadcast %parallel_loop3A_97 : i32 to vector<16xi32>
        %parallel_loop3A_99 = arith.addi %parallel_loop3A_75, %parallel_loop3A_98 : vector<16xi32>
        %parallel_loop3A_100 = tpu.vector_load_idx %arg6[%parallel_loop3A_99] : memref<20032xi32, #tpu.memory_space<vmem>>[vector<16xi32>], vector<16xi32>,
        %parallel_loop3A_101 = arith.constant 16 : i32
        %parallel_loop3A_102 = vector.broadcast %parallel_loop3A_101 : i32 to vector<16xi32>
        %parallel_loop3A_103 = arith.shli %parallel_loop3A_100, %parallel_loop3A_102 : vector<16xi32>
        %parallel_loop3A_104 = vector.bitcast %parallel_loop3A_103 : vector<16xi32> to vector<16xf32>
        %parallel_loop3A_105 = arith.constant -65536 : i32
        %parallel_loop3A_106 = vector.broadcast %parallel_loop3A_105 : i32 to vector<16xi32>
        %parallel_loop3A_107 = arith.andi %parallel_loop3A_100, %parallel_loop3A_106 : vector<16xi32>
        %parallel_loop3A_108 = vector.bitcast %parallel_loop3A_107 : vector<16xi32> to vector<16xf32>
        %parallel_loop3A_109 = arith.constant 10016 : i32
        %parallel_loop3A_110 = vector.broadcast %parallel_loop3A_109 : i32 to vector<16xi32>
        %parallel_loop3A_111 = arith.addi %parallel_loop3A_78, %parallel_loop3A_110 : vector<16xi32>
        tpu.vector_store_idx %arg7[%parallel_loop3A_111], %parallel_loop3A_104 {add = true} : memref<40064xf32, #tpu.memory_space<vmem>>[vector<16xi32>], vector<16xf32>,
        %parallel_loop3A_112 = arith.constant 30048 : i32
        %parallel_loop3A_113 = vector.broadcast %parallel_loop3A_112 : i32 to vector<16xi32>
        %parallel_loop3A_114 = arith.addi %parallel_loop3A_78, %parallel_loop3A_113 : vector<16xi32>
        tpu.vector_store_idx %arg7[%parallel_loop3A_114], %parallel_loop3A_108 {add = true} : memref<40064xf32, #tpu.memory_space<vmem>>[vector<16xi32>], vector<16xf32>,
      } {sc.loop_unroll_factor = 4 : i64, sc.parallel_access}
    }
    %scan3A_26 = arith.constant 32 : i32
    %add3A_27 = arith.constant 0 : i32
    %add3A_28 = arith.addi %mul3A_2, %add3A_27 : i32
    %mul3A_29 = arith.constant 10000 : i32
    %mul3A_30 = arith.muli %add3A_28, %mul3A_29 : i32
    "tpu.region"() ({
      %run_scoped3A = tpu.sem_alloc : memref<!tpu.dma_semaphore, #tpu.memory_space<semaphore_mem>>
      %dma_start3A_47 = arith.constant 0 : i32
      %dma_start3A_48 = tpu.memref_slice %arg7[%dma_start3A_47] : memref<40064xf32, #tpu.memory_space<vmem>> -> memref<10000xf32, #tpu.memory_space<vmem>>
      %dma_start3A_49 = tpu.memref_slice %arg5[%mul3A_30] : memref<1280000xf32, #tpu.memory_space<hbm>> -> memref<10000xf32, #tpu.memory_space<hbm>>
      %dma_start3A_50 = tpu.memref_slice %arg5[%mul3A_30] : memref<1280000xf32, #tpu.memory_space<hbm>> -> memref<10000xf32, #tpu.memory_space<hbm>>
      %dma_start3A_51 = arith.constant 0 : i32
      %dma_start3A_52 = tpu.memref_slice %arg7[%dma_start3A_51] : memref<40064xf32, #tpu.memory_space<vmem>> -> memref<10000xf32, #tpu.memory_space<vmem>>
      tpu.enqueue_dma source(%dma_start3A_52 : memref<10000xf32, #tpu.memory_space<vmem>>) target(%dma_start3A_50 : memref<10000xf32, #tpu.memory_space<hbm>>) target_semaphore(%run_scoped3A : memref<!tpu.dma_semaphore, #tpu.memory_space<semaphore_mem>>)
      %dma_wait3A = arith.constant 0 : i32
      %dma_wait3A_53 = tpu.memref_slice %arg7[%dma_wait3A] : memref<40064xf32, #tpu.memory_space<vmem>> -> memref<10000xf32, #tpu.memory_space<vmem>>
      %dma_wait3A_54 = tpu.memref_slice %arg5[%mul3A_30] : memref<1280000xf32, #tpu.memory_space<hbm>> -> memref<10000xf32, #tpu.memory_space<hbm>>
      %dma_wait3A_55 = tpu.memref_slice %arg5[%mul3A_30] : memref<1280000xf32, #tpu.memory_space<hbm>> -> memref<10000xf32, #tpu.memory_space<hbm>>
      %dma_wait3A_56 = arith.constant 0 : i32
      %dma_wait3A_57 = tpu.memref_slice %arg7[%dma_wait3A_56] : memref<40064xf32, #tpu.memory_space<vmem>> -> memref<10000xf32, #tpu.memory_space<vmem>>
      tpu.wait_dma2 semaphore(%run_scoped3A : memref<!tpu.dma_semaphore, #tpu.memory_space<semaphore_mem>>) src(%dma_wait3A_57 : memref<10000xf32, #tpu.memory_space<vmem>>) dst(%dma_wait3A_55 : memref<10000xf32, #tpu.memory_space<hbm>>)
      tpu.yield
    }) : () -> ()
    %add3A_31 = arith.constant 0 : i32
    %add3A_32 = arith.addi %mul3A_2, %add3A_31 : i32
    %add3A_33 = arith.constant 64 : i32
    %add3A_34 = arith.addi %add3A_32, %add3A_33 : i32
    %mul3A_35 = arith.constant 10000 : i32
    %mul3A_36 = arith.muli %add3A_34, %mul3A_35 : i32
    "tpu.region"() ({
      %run_scoped3A = tpu.sem_alloc : memref<!tpu.dma_semaphore, #tpu.memory_space<semaphore_mem>>
      %dma_start3A_47 = arith.constant 20032 : i32
      %dma_start3A_48 = tpu.memref_slice %arg7[%dma_start3A_47] : memref<40064xf32, #tpu.memory_space<vmem>> -> memref<10000xf32, #tpu.memory_space<vmem>>
      %dma_start3A_49 = tpu.memref_slice %arg5[%mul3A_36] : memref<1280000xf32, #tpu.memory_space<hbm>> -> memref<10000xf32, #tpu.memory_space<hbm>>
      %dma_start3A_50 = tpu.memref_slice %arg5[%mul3A_36] : memref<1280000xf32, #tpu.memory_space<hbm>> -> memref<10000xf32, #tpu.memory_space<hbm>>
      %dma_start3A_51 = arith.constant 20032 : i32
      %dma_start3A_52 = tpu.memref_slice %arg7[%dma_start3A_51] : memref<40064xf32, #tpu.memory_space<vmem>> -> memref<10000xf32, #tpu.memory_space<vmem>>
      tpu.enqueue_dma source(%dma_start3A_52 : memref<10000xf32, #tpu.memory_space<vmem>>) target(%dma_start3A_50 : memref<10000xf32, #tpu.memory_space<hbm>>) target_semaphore(%run_scoped3A : memref<!tpu.dma_semaphore, #tpu.memory_space<semaphore_mem>>)
      %dma_wait3A = arith.constant 20032 : i32
      %dma_wait3A_53 = tpu.memref_slice %arg7[%dma_wait3A] : memref<40064xf32, #tpu.memory_space<vmem>> -> memref<10000xf32, #tpu.memory_space<vmem>>
      %dma_wait3A_54 = tpu.memref_slice %arg5[%mul3A_36] : memref<1280000xf32, #tpu.memory_space<hbm>> -> memref<10000xf32, #tpu.memory_space<hbm>>
      %dma_wait3A_55 = tpu.memref_slice %arg5[%mul3A_36] : memref<1280000xf32, #tpu.memory_space<hbm>> -> memref<10000xf32, #tpu.memory_space<hbm>>
      %dma_wait3A_56 = arith.constant 20032 : i32
      %dma_wait3A_57 = tpu.memref_slice %arg7[%dma_wait3A_56] : memref<40064xf32, #tpu.memory_space<vmem>> -> memref<10000xf32, #tpu.memory_space<vmem>>
      tpu.wait_dma2 semaphore(%run_scoped3A : memref<!tpu.dma_semaphore, #tpu.memory_space<semaphore_mem>>) src(%dma_wait3A_57 : memref<10000xf32, #tpu.memory_space<vmem>>) dst(%dma_wait3A_55 : memref<10000xf32, #tpu.memory_space<hbm>>)
      tpu.yield
    }) : () -> ()
    %add3A_37 = arith.constant 1 : i32
    %add3A_38 = arith.addi %mul3A_2, %add3A_37 : i32
    %mul3A_39 = arith.constant 10000 : i32
    %mul3A_40 = arith.muli %add3A_38, %mul3A_39 : i32
    "tpu.region"() ({
      %run_scoped3A = tpu.sem_alloc : memref<!tpu.dma_semaphore, #tpu.memory_space<semaphore_mem>>
      %dma_start3A_47 = arith.constant 10016 : i32
      %dma_start3A_48 = tpu.memref_slice %arg7[%dma_start3A_47] : memref<40064xf32, #tpu.memory_space<vmem>> -> memref<10000xf32, #tpu.memory_space<vmem>>
      %dma_start3A_49 = tpu.memref_slice %arg5[%mul3A_40] : memref<1280000xf32, #tpu.memory_space<hbm>> -> memref<10000xf32, #tpu.memory_space<hbm>>
      %dma_start3A_50 = tpu.memref_slice %arg5[%mul3A_40] : memref<1280000xf32, #tpu.memory_space<hbm>> -> memref<10000xf32, #tpu.memory_space<hbm>>
      %dma_start3A_51 = arith.constant 10016 : i32
      %dma_start3A_52 = tpu.memref_slice %arg7[%dma_start3A_51] : memref<40064xf32, #tpu.memory_space<vmem>> -> memref<10000xf32, #tpu.memory_space<vmem>>
      tpu.enqueue_dma source(%dma_start3A_52 : memref<10000xf32, #tpu.memory_space<vmem>>) target(%dma_start3A_50 : memref<10000xf32, #tpu.memory_space<hbm>>) target_semaphore(%run_scoped3A : memref<!tpu.dma_semaphore, #tpu.memory_space<semaphore_mem>>)
      %dma_wait3A = arith.constant 10016 : i32
      %dma_wait3A_53 = tpu.memref_slice %arg7[%dma_wait3A] : memref<40064xf32, #tpu.memory_space<vmem>> -> memref<10000xf32, #tpu.memory_space<vmem>>
      %dma_wait3A_54 = tpu.memref_slice %arg5[%mul3A_40] : memref<1280000xf32, #tpu.memory_space<hbm>> -> memref<10000xf32, #tpu.memory_space<hbm>>
      %dma_wait3A_55 = tpu.memref_slice %arg5[%mul3A_40] : memref<1280000xf32, #tpu.memory_space<hbm>> -> memref<10000xf32, #tpu.memory_space<hbm>>
      %dma_wait3A_56 = arith.constant 10016 : i32
      %dma_wait3A_57 = tpu.memref_slice %arg7[%dma_wait3A_56] : memref<40064xf32, #tpu.memory_space<vmem>> -> memref<10000xf32, #tpu.memory_space<vmem>>
      tpu.wait_dma2 semaphore(%run_scoped3A : memref<!tpu.dma_semaphore, #tpu.memory_space<semaphore_mem>>) src(%dma_wait3A_57 : memref<10000xf32, #tpu.memory_space<vmem>>) dst(%dma_wait3A_55 : memref<10000xf32, #tpu.memory_space<hbm>>)
      tpu.yield
    }) : () -> ()
    %add3A_41 = arith.constant 1 : i32
    %add3A_42 = arith.addi %mul3A_2, %add3A_41 : i32
    %add3A_43 = arith.constant 64 : i32
    %add3A_44 = arith.addi %add3A_42, %add3A_43 : i32
    %mul3A_45 = arith.constant 10000 : i32
    %mul3A_46 = arith.muli %add3A_44, %mul3A_45 : i32
    "tpu.region"() ({
      %run_scoped3A = tpu.sem_alloc : memref<!tpu.dma_semaphore, #tpu.memory_space<semaphore_mem>>
      %dma_start3A_47 = arith.constant 30048 : i32
      %dma_start3A_48 = tpu.memref_slice %arg7[%dma_start3A_47] : memref<40064xf32, #tpu.memory_space<vmem>> -> memref<10000xf32, #tpu.memory_space<vmem>>
      %dma_start3A_49 = tpu.memref_slice %arg5[%mul3A_46] : memref<1280000xf32, #tpu.memory_space<hbm>> -> memref<10000xf32, #tpu.memory_space<hbm>>
      %dma_start3A_50 = tpu.memref_slice %arg5[%mul3A_46] : memref<1280000xf32, #tpu.memory_space<hbm>> -> memref<10000xf32, #tpu.memory_space<hbm>>
      %dma_start3A_51 = arith.constant 30048 : i32
      %dma_start3A_52 = tpu.memref_slice %arg7[%dma_start3A_51] : memref<40064xf32, #tpu.memory_space<vmem>> -> memref<10000xf32, #tpu.memory_space<vmem>>
      tpu.enqueue_dma source(%dma_start3A_52 : memref<10000xf32, #tpu.memory_space<vmem>>) target(%dma_start3A_50 : memref<10000xf32, #tpu.memory_space<hbm>>) target_semaphore(%run_scoped3A : memref<!tpu.dma_semaphore, #tpu.memory_space<semaphore_mem>>)
      %dma_wait3A = arith.constant 30048 : i32
      %dma_wait3A_53 = tpu.memref_slice %arg7[%dma_wait3A] : memref<40064xf32, #tpu.memory_space<vmem>> -> memref<10000xf32, #tpu.memory_space<vmem>>
      %dma_wait3A_54 = tpu.memref_slice %arg5[%mul3A_46] : memref<1280000xf32, #tpu.memory_space<hbm>> -> memref<10000xf32, #tpu.memory_space<hbm>>
      %dma_wait3A_55 = tpu.memref_slice %arg5[%mul3A_46] : memref<1280000xf32, #tpu.memory_space<hbm>> -> memref<10000xf32, #tpu.memory_space<hbm>>
      %dma_wait3A_56 = arith.constant 30048 : i32
      %dma_wait3A_57 = tpu.memref_slice %arg7[%dma_wait3A_56] : memref<40064xf32, #tpu.memory_space<vmem>> -> memref<10000xf32, #tpu.memory_space<vmem>>
      tpu.wait_dma2 semaphore(%run_scoped3A : memref<!tpu.dma_semaphore, #tpu.memory_space<semaphore_mem>>) src(%dma_wait3A_57 : memref<10000xf32, #tpu.memory_space<vmem>>) dst(%dma_wait3A_55 : memref<10000xf32, #tpu.memory_space<hbm>>)
      tpu.yield
    }) : () -> ()
    return
  }
}

module attributes {stable_mosaic.version = 14 : i64} {
  func.func @body(%arg0: memref<64x128xf32, #tpu.memory_space<vmem>>, %arg1: memref<10000x128xf32, #tpu.memory_space<vmem>>, %arg2: memref<32x10016xf32, #tpu.memory_space<vmem>>, %arg3: memref<64x10000xf32, #tpu.memory_space<vmem>>, %arg4: memref<32x10000xi32, #tpu.memory_space<vmem>>, %arg5: memref<1x10000xf32, #tpu.memory_space<vmem>>, %arg6: memref<1x10000xf32, #tpu.memory_space<vmem>>) attributes {dimension_semantics = [], scalar_prefetch = 0 : i64, scratch_operands = 0 : i64, tpu.core_type = #tpu.core_type<tc>} {
    %get3A = arith.constant 0 : index
    %get3A_0 = arith.constant 0 : index
    %get3A_1 = vector.load %arg0[%get3A, %get3A_0] : memref<64x128xf32, #tpu.memory_space<vmem>>, vector<64x128xf32>
    %get3A_2 = arith.constant 0 : index
    %get3A_3 = arith.constant 0 : index
    %get3A_4 = vector.load %arg1[%get3A_2, %get3A_3] : memref<10000x128xf32, #tpu.memory_space<vmem>>, vector<10000x128xf32>
    %dot_general3A = arith.constant dense<0.000000e+00> : vector<64x10000xf32>
    %dot_general3A_5 = tpu.matmul %get3A_1, %get3A_4, %dot_general3A {dimension_numbers = #tpu.dot_dimension_numbers<[1], [1], [0], [0], [0, 0, 1, 0], [], []>, transpose_lhs_hint = false} : vector<64x128xf32>, vector<10000x128xf32>, vector<64x10000xf32> -> vector<64x10000xf32>
    %get3A_6 = arith.constant 0 : index
    %get3A_7 = arith.constant 0 : index
    %get3A_8 = vector.load %arg2[%get3A_6, %get3A_7] : memref<32x10016xf32, #tpu.memory_space<vmem>>, vector<32x10016xf32>
    %reduce_sum3A = arith.constant dense<0.000000e+00> : vector<10016xf32>
    %reduce_sum3A_9 = vector.multi_reduction <add>, %get3A_8, %reduce_sum3A [0] : vector<32x10016xf32> to vector<10016xf32>
    %broadcast_in_dim3A = vector.shape_cast %reduce_sum3A_9 : vector<10016xf32> to vector<1x10016xf32>
    %slice3A = vector.extract_strided_slice %broadcast_in_dim3A {offsets = [0, 0], sizes = [1, 10000], strides = [1, 1]} : vector<1x10016xf32> to vector<1x10000xf32>
    %add3A = arith.constant 1.000000e+00 : f32
    %add3A_10 = vector.broadcast %add3A : f32 to vector<1x10000xf32>
    %add3A_11 = arith.addf %slice3A, %add3A_10 : vector<1x10000xf32>
    %rsqrt3A = math.rsqrt %add3A_11 : vector<1x10000xf32>
    %swap3A = arith.constant 0 : index
    %swap3A_12 = arith.constant 0 : index
    %swap3A_13 = vector.load %arg3[%swap3A, %swap3A_12] : memref<64x10000xf32, #tpu.memory_space<vmem>>, vector<64x10000xf32>
    tpu.vector_store %arg3[%swap3A, %swap3A_12], %dot_general3A_5 {strides = array<i32>} : memref<64x10000xf32, #tpu.memory_space<vmem>>, vector<64x10000xf32>,
    %mul3A = vector.broadcast %rsqrt3A : vector<1x10000xf32> to vector<64x10000xf32>
    %mul3A_14 = arith.mulf %mul3A, %dot_general3A_5 : vector<64x10000xf32>
    %slice3A_15 = vector.extract_strided_slice %mul3A_14 {offsets = [0, 0], sizes = [32, 10000], strides = [1, 1]} : vector<64x10000xf32> to vector<32x10000xf32>
    %convert_element_type3A = arith.truncf %slice3A_15 : vector<32x10000xf32> to vector<32x10000xbf16>
    %bitcast_convert_type3A = tpu.bitcast %convert_element_type3A : vector<32x10000xbf16> -> vector<32x10000xi16>
    %convert_element_type3A_16 = arith.extui %bitcast_convert_type3A : vector<32x10000xi16> to vector<32x10000xi32>
    %slice3A_17 = vector.extract_strided_slice %mul3A_14 {offsets = [32, 0], sizes = [32, 10000], strides = [1, 1]} : vector<64x10000xf32> to vector<32x10000xf32>
    %convert_element_type3A_18 = arith.truncf %slice3A_17 : vector<32x10000xf32> to vector<32x10000xbf16>
    %bitcast_convert_type3A_19 = tpu.bitcast %convert_element_type3A_18 : vector<32x10000xbf16> -> vector<32x10000xi16>
    %convert_element_type3A_20 = arith.extui %bitcast_convert_type3A_19 : vector<32x10000xi16> to vector<32x10000xi32>
    %shift_left3A = arith.constant 16 : i32
    %shift_left3A_21 = vector.broadcast %shift_left3A : i32 to vector<32x10000xi32>
    %shift_left3A_22 = arith.shli %convert_element_type3A_20, %shift_left3A_21 : vector<32x10000xi32>
    %or3A = arith.ori %convert_element_type3A_16, %shift_left3A_22 : vector<32x10000xi32>
    %bitcast_convert_type3A_23 = tpu.bitcast %or3A : vector<32x10000xi32> -> vector<32x10000xi32>
    %swap3A_24 = arith.constant 0 : index
    %swap3A_25 = arith.constant 0 : index
    %swap3A_26 = vector.load %arg4[%swap3A_24, %swap3A_25] : memref<32x10000xi32, #tpu.memory_space<vmem>>, vector<32x10000xi32>
    tpu.vector_store %arg4[%swap3A_24, %swap3A_25], %bitcast_convert_type3A_23 {strides = array<i32>} : memref<32x10000xi32, #tpu.memory_space<vmem>>, vector<32x10000xi32>,
    %swap3A_27 = arith.constant 0 : index
    %swap3A_28 = arith.constant 0 : index
    %swap3A_29 = vector.load %arg5[%swap3A_27, %swap3A_28] : memref<1x10000xf32, #tpu.memory_space<vmem>>, vector<1x10000xf32>
    tpu.vector_store %arg5[%swap3A_27, %swap3A_28], %rsqrt3A {strides = array<i32>} : memref<1x10000xf32, #tpu.memory_space<vmem>>, vector<1x10000xf32>,
    %div3A = arith.constant 1.000000e+00 : f32
    %div3A_30 = vector.broadcast %div3A : f32 to vector<1x10000xf32>
    %div3A_31 = arith.divf %div3A_30, %add3A_11 : vector<1x10000xf32>
    %swap3A_32 = arith.constant 0 : index
    %swap3A_33 = arith.constant 0 : index
    %swap3A_34 = vector.load %arg6[%swap3A_32, %swap3A_33] : memref<1x10000xf32, #tpu.memory_space<vmem>>, vector<1x10000xf32>
    tpu.vector_store %arg6[%swap3A_32, %swap3A_33], %div3A_31 {strides = array<i32>} : memref<1x10000xf32, #tpu.memory_space<vmem>>, vector<1x10000xf32>,
    return
  }
}

module attributes {stable_mosaic.version = 14 : i64} {
  func.func @body(%arg0: memref<64x10000xf32, #tpu.memory_space<vmem>>, %arg1: memref<64x10000xf32, #tpu.memory_space<vmem>>, %arg2: memref<1x10000xf32, #tpu.memory_space<vmem>>, %arg3: memref<1x10000xf32, #tpu.memory_space<vmem>>, %arg4: memref<64x1xf32, #tpu.memory_space<vmem>>, %arg5: memref<64x64xf32, #tpu.memory_space<vmem>>, %arg6: memref<64x10000xf32, #tpu.memory_space<vmem>>, %arg7: memref<32x10000xi32, #tpu.memory_space<vmem>>) attributes {dimension_semantics = [], scalar_prefetch = 0 : i64, scratch_operands = 0 : i64, tpu.core_type = #tpu.core_type<tc>} {
    %get3A = arith.constant 0 : index
    %get3A_0 = arith.constant 0 : index
    %get3A_1 = vector.load %arg2[%get3A, %get3A_0] : memref<1x10000xf32, #tpu.memory_space<vmem>>, vector<1x10000xf32>
    %get3A_2 = arith.constant 0 : index
    %get3A_3 = arith.constant 0 : index
    %get3A_4 = vector.load %arg0[%get3A_2, %get3A_3] : memref<64x10000xf32, #tpu.memory_space<vmem>>, vector<64x10000xf32>
    %mul3A = vector.broadcast %get3A_1 : vector<1x10000xf32> to vector<64x10000xf32>
    %mul3A_5 = arith.mulf %mul3A, %get3A_4 : vector<64x10000xf32>
    %get3A_6 = arith.constant 0 : index
    %get3A_7 = arith.constant 0 : index
    %get3A_8 = vector.load %arg3[%get3A_6, %get3A_7] : memref<1x10000xf32, #tpu.memory_space<vmem>>, vector<1x10000xf32>
    %get3A_9 = arith.constant 0 : index
    %get3A_10 = arith.constant 0 : index
    %get3A_11 = vector.load %arg1[%get3A_9, %get3A_10] : memref<64x10000xf32, #tpu.memory_space<vmem>>, vector<64x10000xf32>
    %mul3A_12 = vector.broadcast %get3A_8 : vector<1x10000xf32> to vector<64x10000xf32>
    %mul3A_13 = arith.mulf %mul3A_12, %get3A_11 : vector<64x10000xf32>
    %add3A = arith.addf %mul3A_5, %mul3A_13 : vector<64x10000xf32>
    %get3A_14 = arith.constant 0 : index
    %get3A_15 = arith.constant 0 : index
    %get3A_16 = vector.load %arg4[%get3A_14, %get3A_15] : memref<64x1xf32, #tpu.memory_space<vmem>>, vector<64x1xf32>
    %add3A_17 = vector.broadcast %get3A_16 : vector<64x1xf32> to vector<64x10000xf32>
    %add3A_18 = arith.addf %add3A, %add3A_17 : vector<64x10000xf32>
    %reduce_sum3A = arith.constant dense<0.000000e+00> : vector<64xf32>
    %reduce_sum3A_19 = vector.multi_reduction <add>, %add3A_18, %reduce_sum3A [1] : vector<64x10000xf32> to vector<64xf32>
    %broadcast_in_dim3A = vector.shape_cast %reduce_sum3A_19 : vector<64xf32> to vector<64x1xf32>
    %div3A = arith.constant 1.000000e+04 : f32
    %div3A_20 = vector.broadcast %div3A : f32 to vector<64x1xf32>
    %div3A_21 = arith.divf %broadcast_in_dim3A, %div3A_20 : vector<64x1xf32>
    %sub3A = vector.broadcast %div3A_21 : vector<64x1xf32> to vector<64x10000xf32>
    %sub3A_22 = arith.subf %add3A_18, %sub3A : vector<64x10000xf32>
    %mul3A_23 = arith.mulf %sub3A_22, %sub3A_22 : vector<64x10000xf32>
    %reduce_sum3A_24 = arith.constant dense<0.000000e+00> : vector<64xf32>
    %reduce_sum3A_25 = vector.multi_reduction <add>, %mul3A_23, %reduce_sum3A_24 [1] : vector<64x10000xf32> to vector<64xf32>
    %broadcast_in_dim3A_26 = vector.shape_cast %reduce_sum3A_25 : vector<64xf32> to vector<64x1xf32>
    %div3A_27 = arith.constant 1.000000e+04 : f32
    %div3A_28 = vector.broadcast %div3A_27 : f32 to vector<64x1xf32>
    %div3A_29 = arith.divf %broadcast_in_dim3A_26, %div3A_28 : vector<64x1xf32>
    %add3A_30 = arith.constant 9.99999974E-6 : f32
    %add3A_31 = vector.broadcast %add3A_30 : f32 to vector<64x1xf32>
    %add3A_32 = arith.addf %div3A_29, %add3A_31 : vector<64x1xf32>
    %rsqrt3A = math.rsqrt %add3A_32 : vector<64x1xf32>
    %mul3A_33 = vector.broadcast %rsqrt3A : vector<64x1xf32> to vector<64x10000xf32>
    %mul3A_34 = arith.mulf %sub3A_22, %mul3A_33 : vector<64x10000xf32>
    %max3A = arith.constant 0.000000e+00 : f32
    %max3A_35 = vector.broadcast %max3A : f32 to vector<64x10000xf32>
    %max3A_36 = arith.maximumf %mul3A_34, %max3A_35 : vector<64x10000xf32>
    %get3A_37 = arith.constant 0 : index
    %get3A_38 = arith.constant 0 : index
    %get3A_39 = vector.load %arg5[%get3A_37, %get3A_38] : memref<64x64xf32, #tpu.memory_space<vmem>>, vector<64x64xf32>
    %dot_general3A = arith.constant dense<0.000000e+00> : vector<64x10000xf32>
    %dot_general3A_40 = tpu.matmul %get3A_39, %max3A_36, %dot_general3A {dimension_numbers = #tpu.dot_dimension_numbers<[1], [0], [0], [1], [0, 0, 1, 1], [], []>, transpose_lhs_hint = false} : vector<64x64xf32>, vector<64x10000xf32>, vector<64x10000xf32> -> vector<64x10000xf32>
    %swap3A = arith.constant 0 : index
    %swap3A_41 = arith.constant 0 : index
    %swap3A_42 = vector.load %arg6[%swap3A, %swap3A_41] : memref<64x10000xf32, #tpu.memory_space<vmem>>, vector<64x10000xf32>
    tpu.vector_store %arg6[%swap3A, %swap3A_41], %dot_general3A_40 {strides = array<i32>} : memref<64x10000xf32, #tpu.memory_space<vmem>>, vector<64x10000xf32>,
    %get3A_43 = arith.constant 0 : index
    %get3A_44 = arith.constant 0 : index
    %get3A_45 = vector.load %arg2[%get3A_43, %get3A_44] : memref<1x10000xf32, #tpu.memory_space<vmem>>, vector<1x10000xf32>
    %mul3A_46 = vector.broadcast %get3A_45 : vector<1x10000xf32> to vector<64x10000xf32>
    %mul3A_47 = arith.mulf %mul3A_46, %dot_general3A_40 : vector<64x10000xf32>
    %slice3A = vector.extract_strided_slice %mul3A_47 {offsets = [0, 0], sizes = [32, 10000], strides = [1, 1]} : vector<64x10000xf32> to vector<32x10000xf32>
    %convert_element_type3A = arith.truncf %slice3A : vector<32x10000xf32> to vector<32x10000xbf16>
    %bitcast_convert_type3A = tpu.bitcast %convert_element_type3A : vector<32x10000xbf16> -> vector<32x10000xi16>
    %convert_element_type3A_48 = arith.extui %bitcast_convert_type3A : vector<32x10000xi16> to vector<32x10000xi32>
    %slice3A_49 = vector.extract_strided_slice %mul3A_47 {offsets = [32, 0], sizes = [32, 10000], strides = [1, 1]} : vector<64x10000xf32> to vector<32x10000xf32>
    %convert_element_type3A_50 = arith.truncf %slice3A_49 : vector<32x10000xf32> to vector<32x10000xbf16>
    %bitcast_convert_type3A_51 = tpu.bitcast %convert_element_type3A_50 : vector<32x10000xbf16> -> vector<32x10000xi16>
    %convert_element_type3A_52 = arith.extui %bitcast_convert_type3A_51 : vector<32x10000xi16> to vector<32x10000xi32>
    %shift_left3A = arith.constant 16 : i32
    %shift_left3A_53 = vector.broadcast %shift_left3A : i32 to vector<32x10000xi32>
    %shift_left3A_54 = arith.shli %convert_element_type3A_52, %shift_left3A_53 : vector<32x10000xi32>
    %or3A = arith.ori %convert_element_type3A_48, %shift_left3A_54 : vector<32x10000xi32>
    %bitcast_convert_type3A_55 = tpu.bitcast %or3A : vector<32x10000xi32> -> vector<32x10000xi32>
    %swap3A_56 = arith.constant 0 : index
    %swap3A_57 = arith.constant 0 : index
    %swap3A_58 = vector.load %arg7[%swap3A_56, %swap3A_57] : memref<32x10000xi32, #tpu.memory_space<vmem>>, vector<32x10000xi32>
    tpu.vector_store %arg7[%swap3A_56, %swap3A_57], %bitcast_convert_type3A_55 {strides = array<i32>} : memref<32x10000xi32, #tpu.memory_space<vmem>>, vector<32x10000xi32>,
    return
  }
}

module attributes {stable_mosaic.version = 14 : i64} {
  func.func @body(%arg0: memref<64x10000xf32, #tpu.memory_space<vmem>>, %arg1: memref<64x10000xf32, #tpu.memory_space<vmem>>, %arg2: memref<1x10000xf32, #tpu.memory_space<vmem>>, %arg3: memref<1x10000xf32, #tpu.memory_space<vmem>>, %arg4: memref<64x1xf32, #tpu.memory_space<vmem>>, %arg5: memref<128x64xf32, #tpu.memory_space<vmem>>, %arg6: memref<128x10000xf32, #tpu.memory_space<vmem>>, %arg7: memref<64x10000xi32, #tpu.memory_space<vmem>>) attributes {dimension_semantics = [], scalar_prefetch = 0 : i64, scratch_operands = 0 : i64, tpu.core_type = #tpu.core_type<tc>} {
    %get3A = arith.constant 0 : index
    %get3A_0 = arith.constant 0 : index
    %get3A_1 = vector.load %arg2[%get3A, %get3A_0] : memref<1x10000xf32, #tpu.memory_space<vmem>>, vector<1x10000xf32>
    %get3A_2 = arith.constant 0 : index
    %get3A_3 = arith.constant 0 : index
    %get3A_4 = vector.load %arg0[%get3A_2, %get3A_3] : memref<64x10000xf32, #tpu.memory_space<vmem>>, vector<64x10000xf32>
    %mul3A = vector.broadcast %get3A_1 : vector<1x10000xf32> to vector<64x10000xf32>
    %mul3A_5 = arith.mulf %mul3A, %get3A_4 : vector<64x10000xf32>
    %get3A_6 = arith.constant 0 : index
    %get3A_7 = arith.constant 0 : index
    %get3A_8 = vector.load %arg3[%get3A_6, %get3A_7] : memref<1x10000xf32, #tpu.memory_space<vmem>>, vector<1x10000xf32>
    %get3A_9 = arith.constant 0 : index
    %get3A_10 = arith.constant 0 : index
    %get3A_11 = vector.load %arg1[%get3A_9, %get3A_10] : memref<64x10000xf32, #tpu.memory_space<vmem>>, vector<64x10000xf32>
    %mul3A_12 = vector.broadcast %get3A_8 : vector<1x10000xf32> to vector<64x10000xf32>
    %mul3A_13 = arith.mulf %mul3A_12, %get3A_11 : vector<64x10000xf32>
    %add3A = arith.addf %mul3A_5, %mul3A_13 : vector<64x10000xf32>
    %get3A_14 = arith.constant 0 : index
    %get3A_15 = arith.constant 0 : index
    %get3A_16 = vector.load %arg4[%get3A_14, %get3A_15] : memref<64x1xf32, #tpu.memory_space<vmem>>, vector<64x1xf32>
    %add3A_17 = vector.broadcast %get3A_16 : vector<64x1xf32> to vector<64x10000xf32>
    %add3A_18 = arith.addf %add3A, %add3A_17 : vector<64x10000xf32>
    %reduce_sum3A = arith.constant dense<0.000000e+00> : vector<64xf32>
    %reduce_sum3A_19 = vector.multi_reduction <add>, %add3A_18, %reduce_sum3A [1] : vector<64x10000xf32> to vector<64xf32>
    %broadcast_in_dim3A = vector.shape_cast %reduce_sum3A_19 : vector<64xf32> to vector<64x1xf32>
    %div3A = arith.constant 1.000000e+04 : f32
    %div3A_20 = vector.broadcast %div3A : f32 to vector<64x1xf32>
    %div3A_21 = arith.divf %broadcast_in_dim3A, %div3A_20 : vector<64x1xf32>
    %sub3A = vector.broadcast %div3A_21 : vector<64x1xf32> to vector<64x10000xf32>
    %sub3A_22 = arith.subf %add3A_18, %sub3A : vector<64x10000xf32>
    %mul3A_23 = arith.mulf %sub3A_22, %sub3A_22 : vector<64x10000xf32>
    %reduce_sum3A_24 = arith.constant dense<0.000000e+00> : vector<64xf32>
    %reduce_sum3A_25 = vector.multi_reduction <add>, %mul3A_23, %reduce_sum3A_24 [1] : vector<64x10000xf32> to vector<64xf32>
    %broadcast_in_dim3A_26 = vector.shape_cast %reduce_sum3A_25 : vector<64xf32> to vector<64x1xf32>
    %div3A_27 = arith.constant 1.000000e+04 : f32
    %div3A_28 = vector.broadcast %div3A_27 : f32 to vector<64x1xf32>
    %div3A_29 = arith.divf %broadcast_in_dim3A_26, %div3A_28 : vector<64x1xf32>
    %add3A_30 = arith.constant 9.99999974E-6 : f32
    %add3A_31 = vector.broadcast %add3A_30 : f32 to vector<64x1xf32>
    %add3A_32 = arith.addf %div3A_29, %add3A_31 : vector<64x1xf32>
    %rsqrt3A = math.rsqrt %add3A_32 : vector<64x1xf32>
    %mul3A_33 = vector.broadcast %rsqrt3A : vector<64x1xf32> to vector<64x10000xf32>
    %mul3A_34 = arith.mulf %sub3A_22, %mul3A_33 : vector<64x10000xf32>
    %max3A = arith.constant 0.000000e+00 : f32
    %max3A_35 = vector.broadcast %max3A : f32 to vector<64x10000xf32>
    %max3A_36 = arith.maximumf %mul3A_34, %max3A_35 : vector<64x10000xf32>
    %get3A_37 = arith.constant 0 : index
    %get3A_38 = arith.constant 0 : index
    %get3A_39 = vector.load %arg5[%get3A_37, %get3A_38] : memref<128x64xf32, #tpu.memory_space<vmem>>, vector<128x64xf32>
    %dot_general3A = arith.constant dense<0.000000e+00> : vector<128x10000xf32>
    %dot_general3A_40 = tpu.matmul %get3A_39, %max3A_36, %dot_general3A {dimension_numbers = #tpu.dot_dimension_numbers<[1], [0], [0], [1], [0, 0, 1, 1], [], []>, transpose_lhs_hint = false} : vector<128x64xf32>, vector<64x10000xf32>, vector<128x10000xf32> -> vector<128x10000xf32>
    %swap3A = arith.constant 0 : index
    %swap3A_41 = arith.constant 0 : index
    %swap3A_42 = vector.load %arg6[%swap3A, %swap3A_41] : memref<128x10000xf32, #tpu.memory_space<vmem>>, vector<128x10000xf32>
    tpu.vector_store %arg6[%swap3A, %swap3A_41], %dot_general3A_40 {strides = array<i32>} : memref<128x10000xf32, #tpu.memory_space<vmem>>, vector<128x10000xf32>,
    %get3A_43 = arith.constant 0 : index
    %get3A_44 = arith.constant 0 : index
    %get3A_45 = vector.load %arg2[%get3A_43, %get3A_44] : memref<1x10000xf32, #tpu.memory_space<vmem>>, vector<1x10000xf32>
    %mul3A_46 = vector.broadcast %get3A_45 : vector<1x10000xf32> to vector<128x10000xf32>
    %mul3A_47 = arith.mulf %mul3A_46, %dot_general3A_40 : vector<128x10000xf32>
    %slice3A = vector.extract_strided_slice %mul3A_47 {offsets = [0, 0], sizes = [64, 10000], strides = [1, 1]} : vector<128x10000xf32> to vector<64x10000xf32>
    %convert_element_type3A = arith.truncf %slice3A : vector<64x10000xf32> to vector<64x10000xbf16>
    %bitcast_convert_type3A = tpu.bitcast %convert_element_type3A : vector<64x10000xbf16> -> vector<64x10000xi16>
    %convert_element_type3A_48 = arith.extui %bitcast_convert_type3A : vector<64x10000xi16> to vector<64x10000xi32>
    %slice3A_49 = vector.extract_strided_slice %mul3A_47 {offsets = [64, 0], sizes = [64, 10000], strides = [1, 1]} : vector<128x10000xf32> to vector<64x10000xf32>
    %convert_element_type3A_50 = arith.truncf %slice3A_49 : vector<64x10000xf32> to vector<64x10000xbf16>
    %bitcast_convert_type3A_51 = tpu.bitcast %convert_element_type3A_50 : vector<64x10000xbf16> -> vector<64x10000xi16>
    %convert_element_type3A_52 = arith.extui %bitcast_convert_type3A_51 : vector<64x10000xi16> to vector<64x10000xi32>
    %shift_left3A = arith.constant 16 : i32
    %shift_left3A_53 = vector.broadcast %shift_left3A : i32 to vector<64x10000xi32>
    %shift_left3A_54 = arith.shli %convert_element_type3A_52, %shift_left3A_53 : vector<64x10000xi32>
    %or3A = arith.ori %convert_element_type3A_48, %shift_left3A_54 : vector<64x10000xi32>
    %bitcast_convert_type3A_55 = tpu.bitcast %or3A : vector<64x10000xi32> -> vector<64x10000xi32>
    %swap3A_56 = arith.constant 0 : index
    %swap3A_57 = arith.constant 0 : index
    %swap3A_58 = vector.load %arg7[%swap3A_56, %swap3A_57] : memref<64x10000xi32, #tpu.memory_space<vmem>>, vector<64x10000xi32>
    tpu.vector_store %arg7[%swap3A_56, %swap3A_57], %bitcast_convert_type3A_55 {strides = array<i32>} : memref<64x10000xi32, #tpu.memory_space<vmem>>, vector<64x10000xi32>,
    return
  }
}

module attributes {stable_mosaic.version = 14 : i64} {
  func.func @body(%arg0: memref<128x10000xf32, #tpu.memory_space<vmem>>, %arg1: memref<128x10000xf32, #tpu.memory_space<vmem>>, %arg2: memref<1x10000xf32, #tpu.memory_space<vmem>>, %arg3: memref<1x10000xf32, #tpu.memory_space<vmem>>, %arg4: memref<128x1xf32, #tpu.memory_space<vmem>>, %arg5: memref<128x10000xf32, #tpu.memory_space<vmem>>) attributes {dimension_semantics = [], scalar_prefetch = 0 : i64, scratch_operands = 0 : i64, tpu.core_type = #tpu.core_type<tc>} {
    %get3A = arith.constant 0 : index
    %get3A_0 = arith.constant 0 : index
    %get3A_1 = vector.load %arg2[%get3A, %get3A_0] : memref<1x10000xf32, #tpu.memory_space<vmem>>, vector<1x10000xf32>
    %get3A_2 = arith.constant 0 : index
    %get3A_3 = arith.constant 0 : index
    %get3A_4 = vector.load %arg0[%get3A_2, %get3A_3] : memref<128x10000xf32, #tpu.memory_space<vmem>>, vector<128x10000xf32>
    %mul3A = vector.broadcast %get3A_1 : vector<1x10000xf32> to vector<128x10000xf32>
    %mul3A_5 = arith.mulf %mul3A, %get3A_4 : vector<128x10000xf32>
    %get3A_6 = arith.constant 0 : index
    %get3A_7 = arith.constant 0 : index
    %get3A_8 = vector.load %arg3[%get3A_6, %get3A_7] : memref<1x10000xf32, #tpu.memory_space<vmem>>, vector<1x10000xf32>
    %get3A_9 = arith.constant 0 : index
    %get3A_10 = arith.constant 0 : index
    %get3A_11 = vector.load %arg1[%get3A_9, %get3A_10] : memref<128x10000xf32, #tpu.memory_space<vmem>>, vector<128x10000xf32>
    %mul3A_12 = vector.broadcast %get3A_8 : vector<1x10000xf32> to vector<128x10000xf32>
    %mul3A_13 = arith.mulf %mul3A_12, %get3A_11 : vector<128x10000xf32>
    %add3A = arith.addf %mul3A_5, %mul3A_13 : vector<128x10000xf32>
    %get3A_14 = arith.constant 0 : index
    %get3A_15 = arith.constant 0 : index
    %get3A_16 = vector.load %arg4[%get3A_14, %get3A_15] : memref<128x1xf32, #tpu.memory_space<vmem>>, vector<128x1xf32>
    %add3A_17 = vector.broadcast %get3A_16 : vector<128x1xf32> to vector<128x10000xf32>
    %add3A_18 = arith.addf %add3A, %add3A_17 : vector<128x10000xf32>
    %reduce_max3A = arith.constant dense<0xFF800000> : vector<10000xf32>
    %reduce_max3A_19 = vector.multi_reduction <maximumf>, %add3A_18, %reduce_max3A [0] : vector<128x10000xf32> to vector<10000xf32>
    %broadcast_in_dim3A = vector.shape_cast %reduce_max3A_19 : vector<10000xf32> to vector<1x10000xf32>
    %sub3A = vector.broadcast %broadcast_in_dim3A : vector<1x10000xf32> to vector<128x10000xf32>
    %sub3A_20 = arith.subf %add3A_18, %sub3A : vector<128x10000xf32>
    %exp3A = math.exp %sub3A_20 : vector<128x10000xf32>
    %reduce_sum3A = arith.constant dense<0.000000e+00> : vector<10000xf32>
    %reduce_sum3A_21 = vector.multi_reduction <add>, %exp3A, %reduce_sum3A [0] : vector<128x10000xf32> to vector<10000xf32>
    %broadcast_in_dim3A_22 = vector.shape_cast %reduce_sum3A_21 : vector<10000xf32> to vector<1x10000xf32>
    %log3A = math.log %broadcast_in_dim3A_22 : vector<1x10000xf32>
    %add3A_23 = arith.addf %log3A, %broadcast_in_dim3A : vector<1x10000xf32>
    %sub3A_24 = vector.broadcast %add3A_23 : vector<1x10000xf32> to vector<128x10000xf32>
    %sub3A_25 = arith.subf %add3A_18, %sub3A_24 : vector<128x10000xf32>
    %swap3A = arith.constant 0 : index
    %swap3A_26 = arith.constant 0 : index
    %swap3A_27 = vector.load %arg5[%swap3A, %swap3A_26] : memref<128x10000xf32, #tpu.memory_space<vmem>>, vector<128x10000xf32>
    tpu.vector_store %arg5[%swap3A, %swap3A_26], %sub3A_25 {strides = array<i32>} : memref<128x10000xf32, #tpu.memory_space<vmem>>, vector<128x10000xf32>,
    return
  }
}

</mosaic_0001>

<sc_bundles>
// kernel: kernel.10.cloned.1.call-start
scs
__scs_entry_jumppad:
0x0: {  	(pc) =	sbr.rel $0x88, $3  }
0x1: {  	(tag) =	ssettag $0x0;
	lr =	simm.s32 $0x1  }
0x2: {  	[smem:$0x3F99] =	sst lr;
	_ =	strace $0xD0000000  }
0x3: {  	_ = 	snop  }
0x4: {  	_ = 	snop  }
0x5: {  	_ = 	snop  }
0x6: {  	_ = 	snop  }
0x7: {  	_ = 	snop  }
__scs_overlays_trampoline_lowered:
0x8: {  	[smem:$0x3FA8] =	sst s0  }
0x9: {  	[smem:$0x3FA9] =	sst s1  }
0xa: {  	[smem:$0x3FAA] =	sst s2  }
0xb: {  	[smem:$0x3FAB] =	sst s3  }
0xc: {  	[smem:$0x3FAC] =	sst s4  }
0xd: {  	[smem:$0x3FAD] =	sst s5  }
0xe: {  	[smem:$0x3FAE] =	sst s6  }
0xf: {  	[smem:$0x3FAF] =	sst s7  }
0x10: {  	[smem:$0x3FB0] =	sst s8  }
0x11: {  	[smem:$0x3FB1] =	sst s9;
	s0 =	simm.s32 @!p0 $0x0  }
0x12: {  	s1 =	sld [smem:$0x3F97];
	s0 =	simm.s32 @p0 $0x1  }
0x13: {  	[smem:$0x3FB2] =	sst s0;
	s0 =	simm.s32 @!p1 $0x0  }
0x14: {  	s2 =	sld [smem:$0x3F96];
	s0 =	simm.s32 @p1 $0x1  }
0x15: {  	[smem:$0x3FB3] =	sst s0;
	s0 =	simm.s32 @!p2 $0x0  }
0x16: {  	s3 =	sld [smem:$0x3FDB];
	s0 =	simm.s32 @p2 $0x1  }
0x17: {  	s4 =	simm.s32 $0x1BF5;
	[smem:$0x3FB5] =	sst s0  }
0x18: {  	s0 =	sld [smem:$0x3F98];
	_ =	swait.ge [sflag:s4], $0x0  }
0x19: {  	s7 =	sld [smem:$0x3F99]  }
0x1a: {  	s8 =	sadd.s32 $0xFFFFE003, lr  }
0x1b: {  	s9 =	sadd.s32 $0xFFFFFEF7, lr;
	s5 =	simm.s32 $0xFFFFFFFF;
	p2 =	slt.u32 s8, $0xFFFFF086  }
0x1c: {  	p1 =	slt.u32 s9, $0xF7A;
	s5 =	simm.s32 @!p2 $0x0  }
0x1d: {  	s5 =	simm.s32 @p1 $0x1;
	p0 =	seq.s32 s7, s2  }
0x1e: {  	s7 =	smul.u32 @!p0 $0xF7A, s2;
	p2 =	seq.s32 @!p0 s5, $0x0  }
0x1f: {  	s9 =	smul.u32 $0xF7A, s1;
	s8 =	simm.s32 @!p0 $0x1BF5;
	p2 =	por !p2, p0  }
0x20: {  	[sflag:s8] =	ssyncset.s32 @!p0 $0xFFFFF086;
	s6 =	sadd.s32 @!p0 s3, s7;
	s7 =	simm.s32 @!p0 $0x108  }
0x21: {  	s3 =	sadd.s32 s3, s9;
	s6 =	sadd.s32 @!p0 $0x88, s6;
	s7 =	simm.s32 @p2 $0x1082  }
0x22: {  	[simem:s7], [sflag:s8] =	dma.local @!p0 [hbm:s6], $0xF7A  }
0x23: {  	s9 =	sor.u32 $0xD0000000, s2;
	s6 =	simm.s32 $0x108;
	_ =	swait.ge @!p0 [sflag:s8], $0x0  }
0x24: {  	s3 =	sadd.s32 $0x88, s3;
	s6 =	simm.s32 @!p1 $0x1082;
	[sflag:s4] =	ssyncset.s32 $0xFFFFF086  }
0x25: {  	[simem:s6], [sflag:s4] =	dma.local [hbm:s3], $0xF7A  }
0x26: {  	[smem:$0x3F99] =	sst s1;
	(tag) =	ssettag s2;
	_ =	strace s9  }
0x27: {  	s1 =	sld [smem:$0x3FA9]  }
0x28: {  	s2 =	sld [smem:$0x3FAA]  }
0x29: {  	s4 =	sld [smem:$0x3FAC]  }
0x2a: {  	p0 =	seq.s32 s5, $0x0;
	s5 =	sld [smem:$0x3FAD]  }
0x2b: {  	s6 =	sld [smem:$0x3FAE]  }
0x2c: {  	s7 =	sld [smem:$0x3FAF]  }
0x2d: {  	s3 =	simm.s32 $0x108;
	s8 =	sld [smem:$0x3FB0]  }
0x2e: {  	s3 =	simm.s32 @!p0 $0x1082;
	s9 =	sld [smem:$0x3FB1]  }
0x2f: {  	lr =	sadd.s32 s0, s3;
	s0 =	sld [smem:$0x3FA8]  }
0x30: {  	s3 =	sld [smem:$0x3FAB]  }
0x31: {  	[smem:$0x3FB4] =	sst s10  }
0x32: {  	s10 =	sld [smem:$0x3FB2];
	_ =	sdelay $0x3  }
0x33: {  	p0 =	seq.s32 s10, $0x1;
	s10 =	sld [smem:$0x3FB4];
	_ =	sdelay $0x3  }
0x34: {  	[smem:$0x3FB4] =	sst s10  }
0x35: {  	s10 =	sld [smem:$0x3FB3];
	_ =	sdelay $0x3  }
0x36: {  	p1 =	seq.s32 s10, $0x1;
	s10 =	sld [smem:$0x3FB4];
	_ =	sdelay $0x3  }
0x37: {  	[smem:$0x3FB4] =	sst s10  }
0x38: {  	s10 =	sld [smem:$0x3FB5]  }
0x39: {  	_ = 	snop;
	(pc) =	sbr.ind lr, $3  }
0x3a: {  	_ = 	snop  }
0x3b: {  	_ = 	snop  }
0x3c: {  	p2 =	seq.s32 s10, $0x1;
	s10 =	sld [smem:$0x3FB4]  }
0x3d: {  	_ =	shalt  }
0x3e: {  	_ =	shalt  }
0x3f: {  	_ =	shalt  }
0x40: {  	_ =	shalt  }
0x41: {  	_ =	shalt  }
0x42: {  	_ =	shalt  }
0x43: {  	_ =	shalt  }
0x44: {  	_ =	shalt  }
0x45: {  	_ =	shalt  }
0x46: {  	_ =	shalt  }
0x47: {  	_ =	shalt  }
0x48: {  	_ =	shalt  }
0x49: {  	_ =	shalt  }
0x4a: {  	_ =	shalt  }
0x4b: {  	_ =	shalt  }
0x4c: {  	_ =	shalt  }
0x4d: {  	_ =	shalt  }
0x4e: {  	_ =	shalt  }
0x4f: {  	_ =	shalt  }
0x50: {  	_ =	shalt  }
0x51: {  	_ =	shalt  }
0x52: {  	_ =	shalt  }
0x53: {  	_ =	shalt  }
0x54: {  	_ =	shalt  }
0x55: {  	_ =	shalt  }
0x56: {  	_ =	shalt  }
0x57: {  	_ =	shalt  }
0x58: {  	_ =	shalt  }
0x59: {  	_ =	shalt  }
0x5a: {  	_ =	shalt  }
0x5b: {  	_ =	shalt  }
0x5c: {  	_ =	shalt  }
0x5d: {  	_ =	shalt  }
0x5e: {  	_ =	shalt  }
0x5f: {  	_ =	shalt  }
0x60: {  	_ =	shalt  }
0x61: {  	_ =	shalt  }
0x62: {  	_ =	shalt  }
0x63: {  	_ =	shalt  }
0x64: {  	_ =	shalt  }
0x65: {  	_ =	shalt  }
0x66: {  	_ =	shalt  }
0x67: {  	_ =	shalt  }
0x68: {  	_ =	shalt  }
0x69: {  	_ =	shalt  }
0x6a: {  	_ =	shalt  }
0x6b: {  	_ =	shalt  }
0x6c: {  	_ =	shalt  }
0x6d: {  	_ =	shalt  }
0x6e: {  	_ =	shalt  }
0x6f: {  	_ =	shalt  }
0x70: {  	_ =	shalt  }
0x71: {  	_ =	shalt  }
0x72: {  	_ =	shalt  }
0x73: {  	_ =	shalt  }
0x74: {  	_ =	shalt  }
0x75: {  	_ =	shalt  }
0x76: {  	_ =	shalt  }
0x77: {  	_ =	shalt  }
0x78: {  	_ =	shalt  }
0x79: {  	_ =	shalt  }
0x7a: {  	_ =	shalt  }
0x7b: {  	_ =	shalt  }
0x7c: {  	_ =	shalt  }
0x7d: {  	_ =	shalt  }
0x7e: {  	_ =	shalt  }
0x7f: {  	_ =	shalt  }
0x80: {  	_ =	shalt  }
0x81: {  	_ =	shalt  }
0x82: {  	_ =	shalt  }
0x83: {  	_ =	shalt  }
0x84: {  	_ =	shalt  }
0x85: {  	_ =	shalt  }
0x86: {  	_ =	shalt  }
0x87: {  	_ =	shalt  }
.Lfunc_end0:
.L_simem_size_0:
called_computation_lowered:
.L_overlay_start_0:
0x88: {  	s2 =	sld [smem:$0x3FD9]  }
0x89: {  	s3 =	sld [smem:$0x3FFE];
	_ =	sdelay $0x1  }
0x8a: {  	s1 =	srdreg.scid  }
0x8b: {  	s0 =	sand.u32 $0x1, s1  }
0x8c: {  	s17 =	sshll.u32 s0, $0xA;
	s2 =	sadd.s32 s3, s2  }
0x8d: {  	s2 =	sadd.s32 s2, s17  }
0x8e: {  	[smem:$0x3FC0] =	sst s2  }
0x8f: {  	_ = 	snop  }
0x90: {  	s2 =	sld [smem:$0x3FD0];
	(tm) =	ssettm $0x1  }
0x91: {  	s18 =	sld [smem:$0x3FFB];
	_ =	sdelay $0x3  }
0x92: {  	_ =	strace s18  }
0x93: {  	s3 =	sld [smem:$0x3FFC];
	_ =	sdelay $0x3  }
0x94: {  	_ =	strace s3  }
0x95: {  	s3 =	sld [smem:$0x3FFD];
	_ =	sdelay $0x3  }
0x96: {  	_ =	strace s3  }
0x97: {  	_ =	strace $0x8FFFFFFF  }
0x98: {  	s19 =	sld [smem:$0x3FDB];
	_ =	sdelay $0x1  }
0x99: {  	s4 =	simm.s32 $_scs_section_size  }
0x9a: {  	s5 =	simm.s32 $_size__tile_overlayer_lowered;
	s6 =	simm.s32 $_tile_overlayer_lowered  }
0x9b: {  	s22 =	simm.s32 $0x1BFF;
	s21 =	sshll.u32 s6, $0x1;
	s3 =	sadd.s32 s4, s19  }
0x9c: {  	s7 =	simm.s32 $0x0;
	s20 =	sshll.u32 s5, $0x1;
	s5 =	sadd.s32 s21, s3  }
0x9d: {  	[timem:s7], [sflag:s22] =	dma.local [hbm:s5], s20  }
0x9e: {  	_ =	swait.ge [sflag:s22], s20  }
0x9f: {  	s4 =	ssub.s32 $0x0, s20;
	[sflag:s22] =	ssyncset.done $0x0  }
0xa0: {  	[sflag:s22] =	ssyncadd.s32 s4;
	_ =	sdelay $0x1  }
0xa1: {  	s23 =	simm.s32 $0x1B8B  }
0xa2: {  	_ =	swait.ge [sflag:s23], $0x1  }
0xa3: {  	[sflag:s23] =	ssyncset.done $0x0  }
0xa4: {  	s25 =	simm.s32 $0x1B8E;
	s24 =	sld [smem:$0x3FFE];
	[sflag:s23] =	ssyncadd.s32 $0xFFFFFFFF  }
0xa5: {  	s26 =	simm.s32 $execute0_lowered;
	[smem:$0x3FD2] =	sst s25  }
0xa6: {  	s5 =	sshll.u32 s26, $0x1;
	_ =	strace $0x80000046;
	[dreg:$0x1] =	wrdreg $0xFFFFFFFF  }
0xa7: {  	s28 =	simm.s32 $_size_execute0_lowered;
	s3 =	sadd.s32 s3, s5;
	[dreg:$0x0] =	wrdreg $0x0  }
0xa8: {  	s5 =	sshll.u32 s28, $0x1;
	[dreg:$0x2] =	wrdreg s3  }
0xa9: {  	[dreg:$0x3] =	wrdreg s5  }
0xaa: {  	[dreg:$0x4] =	wrdreg $0xC0  }
0xab: {  	_ =	task [dreg:s7], $0x5FFFF  }
0xac: {  	[dreg:$0x1] =	wrdreg $0xFFFFFFFF  }
0xad: {  	[dreg:$0x0] =	wrdreg $0x60  }
0xae: {  	[dreg:$0x2] =	wrdreg s24  }
0xaf: {  	[dreg:$0x3] =	wrdreg s2  }
0xb0: {  	[dreg:$0x4] =	wrdreg $0x9  }
0xb1: {  	_ =	task.clear_ibuf [dreg:s7], $0x5FFFF;
	_ =	strace $0x90000046  }
0xb2: {  	s29 =	simm.s32 $0x9;
	_ =	strace $0x80000048  }
0xb3: {  	_ =	swait.ge [sflag:s29], $0x1  }
0xb4: {  	[sflag:s29] =	ssyncadd.s32 $0xFFFFFFFF  }
0xb5: {  	_ =	strace $0x90000048  }
0xb6: {  	_ =	sfence  }
0xb7: {  	s30 =	sld [smem:$0x0];
	_ =	sdelay $0x2  }
0xb8: {  	s31 =	sshll.u32 s1, $0xD;
	s1 =	sshrl.u32 s1, $0x2  }
0xb9: {  	s3 =	sand.u32 $0x4000, s31;
	s1 =	sadd.s32 s1, s30  }
0xba: {  	s0 =	sor.u32 s3, s0;
	s1 =	sshll.u32 s1, $0x11  }
0xbb: {  	s0 =	sor.u32 s1, s0  }
0xbc: {  	s0 =	sadd.s32 $0x8F2B, s0  }
0xbd: {  	[sflag:s0] =	ssyncadd.remote.s32 $0x1  }
0xbe: {  	_ =	sfence.sel $0xFFFF  }
0xbf: {  	[dreg:$0x0] =	wrdreg $0xFFFFFFFF;
	(pc) =	sbr.abs _section_cstart, $3  }
0xc0: {  	[dreg:$0x1] =	wrdreg $0xFFFFFFFF  }
0xc1: {  	_ =	task.clear_ibuf [dreg:s7], $0x2FFFF;
	_ =	strace $0x9FFFFFFF  }
0xc2: {  	(tm) =	ssettm $0x7FFFFFFF  }
0xc3: {  	_ =	shalt  }
tec
execute0_lowered:
.L_overlay_start_1:
0x0: {  	(tag) =	ssettag $0x1  }
0x1: {  	v0 =	vimm.f32 $0.0e+00;
	v1 =	vimm.s32 $0x0;
	v2 =	vlaneseq.u32  }
0x2: {  	s3 =	rddreg [dreg:$0x0];
	s1 =	srdreg.scid;
	v3 =	vimm.f32 $1.000000000e+00;
	v4 =	vimm.s32 $0x1;
	v7 =	vimm.s32 $0x2  }
0x3: {  	s0 =	stileid.u32;
	s4 =	rddreg [dreg:$0x1];
	s2 =	simm.s32 $0x0;
	v9 =	vimm.s32 $0x3;
	v11 =	vimm.s32 $0x4;
	v13 =	vimm.s32 $0x5  }
0x4: {  	v15 =	vimm.s32 $0x6;
	v17 =	vimm.s32 $0x7;
	v19 =	vimm.s32 $0x8;
	s12 =	simm.s32 $0xA800;
	s13 =	simm.s32 $0xA900;
	s14 =	simm.s32 $0xAA00  }
0x5: {  	v21 =	vimm.s32 $0x9;
	v24 =	vimm.s32 $0xEDCBA987;
	v23 =	vimm.s32 $0xA;
	s15 =	simm.s32 $0x7680;
	s5 =	sand.u32 $0x1, s1;
	s6 =	sshll.u32 s0, $0x1  }
0x6: {  	v26 =	vimm.s32 $0x65432100;
	v25 =	vimm.s32 $0xB;
	v27 =	vimm.s32 $0xC;
	s16 =	simm.s32 $0xAA80;
	s1 =	rddreg [dreg:$0x2];
	s6 =	sor.u32 s5, s6  }
0x7: {  	v29 =	vimm.s32 $0xD;
	v31 =	vimm.s32 $0xE;
	v33 =	vimm.s32 $0xF;
	s17 =	simm.s32 $0x0;
	[smem:$0x7FF] =	sst s2;
	s7 =	smul.u32 $0x4E2, s6  }
0x8: {  	v5 =	vor.u32 $0x10, v2;
	v6 =	vor.u32 $0x20, v2;
	v8 =	vor.u32 $0x30, v2;
	_ =	strace $0x80000047;
	s5 =	ssub.s32 $0x2, s5;
	s8 =	smul.u32 $0x620, s6  }
0x9: {  	v10 =	vor.u32 $0x40, v2;
	v12 =	vor.u32 $0x50, v2;
	v28 =	vunpack.c.l.s4.s8 v24;
	s10 =	smul.u32 $0x4E4, s6;
	s6 =	sshll.u32 s6, $0x1;
	s11 =	sshrl.u32 s5, $0x1  }
.Ltmp0:
0xa: {  	v14 =	vor.u32 $0x60, v2;
	v16 =	vor.u32 $0x70, v2;
	v30 =	vunpack.c.l.s4.s8 v26;
	s6 =	sadd.s32 s6, s3;
	s11 =	ssub.s32 s5, s11;
	(pc) =	sbr.rel .LBB2_1-.Ltmp0, $4  }
0xb: {  	v18 =	vor.u32 $0x80, v2;
	v20 =	vor.u32 $0x90, v2;
	v32 =	vunpack.c.0.s8.s32 v28;
	s9 =	sadd.s32 s7, s3;
	s8 =	sadd.s32 s8, s3;
	s10 =	sadd.s32 s10, s3  }
0xc: {  	v22 =	vor.u32 $0xA0, v2;
	v24 =	vor.u32 $0xB0, v2;
	v34 =	vunpack.c.0.s8.s32 v30;
	s4 =	sadd.s32 s4, s7;
	s6 =	sadd.s32 $0x22600, s6;
	s3 =	sadd.s32 $0x2600, s9  }
0xd: {  	v26 =	vor.u32 $0xC0, v2;
	v28 =	vor.u32 $0xD0, v2;
	v35 =	vand.u32 $0xF, v32;
	s5 =	sadd.s32 $0x16200, s8;
	s7 =	sadd.s32 $0xC400, s10;
	s8 =	smax.u32 s11, $0x1  }
0xe: {  	v30 =	vor.u32 $0xE0, v2;
	v32 =	vor.u32 $0xF0, v2;
	s9 =	simm.s32 $0x1;
	s10 =	simm.s32 $0x2780;
	s11 =	simm.s32 $0x4F00;
	v34 =	vcombine.low v34, v35  }
.LBB2_9:
0xf: {  	s22 =	smov.u32 s19  }
.LBB2_14:
0x10: {  	s20 =	sadd.s32 @p0 $0x10, s22  }
0x11: {  	vm1 =	vle.s32 v35, s21;
	s19 =	smov.u32 @p0 s20  }
0x12: {  	v62 =	vor.u32 s19, v2;
	_ =	sdelay $0x3  }
0x13: {  	[tilespmem:v37+s15+$0x0] =	vst.idx.msk @p0 vm0, v36;
	v63 =	vor.u32 $0x2710, v2  }
0x14: {  	[tilespmem:v62+s15+$0x0] =	vst.idx.msk vm1, v63  }
.LBB2_15:
0x15: {  	v35 =	vmov s18  }
0x16: {  	[tilespmem:$0xAA80] =	vst v35  }
0x17: {  	[hbm4b:s5+s2] =	stream.linear.scatter [tilespmem:s15], [sflag:$0x1], $0x3100, $0x38;
	[tilespmem:$0xAB00] =	vst v63  }
0x18: {  	_ =	swait.ge [sflag:s9], $0x3100  }
0x19: {  	[sflag:s9] =	ssyncset.done $0x0  }
0x1a: {  	[sflag:s9] =	ssyncadd.s32 $0xFFFFCF00  }
0x1b: {  	[hbm4b:s6+s2] =	stream.linear.scatter [tilespmem:s16], [sflag:$0x1], $0x10, $0x38;
	[tilespmem:$0xAB00] =	vst v63  }
0x1c: {  	s17 =	sadd.s32 $0x1, s17;
	_ =	swait.ge [sflag:s9], $0x10  }
0x1d: {  	p0 =	sne.s32 s17, s8;
	[sflag:s9] =	ssyncset.done $0x0  }
.Ltmp1:
0x1e: {  	[sflag:s9] =	ssyncadd.s32 $0xFFFFFFF0;
	(pc) =	sbr.rel @!p0 .LBB2_16-.Ltmp1, $4  }
0x1f: {  	[hbm4b:s7+s2] =	stream.linear.scatter [tilespmem:s11], [sflag:$0x1], $0x2720, $0x38;
	[tilespmem:$0xAB00] =	vst v63  }
0x20: {  	_ =	swait.ge [sflag:s9], $0x2720  }
0x21: {  	[sflag:s9] =	ssyncset.done $0x0  }
0x22: {  	[sflag:s9] =	ssyncadd.s32 $0xFFFFD8E0  }
.LBB2_1:
0x23: {  	[tilespmem:s2], [sflag:$0x1] =	stream.linear.gather [hbm4b:s3+s2], $0x2710, $0x38;
	[tilespmem:$0xAB00] =	vst v63  }
0x24: {  	_ =	swait.ge [sflag:s9], $0x2710  }
0x25: {  	[sflag:s9] =	ssyncset.done $0x0  }
0x26: {  	[sflag:s9] =	ssyncadd.s32 $0xFFFFD8F0  }
0x27: {  	[tilespmem:s10], [sflag:$0x1] =	stream.linear.gather [hbm4b:s4+s2], $0x2710, $0x38;
	[tilespmem:$0xAB00] =	vst v63  }
0x28: {  	_ =	swait.ge [sflag:s9], $0x2710  }
0x29: {  	[sflag:s9] =	ssyncset.done $0x0  }
0x2a: {  	s18 =	simm.s32 $0x40;
	s19 =	simm.s32 $0x0;
	[sflag:s9] =	ssyncadd.s32 $0xFFFFD8F0  }
.LBB2_2:
0x2b: {  	p0 =	sne.s32 s18, $0x9C40;
	[tilespmem:s19+$0x4F00] =	vst v0;
	s19 =	smov.u32 s18;
	s18 =	sadd.s32 $0x40, s18  }
.Ltmp2:
0x2c: {  	(pc) =	sbr.rel @p0 .LBB2_2-.Ltmp2, $2  }
0x2d: {  	_ =	sdelay $0x2  }
0x2e: {  	s19 =	sshra.s32 s19, $0x2  }
0x2f: {  	[tilespmem:s19+$0x4F00] =	vst v0  }
0x30: {  	[tilespmem:$0xA800] =	vst v1  }
0x31: {  	[tilespmem:$0xA810] =	vst v1  }
0x32: {  	[tilespmem:$0xA820] =	vst v1  }
0x33: {  	[tilespmem:$0xA830] =	vst v1  }
0x34: {  	[tilespmem:$0xA840] =	vst v1  }
0x35: {  	[tilespmem:$0xA850] =	vst v1  }
0x36: {  	[tilespmem:$0xA860] =	vst v1  }
0x37: {  	[tilespmem:$0xA870] =	vst v1  }
0x38: {  	[tilespmem:$0xA880] =	vst v1  }
0x39: {  	[tilespmem:$0xA890] =	vst v1  }
0x3a: {  	[tilespmem:$0xA8A0] =	vst v1  }
0x3b: {  	[tilespmem:$0xA8B0] =	vst v1  }
0x3c: {  	[tilespmem:$0xA8C0] =	vst v1  }
0x3d: {  	[tilespmem:$0xA8D0] =	vst v1  }
0x3e: {  	[tilespmem:$0xA8E0] =	vst v1  }
0x3f: {  	s19 =	simm.s32 $0x0;
	[tilespmem:$0xA8F0] =	vst v1  }
0x40: {  	s18 =	simm.s32 $0x40;
	v35 =	vld [tilespmem:s19+$0x2780]  }
.LBB2_4:
0x41: {  	p0 =	sne.s32 s18, $0x9C00;
	v36 =	vld [tilespmem:s19+$0x0];
	_ =	sdelay $0x4  }
0x42: {  	vm0 =	veq.s32 v36, v35  }
0x43: {  	v35 =	vsel vm0, $0x2710, v35  }
0x44: {  	v36 =	vsub.s32 v36, v35;
	v37 =	vshll.u32 v35, $0x4  }
0x45: {  	v36 =	vand.u32 $0xF, v36;
	v37 =	vand.u32 $0xF0, v37  }
0x46: {  	v36 =	vor.u32 v36, v37;
	_ =	sdelay $0x1  }
.Ltmp3:
0x47: {  	[tilespmem:v35+s11+$0x0] =	vst.idx.add.f32.msk $0xffff, v3;
	(pc) =	sbr.rel @p0 .LBB2_4-.Ltmp3, $3  }
0x48: {  	_ =	sdelay $0x1  }
0x49: {  	s19 =	sshra.s32 s18, $0x2;
	[tilespmem:v36+s12+$0x0] =	vst.idx.add.s32.msk $0xffff, v4  }
0x4a: {  	s18 =	sadd.s32 $0x40, s18;
	v35 =	vld [tilespmem:s19+$0x2780]  }
0x4b: {  	v36 =	vld [tilespmem:s19+$0x0];
	_ =	sdelay $0x4  }
0x4c: {  	vm0 =	veq.s32 v36, v35  }
0x4d: {  	v35 =	vsel vm0, $0x2710, v35  }
0x4e: {  	v36 =	vsub.s32 v36, v35;
	v37 =	vshll.u32 v35, $0x4  }
0x4f: {  	v36 =	vand.u32 $0xF, v36;
	v37 =	vand.u32 $0xF0, v37  }
0x50: {  	v36 =	vor.u32 v36, v37;
	_ =	sdelay $0x3  }
0x51: {  	[tilespmem:v35+s11+$0x0] =	vst.idx.add.f32.msk $0xffff, v3  }
0x52: {  	[tilespmem:v36+s12+$0x0] =	vst.idx.add.s32.msk $0xffff, v4  }
0x53: {  	v35 =	vld.idx.msk [tilespmem:v2+s12+$0x0], $0xffff;
	_ =	sdelay $0x4  }
0x54: {  	(xrf0) =	vadd.scan.msk.s32 $0xffff, v35;
	_ =	sdelay $0x5  }
0x55: {  	v48, _, _ =	vpop (xrf0)  }
0x56: {  	v35 =	vsub.s32 v48, v35;
	v36 =	vbroadcast v48, $0xF  }
0x57: {  	[tilespmem:v2+s13+$0x0] =	vst.idx.msk $0xffff, v35  }
0x58: {  	[tilespmem:v1+s14+$0x0] =	vst.idx.msk $0x1, v36  }
0x59: {  	v35 =	vld.idx.msk [tilespmem:v5+s12+$0x0], $0xffff;
	_ =	sdelay $0x4  }
0x5a: {  	(xrf0) =	vadd.scan.msk.s32 $0xffff, v35;
	_ =	sdelay $0x5  }
0x5b: {  	v49, _, _ =	vpop (xrf0)  }
0x5c: {  	v35 =	vsub.s32 v49, v35;
	v36 =	vbroadcast v49, $0xF  }
0x5d: {  	[tilespmem:v5+s13+$0x0] =	vst.idx.msk $0xffff, v35  }
0x5e: {  	[tilespmem:v4+s14+$0x0] =	vst.idx.msk $0x1, v36  }
0x5f: {  	v35 =	vld.idx.msk [tilespmem:v6+s12+$0x0], $0xffff;
	_ =	sdelay $0x4  }
0x60: {  	(xrf0) =	vadd.scan.msk.s32 $0xffff, v35;
	_ =	sdelay $0x5  }
0x61: {  	v50, _, _ =	vpop (xrf0)  }
0x62: {  	v35 =	vsub.s32 v50, v35;
	v36 =	vbroadcast v50, $0xF  }
0x63: {  	[tilespmem:v6+s13+$0x0] =	vst.idx.msk $0xffff, v35  }
0x64: {  	[tilespmem:v7+s14+$0x0] =	vst.idx.msk $0x1, v36  }
0x65: {  	v35 =	vld.idx.msk [tilespmem:v8+s12+$0x0], $0xffff;
	_ =	sdelay $0x4  }
0x66: {  	(xrf0) =	vadd.scan.msk.s32 $0xffff, v35;
	_ =	sdelay $0x5  }
0x67: {  	v51, _, _ =	vpop (xrf0)  }
0x68: {  	v35 =	vsub.s32 v51, v35;
	v36 =	vbroadcast v51, $0xF  }
0x69: {  	[tilespmem:v8+s13+$0x0] =	vst.idx.msk $0xffff, v35  }
0x6a: {  	[tilespmem:v9+s14+$0x0] =	vst.idx.msk $0x1, v36  }
0x6b: {  	v35 =	vld.idx.msk [tilespmem:v10+s12+$0x0], $0xffff;
	_ =	sdelay $0x4  }
0x6c: {  	(xrf0) =	vadd.scan.msk.s32 $0xffff, v35;
	_ =	sdelay $0x5  }
0x6d: {  	v52, _, _ =	vpop (xrf0)  }
0x6e: {  	v35 =	vsub.s32 v52, v35;
	v36 =	vbroadcast v52, $0xF  }
0x6f: {  	[tilespmem:v10+s13+$0x0] =	vst.idx.msk $0xffff, v35  }
0x70: {  	[tilespmem:v11+s14+$0x0] =	vst.idx.msk $0x1, v36  }
0x71: {  	v35 =	vld.idx.msk [tilespmem:v12+s12+$0x0], $0xffff;
	_ =	sdelay $0x4  }
0x72: {  	(xrf0) =	vadd.scan.msk.s32 $0xffff, v35;
	_ =	sdelay $0x5  }
0x73: {  	v53, _, _ =	vpop (xrf0)  }
0x74: {  	v35 =	vsub.s32 v53, v35;
	v36 =	vbroadcast v53, $0xF  }
0x75: {  	[tilespmem:v12+s13+$0x0] =	vst.idx.msk $0xffff, v35  }
0x76: {  	[tilespmem:v13+s14+$0x0] =	vst.idx.msk $0x1, v36  }
0x77: {  	v35 =	vld.idx.msk [tilespmem:v14+s12+$0x0], $0xffff;
	_ =	sdelay $0x4  }
0x78: {  	(xrf0) =	vadd.scan.msk.s32 $0xffff, v35;
	_ =	sdelay $0x5  }
0x79: {  	v54, _, _ =	vpop (xrf0)  }
0x7a: {  	v35 =	vsub.s32 v54, v35;
	v36 =	vbroadcast v54, $0xF  }
0x7b: {  	[tilespmem:v14+s13+$0x0] =	vst.idx.msk $0xffff, v35  }
0x7c: {  	[tilespmem:v15+s14+$0x0] =	vst.idx.msk $0x1, v36  }
0x7d: {  	v35 =	vld.idx.msk [tilespmem:v16+s12+$0x0], $0xffff;
	_ =	sdelay $0x4  }
0x7e: {  	(xrf0) =	vadd.scan.msk.s32 $0xffff, v35;
	_ =	sdelay $0x5  }
0x7f: {  	v55, _, _ =	vpop (xrf0)  }
0x80: {  	v35 =	vsub.s32 v55, v35;
	v36 =	vbroadcast v55, $0xF  }
0x81: {  	[tilespmem:v16+s13+$0x0] =	vst.idx.msk $0xffff, v35  }
0x82: {  	[tilespmem:v17+s14+$0x0] =	vst.idx.msk $0x1, v36  }
0x83: {  	v35 =	vld.idx.msk [tilespmem:v18+s12+$0x0], $0xffff;
	_ =	sdelay $0x4  }
0x84: {  	(xrf0) =	vadd.scan.msk.s32 $0xffff, v35;
	_ =	sdelay $0x5  }
0x85: {  	v56, _, _ =	vpop (xrf0)  }
0x86: {  	v35 =	vsub.s32 v56, v35;
	v36 =	vbroadcast v56, $0xF  }
0x87: {  	[tilespmem:v18+s13+$0x0] =	vst.idx.msk $0xffff, v35  }
0x88: {  	[tilespmem:v19+s14+$0x0] =	vst.idx.msk $0x1, v36  }
0x89: {  	v35 =	vld.idx.msk [tilespmem:v20+s12+$0x0], $0xffff;
	_ =	sdelay $0x4  }
0x8a: {  	(xrf0) =	vadd.scan.msk.s32 $0xffff, v35;
	_ =	sdelay $0x5  }
0x8b: {  	v57, _, _ =	vpop (xrf0)  }
0x8c: {  	v35 =	vsub.s32 v57, v35;
	v36 =	vbroadcast v57, $0xF  }
0x8d: {  	[tilespmem:v20+s13+$0x0] =	vst.idx.msk $0xffff, v35  }
0x8e: {  	[tilespmem:v21+s14+$0x0] =	vst.idx.msk $0x1, v36  }
0x8f: {  	v35 =	vld.idx.msk [tilespmem:v22+s12+$0x0], $0xffff;
	_ =	sdelay $0x4  }
0x90: {  	(xrf0) =	vadd.scan.msk.s32 $0xffff, v35;
	_ =	sdelay $0x5  }
0x91: {  	v58, _, _ =	vpop (xrf0)  }
0x92: {  	v35 =	vsub.s32 v58, v35;
	v36 =	vbroadcast v58, $0xF  }
0x93: {  	[tilespmem:v22+s13+$0x0] =	vst.idx.msk $0xffff, v35  }
0x94: {  	[tilespmem:v23+s14+$0x0] =	vst.idx.msk $0x1, v36  }
0x95: {  	v35 =	vld.idx.msk [tilespmem:v24+s12+$0x0], $0xffff;
	_ =	sdelay $0x4  }
0x96: {  	(xrf0) =	vadd.scan.msk.s32 $0xffff, v35;
	_ =	sdelay $0x5  }
0x97: {  	v59, _, _ =	vpop (xrf0)  }
0x98: {  	v35 =	vsub.s32 v59, v35;
	v36 =	vbroadcast v59, $0xF  }
0x99: {  	[tilespmem:v24+s13+$0x0] =	vst.idx.msk $0xffff, v35  }
0x9a: {  	[tilespmem:v25+s14+$0x0] =	vst.idx.msk $0x1, v36  }
0x9b: {  	v35 =	vld.idx.msk [tilespmem:v26+s12+$0x0], $0xffff;
	_ =	sdelay $0x4  }
0x9c: {  	(xrf0) =	vadd.scan.msk.s32 $0xffff, v35;
	_ =	sdelay $0x5  }
0x9d: {  	v60, _, _ =	vpop (xrf0)  }
0x9e: {  	v35 =	vsub.s32 v60, v35;
	v36 =	vbroadcast v60, $0xF  }
0x9f: {  	[tilespmem:v26+s13+$0x0] =	vst.idx.msk $0xffff, v35  }
0xa0: {  	[tilespmem:v27+s14+$0x0] =	vst.idx.msk $0x1, v36  }
0xa1: {  	v35 =	vld.idx.msk [tilespmem:v28+s12+$0x0], $0xffff;
	_ =	sdelay $0x4  }
0xa2: {  	(xrf0) =	vadd.scan.msk.s32 $0xffff, v35;
	_ =	sdelay $0x5  }
0xa3: {  	v61, _, _ =	vpop (xrf0)  }
0xa4: {  	v35 =	vsub.s32 v61, v35;
	v36 =	vbroadcast v61, $0xF  }
0xa5: {  	[tilespmem:v28+s13+$0x0] =	vst.idx.msk $0xffff, v35  }
0xa6: {  	[tilespmem:v29+s14+$0x0] =	vst.idx.msk $0x1, v36  }
0xa7: {  	v35 =	vld.idx.msk [tilespmem:v30+s12+$0x0], $0xffff;
	_ =	sdelay $0x4  }
0xa8: {  	(xrf0) =	vadd.scan.msk.s32 $0xffff, v35;
	_ =	sdelay $0x5  }
0xa9: {  	v62, _, _ =	vpop (xrf0)  }
0xaa: {  	v35 =	vsub.s32 v62, v35;
	v36 =	vbroadcast v62, $0xF  }
0xab: {  	[tilespmem:v30+s13+$0x0] =	vst.idx.msk $0xffff, v35  }
0xac: {  	[tilespmem:v31+s14+$0x0] =	vst.idx.msk $0x1, v36  }
0xad: {  	v35 =	vld.idx.msk [tilespmem:v32+s12+$0x0], $0xffff;
	_ =	sdelay $0x4  }
0xae: {  	(xrf0) =	vadd.scan.msk.s32 $0xffff, v35;
	_ =	sdelay $0x5  }
0xaf: {  	v63, _, _ =	vpop (xrf0)  }
0xb0: {  	v35 =	vsub.s32 v63, v35;
	v36 =	vbroadcast v63, $0xF  }
0xb1: {  	[tilespmem:v32+s13+$0x0] =	vst.idx.msk $0xffff, v35  }
0xb2: {  	[tilespmem:v33+s14+$0x0] =	vst.idx.msk $0x1, v36  }
0xb3: {  	[tilespmem:$0xA800] =	vst v1  }
0xb4: {  	[tilespmem:$0xA810] =	vst v1  }
0xb5: {  	[tilespmem:$0xA820] =	vst v1  }
0xb6: {  	[tilespmem:$0xA830] =	vst v1  }
0xb7: {  	[tilespmem:$0xA840] =	vst v1  }
0xb8: {  	[tilespmem:$0xA850] =	vst v1  }
0xb9: {  	[tilespmem:$0xA860] =	vst v1  }
0xba: {  	[tilespmem:$0xA870] =	vst v1  }
0xbb: {  	[tilespmem:$0xA880] =	vst v1  }
0xbc: {  	[tilespmem:$0xA890] =	vst v1  }
0xbd: {  	[tilespmem:$0xA8A0] =	vst v1  }
0xbe: {  	[tilespmem:$0xA8B0] =	vst v1  }
0xbf: {  	[tilespmem:$0xA8C0] =	vst v1  }
0xc0: {  	[tilespmem:$0xA8D0] =	vst v1  }
0xc1: {  	[tilespmem:$0xA8E0] =	vst v1  }
0xc2: {  	s18 =	simm.s32 $0x0;
	[tilespmem:$0xA8F0] =	vst v1  }
0xc3: {  	v38 =	vld [tilespmem:s18+$0x2780]  }
0xc4: {  	v37 =	vld [tilespmem:s18+$0x0];
	s18 =	simm.s32 $0x40  }
.LBB2_6:
0xc5: {  	p0 =	sne.s32 s18, $0x9C00;
	_ =	sdelay $0x3  }
0xc6: {  	vm0 =	veq.s32 v37, v38  }
0xc7: {  	v35 =	vsel vm0, $0x2710, v38  }
0xc8: {  	v36 =	vsub.s32 v37, v35;
	v38 =	vshll.u32 v35, $0x4  }
0xc9: {  	v36 =	vand.u32 $0xF, v36;
	v38 =	vand.u32 $0xF0, v38  }
0xca: {  	v37 =	vshll.u32 v37, $0xE;
	v36 =	vor.u32 v38, v36  }
0xcb: {  	v35 =	vor.u32 v37, v35;
	v36 =	vor.u32 $0x80000000, v36  }
0xcc: {  	(xrf1) =	vsort.ascd.msk.u32 $0xffff, v36, v35;
	_ =	sdelay $0xd  }
0xcd: {  	v35, v37, _ =	vpop (xrf1)  }
0xce: {  	v38 =	vxor.u32 $0x80000000, v35  }
0xcf: {  	v35 =	vperm.xlane v38, v34;
	_ =	sdelay $0x1  }
0xd0: {  	vm0 =	veq.s32 v38, v35;
	v35 =	vor.u32 $0x80000000, v2  }
0xd1: {  	v36 =	vsel vm0, $0x80000000, v35  }
0xd2: {  	v39 =	vld.idx.msk [tilespmem:v38+s13+$0x0], $0xffff;
	(xrf0) =	vmax.scan.msk.u32 $0xffff, v36  }
0xd3: {  	v36 =	vld.idx.msk [tilespmem:v38+s12+$0x0], $0xffff;
	_ =	sdelay $0x4  }
0xd4: {  	v40, _, _ =	vpop (xrf0)  }
0xd5: {  	v36 =	vadd.s32 v36, v39;
	v40 =	vxor.u32 $0x7FFFFFFF, v40  }
0xd6: {  	v39 =	vadd.s32 v40, v36;
	v36 =	vadd.s32 $0x1, v2  }
0xd7: {  	v39 =	vadd.s32 v36, v39  }
0xd8: {  	vm0 =	vlt.s32 v39, $0x316  }
0xd9: {  	v39 =	vnsel vm0, $0x316, v39  }
0xda: {  	v40 =	vshra.s32 v38, $0x4;
	v39 =	vshll.u32 v39, $0x4  }
0xdb: {  	v39 =	vor.u32 v40, v39;
	_ =	sdelay $0x3  }
.Ltmp4:
0xdc: {  	(pc) =	sbr.rel @p0 .LBB2_6-.Ltmp4, $4  }
0xdd: {  	[tilespmem:v39+s15+$0x0] =	vst.idx.msk $0xffff, v37  }
0xde: {  	s19 =	sshra.s32 s18, $0x2;
	[tilespmem:v38+s12+$0x0] =	vst.idx.add.s32.msk $0xffff, v4  }
0xdf: {  	v38 =	vld [tilespmem:s19+$0x2780]  }
0xe0: {  	s18 =	sadd.s32 $0x40, s18;
	v37 =	vld [tilespmem:s19+$0x0]  }
0xe1: {  	_ =	sdelay $0x3  }
0xe2: {  	vm0 =	veq.s32 v37, v38  }
0xe3: {  	v38 =	vsel vm0, $0x2710, v38  }
0xe4: {  	v39 =	vsub.s32 v37, v38;
	v40 =	vshll.u32 v38, $0x4  }
0xe5: {  	v39 =	vand.u32 $0xF, v39;
	v40 =	vand.u32 $0xF0, v40  }
0xe6: {  	v54 =	vshll.u32 v37, $0xE;
	v39 =	vor.u32 v40, v39  }
0xe7: {  	v37 =	vor.u32 v54, v38;
	v55 =	vor.u32 $0x80000000, v39  }
0xe8: {  	(xrf1) =	vsort.ascd.msk.u32 $0xffff, v55, v37;
	_ =	sdelay $0xd  }
0xe9: {  	v37, v38, _ =	vpop (xrf1)  }
0xea: {  	v37 =	vxor.u32 $0x80000000, v37  }
0xeb: {  	v56 =	vperm.xlane v37, v34;
	_ =	sdelay $0x1  }
0xec: {  	vm14 =	veq.s32 v37, v56  }
0xed: {  	v35 =	vsel vm14, $0x80000000, v35  }
0xee: {  	(xrf0) =	vmax.scan.msk.u32 $0xffff, v35  }
0xef: {  	v57 =	vld.idx.msk [tilespmem:v37+s13+$0x0], $0xffff  }
0xf0: {  	v58 =	vld.idx.msk [tilespmem:v37+s12+$0x0], $0xffff;
	_ =	sdelay $0x3  }
0xf1: {  	v59, _, _ =	vpop (xrf0)  }
0xf2: {  	v35 =	vadd.s32 v58, v57;
	v40 =	vxor.u32 $0x7FFFFFFF, v59  }
0xf3: {  	v35 =	vadd.s32 v40, v35  }
0xf4: {  	v35 =	vadd.s32 v36, v35  }
0xf5: {  	vm15 =	vlt.s32 v35, $0x316  }
0xf6: {  	v35 =	vnsel vm15, $0x316, v35  }
0xf7: {  	v60 =	vshra.s32 v37, $0x4;
	v35 =	vshll.u32 v35, $0x4  }
0xf8: {  	v35 =	vor.u32 v60, v35;
	_ =	sdelay $0x4  }
0xf9: {  	[tilespmem:v35+s15+$0x0] =	vst.idx.msk $0xffff, v38  }
0xfa: {  	[tilespmem:v37+s12+$0x0] =	vst.idx.add.s32.msk $0xffff, v4  }
0xfb: {  	v35 =	vld [tilespmem:$0xAA00];
	_ =	sdelay $0x4  }
0xfc: {  	v61 =	vxor.u32 $0x80000000, v35  }
0xfd: {  	(xrf0) =	vmax.scan.msk.u32 $0xffff, v61;
	_ =	sdelay $0x1  }
0xfe: {  	(xrf0) =	vmin.scan.msk.u32 $0xffff, v61;
	_ =	sdelay $0x3  }
0xff: {  	v62, _, _ =	vpop (xrf0)  }
0x100: {  	(v2sf) =	vpush v62, $0xF  }
0x101: {  	v63, _, _ =	vpop (xrf0)  }
0x102: {  	(v2sf) =	vpush v63, $0xF;
	_ =	sdelay $0xc  }
0x103: {  	s18 =	spop (v2sf)  }
0x104: {  	s18 =	sxor.u32 $0x80000000, s18  }
0x105: {  	s19 =	spop (v2sf);
	p0 =	slt.s32 s18, $0x310  }
0x106: {  	s21 =	sxor.u32 $0x80000000, s19;
	s18 =	simm.s32 @!p0 $0x310  }
0x107: {  	s20 =	ssub.s32 s18, s21  }
0x108: {  	p0 =	slt.s32 s20, $0x1  }
.Ltmp5:
0x109: {  	_ = 	snop;
	(pc) =	sbr.rel @p0 .LBB2_15-.Ltmp5, $1  }
0x10a: {  	_ =	sdelay $0x3  }
0x10b: {  	s20 =	sadd.s32 $0x1, s21  }
0x10c: {  	p1 =	sne.s32 s18, s20  }
.Ltmp6:
0x10d: {  	_ = 	snop;
	(pc) =	sbr.rel @!p1 .LBB2_9-.Ltmp6, $2  }
0x10e: {  	_ =	sdelay $0x2  }
0x10f: {  	s19 =	sshll.u32 s19, $0x4;
	p0 =	por $0x0, $0x0  }
0x110: {  	s23 =	sadd.s32 $0x1, s20  }
0x111: {  	vm0 =	vle.s32 v35, s21;
	p1 =	sne.s32 s18, s23  }
.Ltmp7:
0x112: {  	v37 =	vor.u32 s19, v2;
	(pc) =	sbr.rel @!p1 .LBB2_11-.Ltmp7, $2  }
0x113: {  	_ =	sdelay $0x2  }
0x114: {  	v36 =	vor.u32 $0x2710, v2;
	p0 =	por $0x1, $0x1;
	s22 =	smov.u32 s19  }
.LBB2_12:
0x115: {  	[tilespmem:v37+s15+$0x0] =	vst.idx.msk vm0, v36;
	vm0 =	vle.s32 v35, s20;
	s20 =	smov.u32 s23;
	s23 =	sadd.s32 $0x1, s23  }
0x116: {  	s22 =	sadd.s32 $0x10, s22;
	p1 =	sne.s32 s18, s23  }
.Ltmp8:
0x117: {  	v37 =	vor.u32 s22, v2;
	(pc) =	sbr.rel @p1 .LBB2_12-.Ltmp8, $1  }
0x118: {  	_ =	sdelay $0x3  }
.Ltmp9:
0x119: {  	(pc) =	sbr.rel .LBB2_14-.Ltmp9, $2  }
0x11a: {  	_ =	sdelay $0x2  }
0x11b: {  	s21 =	smov.u32 s20  }
.LBB2_11:
.Ltmp10:
0x11c: {  	(pc) =	sbr.rel .LBB2_14-.Ltmp10, $2  }
0x11d: {  	_ =	sdelay $0x2  }
0x11e: {  	s21 =	smov.u32 s20;
	s22 =	smov.u32 s19  }
.LBB2_16:
0x11f: {  	_ =	sfence.sel $0x180000  }
0x120: {  	[bflag:$0x0] =	sbarrier.arrive $0xFFFF  }
0x121: {  	p0 =	sne.s32 s0, $0x0;
	_ =	strace $0x90000047  }
0x122: {  	s0 =	sadd.s32 @!p0 $0x100000, s1;
	[bflag:$0x2] =	sbarrier.arrive $0xFFFF  }
0x123: {  	[sflag:s0] =	ssyncadd.tile.s32 @!p0 $0x1;
	_ =	shalt  }
.Lfunc_end2:
_tile_overlayer_lowered:
.L_overlay_start_2:
0x124: {  	(tag) =	ssettag $0x2  }
0x125: {  	s0 =	rddreg [dreg:$0x0];
	s2 =	stileid.u32  }
0x126: {  	s1 =	rddreg [dreg:$0x1];
	p0 =	sne.s32 s2, $0x0  }
0x127: {  	s3 =	rddreg [dreg:$0x2];
	[bflag:$0x3] =	sbarrier.arrive $0xFFFF;
	s2 =	simm.s32 @!p0 $0x1C01  }
0x128: {  	[timem:s3], [sflag:s2] =	dma.local @!p0 [hbm:s0], s1  }
0x129: {  	s0 =	simm.s32 @!p0 $0x1  }
0x12a: {  	_ =	swait.ge @!p0 [sflag:s0], s1  }
0x12b: {  	s1 =	ssub.s32 @!p0 $0x0, s1;
	[sflag:s0] =	ssyncset.done @!p0 $0x0  }
0x12c: {  	[sflag:s0] =	ssyncadd.s32 @!p0 s1  }
0x12d: {  	[bflag:$0x3] =	sbarrier.arrive $0xFFFF  }
0x12e: {  	_ =	shalt  }

// kernel: kernel.13.cloned.1.call-start
scs
__scs_entry_jumppad:
0x0: {  	(pc) =	sbr.rel $0x88, $3  }
0x1: {  	(tag) =	ssettag $0x0;
	lr =	simm.s32 $0x1  }
0x2: {  	[smem:$0x3F99] =	sst lr;
	_ =	strace $0xD0000000  }
0x3: {  	_ = 	snop  }
0x4: {  	_ = 	snop  }
0x5: {  	_ = 	snop  }
0x6: {  	_ = 	snop  }
0x7: {  	_ = 	snop  }
__scs_overlays_trampoline_lowered:
0x8: {  	[smem:$0x3FA8] =	sst s0  }
0x9: {  	[smem:$0x3FA9] =	sst s1  }
0xa: {  	[smem:$0x3FAA] =	sst s2  }
0xb: {  	[smem:$0x3FAB] =	sst s3  }
0xc: {  	[smem:$0x3FAC] =	sst s4  }
0xd: {  	[smem:$0x3FAD] =	sst s5  }
0xe: {  	[smem:$0x3FAE] =	sst s6  }
0xf: {  	[smem:$0x3FAF] =	sst s7  }
0x10: {  	[smem:$0x3FB0] =	sst s8  }
0x11: {  	[smem:$0x3FB1] =	sst s9;
	s0 =	simm.s32 @!p0 $0x0  }
0x12: {  	s1 =	sld [smem:$0x3F97];
	s0 =	simm.s32 @p0 $0x1  }
0x13: {  	[smem:$0x3FB2] =	sst s0;
	s0 =	simm.s32 @!p1 $0x0  }
0x14: {  	s2 =	sld [smem:$0x3F96];
	s0 =	simm.s32 @p1 $0x1  }
0x15: {  	[smem:$0x3FB3] =	sst s0;
	s0 =	simm.s32 @!p2 $0x0  }
0x16: {  	s3 =	sld [smem:$0x3FDB];
	s0 =	simm.s32 @p2 $0x1  }
0x17: {  	s4 =	simm.s32 $0x1BF5;
	[smem:$0x3FB5] =	sst s0  }
0x18: {  	s0 =	sld [smem:$0x3F98];
	_ =	swait.ge [sflag:s4], $0x0  }
0x19: {  	s7 =	sld [smem:$0x3F99]  }
0x1a: {  	s8 =	sadd.s32 $0xFFFFE003, lr  }
0x1b: {  	s9 =	sadd.s32 $0xFFFFFEF7, lr;
	s5 =	simm.s32 $0xFFFFFFFF;
	p2 =	slt.u32 s8, $0xFFFFF086  }
0x1c: {  	p1 =	slt.u32 s9, $0xF7A;
	s5 =	simm.s32 @!p2 $0x0  }
0x1d: {  	s5 =	simm.s32 @p1 $0x1;
	p0 =	seq.s32 s7, s2  }
0x1e: {  	s7 =	smul.u32 @!p0 $0xF7A, s2;
	p2 =	seq.s32 @!p0 s5, $0x0  }
0x1f: {  	s9 =	smul.u32 $0xF7A, s1;
	s8 =	simm.s32 @!p0 $0x1BF5;
	p2 =	por !p2, p0  }
0x20: {  	[sflag:s8] =	ssyncset.s32 @!p0 $0xFFFFF086;
	s6 =	sadd.s32 @!p0 s3, s7;
	s7 =	simm.s32 @!p0 $0x108  }
0x21: {  	s3 =	sadd.s32 s3, s9;
	s6 =	sadd.s32 @!p0 $0x88, s6;
	s7 =	simm.s32 @p2 $0x1082  }
0x22: {  	[simem:s7], [sflag:s8] =	dma.local @!p0 [hbm:s6], $0xF7A  }
0x23: {  	s9 =	sor.u32 $0xD0000000, s2;
	s6 =	simm.s32 $0x108;
	_ =	swait.ge @!p0 [sflag:s8], $0x0  }
0x24: {  	s3 =	sadd.s32 $0x88, s3;
	s6 =	simm.s32 @!p1 $0x1082;
	[sflag:s4] =	ssyncset.s32 $0xFFFFF086  }
0x25: {  	[simem:s6], [sflag:s4] =	dma.local [hbm:s3], $0xF7A  }
0x26: {  	[smem:$0x3F99] =	sst s1;
	(tag) =	ssettag s2;
	_ =	strace s9  }
0x27: {  	s1 =	sld [smem:$0x3FA9]  }
0x28: {  	s2 =	sld [smem:$0x3FAA]  }
0x29: {  	s4 =	sld [smem:$0x3FAC]  }
0x2a: {  	p0 =	seq.s32 s5, $0x0;
	s5 =	sld [smem:$0x3FAD]  }
0x2b: {  	s6 =	sld [smem:$0x3FAE]  }
0x2c: {  	s7 =	sld [smem:$0x3FAF]  }
0x2d: {  	s3 =	simm.s32 $0x108;
	s8 =	sld [smem:$0x3FB0]  }
0x2e: {  	s3 =	simm.s32 @!p0 $0x1082;
	s9 =	sld [smem:$0x3FB1]  }
0x2f: {  	lr =	sadd.s32 s0, s3;
	s0 =	sld [smem:$0x3FA8]  }
0x30: {  	s3 =	sld [smem:$0x3FAB]  }
0x31: {  	[smem:$0x3FB4] =	sst s10  }
0x32: {  	s10 =	sld [smem:$0x3FB2];
	_ =	sdelay $0x3  }
0x33: {  	p0 =	seq.s32 s10, $0x1;
	s10 =	sld [smem:$0x3FB4];
	_ =	sdelay $0x3  }
0x34: {  	[smem:$0x3FB4] =	sst s10  }
0x35: {  	s10 =	sld [smem:$0x3FB3];
	_ =	sdelay $0x3  }
0x36: {  	p1 =	seq.s32 s10, $0x1;
	s10 =	sld [smem:$0x3FB4];
	_ =	sdelay $0x3  }
0x37: {  	[smem:$0x3FB4] =	sst s10  }
0x38: {  	s10 =	sld [smem:$0x3FB5]  }
0x39: {  	_ = 	snop;
	(pc) =	sbr.ind lr, $3  }
0x3a: {  	_ = 	snop  }
0x3b: {  	_ = 	snop  }
0x3c: {  	p2 =	seq.s32 s10, $0x1;
	s10 =	sld [smem:$0x3FB4]  }
0x3d: {  	_ =	shalt  }
0x3e: {  	_ =	shalt  }
0x3f: {  	_ =	shalt  }
0x40: {  	_ =	shalt  }
0x41: {  	_ =	shalt  }
0x42: {  	_ =	shalt  }
0x43: {  	_ =	shalt  }
0x44: {  	_ =	shalt  }
0x45: {  	_ =	shalt  }
0x46: {  	_ =	shalt  }
0x47: {  	_ =	shalt  }
0x48: {  	_ =	shalt  }
0x49: {  	_ =	shalt  }
0x4a: {  	_ =	shalt  }
0x4b: {  	_ =	shalt  }
0x4c: {  	_ =	shalt  }
0x4d: {  	_ =	shalt  }
0x4e: {  	_ =	shalt  }
0x4f: {  	_ =	shalt  }
0x50: {  	_ =	shalt  }
0x51: {  	_ =	shalt  }
0x52: {  	_ =	shalt  }
0x53: {  	_ =	shalt  }
0x54: {  	_ =	shalt  }
0x55: {  	_ =	shalt  }
0x56: {  	_ =	shalt  }
0x57: {  	_ =	shalt  }
0x58: {  	_ =	shalt  }
0x59: {  	_ =	shalt  }
0x5a: {  	_ =	shalt  }
0x5b: {  	_ =	shalt  }
0x5c: {  	_ =	shalt  }
0x5d: {  	_ =	shalt  }
0x5e: {  	_ =	shalt  }
0x5f: {  	_ =	shalt  }
0x60: {  	_ =	shalt  }
0x61: {  	_ =	shalt  }
0x62: {  	_ =	shalt  }
0x63: {  	_ =	shalt  }
0x64: {  	_ =	shalt  }
0x65: {  	_ =	shalt  }
0x66: {  	_ =	shalt  }
0x67: {  	_ =	shalt  }
0x68: {  	_ =	shalt  }
0x69: {  	_ =	shalt  }
0x6a: {  	_ =	shalt  }
0x6b: {  	_ =	shalt  }
0x6c: {  	_ =	shalt  }
0x6d: {  	_ =	shalt  }
0x6e: {  	_ =	shalt  }
0x6f: {  	_ =	shalt  }
0x70: {  	_ =	shalt  }
0x71: {  	_ =	shalt  }
0x72: {  	_ =	shalt  }
0x73: {  	_ =	shalt  }
0x74: {  	_ =	shalt  }
0x75: {  	_ =	shalt  }
0x76: {  	_ =	shalt  }
0x77: {  	_ =	shalt  }
0x78: {  	_ =	shalt  }
0x79: {  	_ =	shalt  }
0x7a: {  	_ =	shalt  }
0x7b: {  	_ =	shalt  }
0x7c: {  	_ =	shalt  }
0x7d: {  	_ =	shalt  }
0x7e: {  	_ =	shalt  }
0x7f: {  	_ =	shalt  }
0x80: {  	_ =	shalt  }
0x81: {  	_ =	shalt  }
0x82: {  	_ =	shalt  }
0x83: {  	_ =	shalt  }
0x84: {  	_ =	shalt  }
0x85: {  	_ =	shalt  }
0x86: {  	_ =	shalt  }
0x87: {  	_ =	shalt  }
.Lfunc_end0:
.L_simem_size_0:
called_computation.1_lowered:
.L_overlay_start_0:
0x88: {  	s2 =	sld [smem:$0x3FD9]  }
0x89: {  	s3 =	sld [smem:$0x3FFE];
	_ =	sdelay $0x1  }
0x8a: {  	s1 =	srdreg.scid  }
0x8b: {  	s0 =	sand.u32 $0x1, s1  }
0x8c: {  	s17 =	sshll.u32 s0, $0xA;
	s2 =	sadd.s32 s3, s2  }
0x8d: {  	s2 =	sadd.s32 s2, s17  }
0x8e: {  	[smem:$0x3FC0] =	sst s2  }
0x8f: {  	_ = 	snop  }
0x90: {  	s2 =	sld [smem:$0x3FD0];
	(tm) =	ssettm $0x1  }
0x91: {  	s18 =	sld [smem:$0x3FFB];
	_ =	sdelay $0x3  }
0x92: {  	_ =	strace s18  }
0x93: {  	s3 =	sld [smem:$0x3FFC];
	_ =	sdelay $0x3  }
0x94: {  	_ =	strace s3  }
0x95: {  	s3 =	sld [smem:$0x3FFD];
	_ =	sdelay $0x3  }
0x96: {  	_ =	strace s3  }
0x97: {  	_ =	strace $0x8FFFFFFF  }
0x98: {  	s19 =	sld [smem:$0x3FDB];
	_ =	sdelay $0x1  }
0x99: {  	s4 =	simm.s32 $_scs_section_size  }
0x9a: {  	s5 =	simm.s32 $_size__tile_overlayer_lowered;
	s6 =	simm.s32 $_tile_overlayer_lowered  }
0x9b: {  	s22 =	simm.s32 $0x1BFF;
	s21 =	sshll.u32 s6, $0x1;
	s3 =	sadd.s32 s4, s19  }
0x9c: {  	s7 =	simm.s32 $0x0;
	s20 =	sshll.u32 s5, $0x1;
	s5 =	sadd.s32 s21, s3  }
0x9d: {  	[timem:s7], [sflag:s22] =	dma.local [hbm:s5], s20  }
0x9e: {  	_ =	swait.ge [sflag:s22], s20  }
0x9f: {  	s4 =	ssub.s32 $0x0, s20;
	[sflag:s22] =	ssyncset.done $0x0  }
0xa0: {  	[sflag:s22] =	ssyncadd.s32 s4;
	_ =	sdelay $0x1  }
0xa1: {  	s23 =	simm.s32 $0x1B8B  }
0xa2: {  	_ =	swait.ge [sflag:s23], $0x1  }
0xa3: {  	[sflag:s23] =	ssyncset.done $0x0  }
0xa4: {  	s25 =	simm.s32 $0x1B8E;
	s24 =	sld [smem:$0x3FFE];
	[sflag:s23] =	ssyncadd.s32 $0xFFFFFFFF  }
0xa5: {  	s26 =	simm.s32 $execute0_lowered;
	[smem:$0x3FD2] =	sst s25  }
0xa6: {  	s5 =	sshll.u32 s26, $0x1;
	_ =	strace $0x80000049;
	[dreg:$0x1] =	wrdreg $0xFFFFFFFF  }
0xa7: {  	s28 =	simm.s32 $_size_execute0_lowered;
	s3 =	sadd.s32 s3, s5;
	[dreg:$0x0] =	wrdreg $0x0  }
0xa8: {  	s5 =	sshll.u32 s28, $0x1;
	[dreg:$0x2] =	wrdreg s3  }
0xa9: {  	[dreg:$0x3] =	wrdreg s5  }
0xaa: {  	[dreg:$0x4] =	wrdreg $0xC0  }
0xab: {  	_ =	task [dreg:s7], $0x5FFFF  }
0xac: {  	[dreg:$0x1] =	wrdreg $0xFFFFFFFF  }
0xad: {  	[dreg:$0x0] =	wrdreg $0x60  }
0xae: {  	[dreg:$0x2] =	wrdreg s24  }
0xaf: {  	[dreg:$0x3] =	wrdreg s2  }
0xb0: {  	[dreg:$0x4] =	wrdreg $0x9  }
0xb1: {  	_ =	task.clear_ibuf [dreg:s7], $0x5FFFF;
	_ =	strace $0x90000049  }
0xb2: {  	s29 =	simm.s32 $0x9;
	_ =	strace $0x8000004B  }
0xb3: {  	_ =	swait.ge [sflag:s29], $0x1  }
0xb4: {  	[sflag:s29] =	ssyncadd.s32 $0xFFFFFFFF  }
0xb5: {  	_ =	strace $0x9000004B  }
0xb6: {  	_ =	sfence  }
0xb7: {  	s30 =	sld [smem:$0x0];
	_ =	sdelay $0x2  }
0xb8: {  	s31 =	sshll.u32 s1, $0xD;
	s1 =	sshrl.u32 s1, $0x2  }
0xb9: {  	s3 =	sand.u32 $0x4000, s31;
	s1 =	sadd.s32 s1, s30  }
0xba: {  	s0 =	sor.u32 s3, s0;
	s1 =	sshll.u32 s1, $0x11  }
0xbb: {  	s0 =	sor.u32 s1, s0  }
0xbc: {  	s0 =	sadd.s32 $0x8F2B, s0  }
0xbd: {  	[sflag:s0] =	ssyncadd.remote.s32 $0x1  }
0xbe: {  	_ =	sfence.sel $0xFFFF  }
0xbf: {  	[dreg:$0x0] =	wrdreg $0xFFFFFFFF;
	(pc) =	sbr.abs _section_cstart, $3  }
0xc0: {  	[dreg:$0x1] =	wrdreg $0xFFFFFFFF  }
0xc1: {  	_ =	task.clear_ibuf [dreg:s7], $0x2FFFF;
	_ =	strace $0x9FFFFFFF  }
0xc2: {  	(tm) =	ssettm $0x7FFFFFFF  }
0xc3: {  	_ =	shalt  }
tec
execute0_lowered:
.L_overlay_start_1:
0x0: {  	(tag) =	ssettag $0x1  }
0x1: {  	s5 =	rddreg [dreg:$0x0]  }
0x2: {  	s1 =	srdreg.scid;
	s0 =	stileid.u32  }
0x3: {  	s7 =	rddreg [dreg:$0x1];
	s2 =	simm.s32 $0x0;
	s11 =	simm.s32 $0x7600  }
0x4: {  	s12 =	simm.s32 $0x1;
	s3 =	sand.u32 $0x1, s1;
	s4 =	sshll.u32 s0, $0x1  }
0x5: {  	s13 =	simm.s32 $0x2780;
	s14 =	simm.s32 $0x4EA0;
	s4 =	sor.u32 s3, s4  }
0x6: {  	s15 =	simm.s32 $0x0;
	s1 =	rddreg [dreg:$0x2];
	s6 =	smul.u32 $0x4E2, s4  }
0x7: {  	[smem:$0x7FF] =	sst s2;
	s8 =	ssub.s32 $0x2, s3;
	s9 =	smul.u32 $0x2710, s4  }
.Ltmp0:
0x8: {  	_ =	strace $0x8000004A;
	s10 =	sshrl.u32 s8, $0x1;
	(pc) =	sbr.rel .LBB2_1-.Ltmp0, $4  }
0x9: {  	s3 =	sadd.s32 $0x16200, s5;
	s4 =	sadd.s32 $0x22600, s5;
	s8 =	ssub.s32 s8, s10  }
0xa: {  	s10 =	simm.s32 $0x2;
	s5 =	sadd.s32 s6, s5;
	s9 =	sshrl.u32 s9, $0x3  }
0xb: {  	s6 =	sadd.s32 s7, s6;
	s8 =	smax.u32 s8, $0x1;
	s7 =	sadd.s32 s7, s9  }
0xc: {  	v0 =	vimm.f32 $0.0e+00;
	s5 =	sadd.s32 $0x2600, s5;
	s9 =	simm.s32 $0xD800;
	s7 =	sadd.s32 $0x9C40, s7  }
.LBB2_11:
0xd: {  	[hbm4b:s6+s2] =	stream.linear.scatter [tilespmem:s13], [sflag:$0x2], $0x2710, $0x38;
	[tilespmem:$0xDA00] =	vst v63  }
0xe: {  	s15 =	sadd.s32 $0x1, s15;
	_ =	swait.ge [sflag:s10], $0x2710  }
0xf: {  	p0 =	sne.s32 s15, s8;
	[sflag:s10] =	ssyncset.done $0x0  }
.Ltmp1:
0x10: {  	[sflag:s10] =	ssyncadd.s32 $0xFFFFD8F0;
	(pc) =	sbr.rel @!p0 .LBB2_12-.Ltmp1, $4  }
0x11: {  	[hbm4b:s7+s2] =	stream.linear.scatter [tilespmem:s14], [sflag:$0x2], $0x2710, $0x38;
	[tilespmem:$0xDA00] =	vst v63  }
0x12: {  	_ =	swait.ge [sflag:s10], $0x2710  }
0x13: {  	[sflag:s10] =	ssyncset.done $0x0  }
0x14: {  	[sflag:s10] =	ssyncadd.s32 $0xFFFFD8F0  }
.LBB2_1:
0x15: {  	[tilespmem:s9], [sflag:$0x2] =	stream.linear.gather [hbm4b:s4+s2], $0x200, $0x38;
	[tilespmem:$0xDA00] =	vst v63  }
0x16: {  	_ =	swait.ge [sflag:s10], $0x200  }
0x17: {  	[sflag:s10] =	ssyncset.done $0x0  }
0x18: {  	[sflag:s10] =	ssyncadd.s32 $0xFFFFFE00  }
0x19: {  	[tilespmem:s2], [sflag:$0x2] =	stream.linear.gather [hbm4b:s5+s2], $0x2710, $0x38;
	[tilespmem:$0xDA00] =	vst v63  }
0x1a: {  	_ =	swait.ge [sflag:s10], $0x2710  }
0x1b: {  	[sflag:s10] =	ssyncset.done $0x0  }
0x1c: {  	s16 =	simm.s32 $0x40;
	s17 =	simm.s32 $0x0;
	[sflag:s10] =	ssyncadd.s32 $0xFFFFD8F0  }
.LBB2_2:
0x1d: {  	p0 =	sne.s32 s16, $0x138C0;
	[tilespmem:s17+$0x2780] =	vst v0;
	s17 =	smov.u32 s16;
	s16 =	sadd.s32 $0x40, s16  }
.Ltmp2:
0x1e: {  	(pc) =	sbr.rel @p0 .LBB2_2-.Ltmp2, $2  }
0x1f: {  	_ =	sdelay $0x2  }
0x20: {  	s17 =	sshra.s32 s17, $0x2  }
.Ltmp3:
0x21: {  	(pc) =	sbr.rel .LBB2_5-.Ltmp3, $3  }
0x22: {  	_ =	sdelay $0x1  }
0x23: {  	[tilespmem:s17+$0x2780] =	vst v0;
	s16 =	simm.s32 $0x0  }
0x24: {  	[tilespmem:s11], [sflag:$0x1] =	stream.linear.gather [hbm4b:s3+s16], $0x3100, $0x38;
	[tilespmem:$0xDA00] =	vst v63  }
.LBB2_4:
0x25: {  	p0 =	seq.s32 s16, $0x20  }
.Ltmp4:
0x26: {  	_ = 	snop;
	(pc) =	sbr.rel @p0 .LBB2_11-.Ltmp4, $1  }
0x27: {  	_ =	sdelay $0x3  }
.LBB2_5:
0x28: {  	s18 =	smov.u32 s16  }
0x29: {  	s17 =	sand.u32 $0x1, s16;
	s16 =	sadd.s32 $0x1, s16;
	p0 =	seq.s32 s18, $0x1F  }
0x2a: {  	p1 =	seq.s32 s17, $0x1;
	s17 =	simm.s32 $0x3100;
	s19 =	smul.u32 @!p0 $0x620, s16  }
0x2b: {  	s17 =	simm.s32 @!p1 $0x0  }
0x2c: {  	s21 =	simm.s32 @!p0 $0x0;
	s20 =	ssub.s32 @!p0 $0xA700, s17;
	s19 =	sadd.s32 @!p0 s3, s19  }
0x2d: {  	[tilespmem:s20], [sflag:$0x1] =	stream.linear.gather @!p0 [hbm4b:s19+s21], $0x3100, $0x38;
	[tilespmem:$0xDA00] =	vst v63  }
0x2e: {  	_ =	swait.ge [sflag:s12], $0x3100  }
0x2f: {  	s18 =	sshll.u32 s18, $0x4;
	[sflag:s12] =	ssyncset.done $0x0  }
0x30: {  	s18 =	sand.u32 $0x3FFFFFF0, s18;
	[sflag:s12] =	ssyncadd.s32 $0xFFFFCF00  }
0x31: {  	v1 =	vld [tilespmem:s18+$0xD800];
	_ =	sdelay $0x4  }
0x32: {  	(v2sf) =	vpush v1, $0x0;
	_ =	sdelay $0xe  }
0x33: {  	s31 =	spop (v2sf)  }
0x34: {  	s18 =	sshll.u32 s31, $0x4  }
0x35: {  	p0 =	slt.s32 s18, $0x80  }
.Ltmp5:
0x36: {  	_ = 	snop;
	(pc) =	sbr.rel @p0 .LBB2_9-.Ltmp5, $2  }
0x37: {  	_ =	sdelay $0x2  }
0x38: {  	s19 =	sand.u32 $0xFFFFFF80, s18  }
0x39: {  	s21 =	sadd.s32 $0x7640, s17  }
0x3a: {  	v1 =	vld [tilespmem:s21+$0x30]  }
0x3b: {  	v2 =	vld [tilespmem:s21+$0xFFFFFFD0]  }
0x3c: {  	v3 =	vld [tilespmem:s21+$0xFFFFFFE0]  }
0x3d: {  	v4 =	vld [tilespmem:s21+$0xFFFFFFF0]  }
0x3e: {  	v5 =	vld [tilespmem:s21+$0x0]  }
0x3f: {  	v6 =	vld [tilespmem:s21+$0x10];
	v7 =	vshra.s32 v1, $0xE  }
0x40: {  	v9 =	vld [tilespmem:s21+$0x20];
	v8 =	vshra.s32 v2, $0xE  }
0x41: {  	v12 =	vld [tilespmem:s21+$0xFFFFFFC0];
	v10 =	vshra.s32 v3, $0xE  }
0x42: {  	v11 =	vshra.s32 v4, $0xE  }
0x43: {  	v13 =	vshra.s32 v5, $0xE  }
0x44: {  	v14 =	vshra.s32 v6, $0xE;
	v7 =	vld.idx.msk [tilespmem:v7+s2+$0x0], $0xffff  }
0x45: {  	v15 =	vshra.s32 v9, $0xE;
	v8 =	vld.idx.msk [tilespmem:v8+s2+$0x0], $0xffff  }
0x46: {  	v17 =	vshra.s32 v12, $0xE;
	v10 =	vld.idx.msk [tilespmem:v10+s2+$0x0], $0xffff  }
0x47: {  	v1 =	vand.u32 $0x3FFF, v1;
	v11 =	vld.idx.msk [tilespmem:v11+s2+$0x0], $0xffff  }
0x48: {  	v16 =	vadd.s32 $0x2720, v1;
	v13 =	vld.idx.msk [tilespmem:v13+s2+$0x0], $0xffff  }
0x49: {  	v2 =	vand.u32 $0x3FFF, v2;
	v14 =	vld.idx.msk [tilespmem:v14+s2+$0x0], $0xffff  }
0x4a: {  	v18 =	vadd.s32 $0x2720, v2;
	v15 =	vld.idx.msk [tilespmem:v15+s2+$0x0], $0xffff  }
0x4b: {  	v3 =	vand.u32 $0x3FFF, v3;
	v61 =	vld.idx.msk [tilespmem:v17+s2+$0x0], $0xffff;
	v19 =	vshll.u32 v7, $0x10  }
0x4c: {  	v4 =	vand.u32 $0x3FFF, v4;
	v7 =	vand.u32 $0xFFFF0000, v7;
	[tilespmem:v1+s13+$0x0] =	vst.idx.add.f32.msk $0xffff, v19  }
0x4d: {  	v1 =	vadd.s32 $0x2720, v3;
	[tilespmem:v16+s13+$0x0] =	vst.idx.add.f32.msk $0xffff, v7;
	v7 =	vshll.u32 v8, $0x10  }
0x4e: {  	v62 =	vadd.s32 $0x2720, v4;
	v8 =	vand.u32 $0xFFFF0000, v8;
	[tilespmem:v2+s13+$0x0] =	vst.idx.add.f32.msk $0xffff, v7  }
0x4f: {  	v2 =	vand.u32 $0x3FFF, v12;
	v7 =	vshll.u32 v10, $0x10;
	[tilespmem:v18+s13+$0x0] =	vst.idx.add.f32.msk $0xffff, v8  }
0x50: {  	v63 =	vadd.s32 $0x2720, v2;
	[tilespmem:v3+s13+$0x0] =	vst.idx.add.f32.msk $0xffff, v7;
	v3 =	vand.u32 $0x3FFF, v5;
	v5 =	vshll.u32 v11, $0x10  }
0x51: {  	v10 =	vand.u32 $0xFFFF0000, v10;
	[tilespmem:v4+s13+$0x0] =	vst.idx.add.f32.msk $0xffff, v5  }
0x52: {  	v7 =	vand.u32 $0xFFFF0000, v11;
	v4 =	vand.u32 $0x3FFF, v6;
	[tilespmem:v1+s13+$0x0] =	vst.idx.add.f32.msk $0xffff, v10  }
0x53: {  	v5 =	vshll.u32 v61, $0x10;
	v1 =	vadd.s32 $0x2720, v3;
	[tilespmem:v62+s13+$0x0] =	vst.idx.add.f32.msk $0xffff, v7  }
0x54: {  	p0 =	sgt.s32 s19, $0x80;
	v6 =	vadd.s32 $0x2720, v4;
	v7 =	vand.u32 $0xFFFF0000, v61;
	[tilespmem:v2+s13+$0x0] =	vst.idx.add.f32.msk $0xffff, v5  }
.Ltmp6:
0x55: {  	v2 =	vshll.u32 v13, $0x10;
	[tilespmem:v63+s13+$0x0] =	vst.idx.add.f32.msk $0xffff, v7;
	(pc) =	sbr.rel @!p0 .LBB2_8-.Ltmp6, $4  }
0x56: {  	[tilespmem:v3+s13+$0x0] =	vst.idx.add.f32.msk $0xffff, v2;
	v2 =	vshll.u32 v14, $0x10  }
0x57: {  	v5 =	vand.u32 $0xFFFF0000, v13;
	[tilespmem:v4+s13+$0x0] =	vst.idx.add.f32.msk $0xffff, v2  }
0x58: {  	[tilespmem:v1+s13+$0x0] =	vst.idx.add.f32.msk $0xffff, v5;
	v1 =	vand.u32 $0x3FFF, v9;
	v5 =	vand.u32 $0xFFFF0000, v14  }
0x59: {  	s20 =	simm.s32 $0x80;
	s21 =	sadd.s32 $0x80, s21;
	v3 =	vand.u32 $0xFFFF0000, v15;
	v4 =	vshll.u32 v15, $0x10;
	v2 =	vadd.s32 $0x2720, v1;
	[tilespmem:v6+s13+$0x0] =	vst.idx.add.f32.msk $0xffff, v5  }
.LBB2_7:
0x5a: {  	v5 =	vld [tilespmem:s21+$0x30]  }
0x5b: {  	s20 =	sadd.s32 $0x80, s20;
	v6 =	vld [tilespmem:s21+$0xFFFFFFD0]  }
0x5c: {  	p0 =	slt.s32 s20, s19;
	v7 =	vld [tilespmem:s21+$0xFFFFFFE0]  }
0x5d: {  	v8 =	vld [tilespmem:s21+$0xFFFFFFF0]  }
0x5e: {  	v9 =	vld [tilespmem:s21+$0x0]  }
0x5f: {  	v10 =	vld [tilespmem:s21+$0x10];
	v11 =	vshra.s32 v5, $0xE  }
0x60: {  	v12 =	vshra.s32 v6, $0xE;
	v6 =	vand.u32 $0x3FFF, v6;
	v13 =	vld [tilespmem:s21+$0x20]  }
0x61: {  	v14 =	vld [tilespmem:s21+$0xFFFFFFC0];
	v15 =	vadd.s32 $0x2720, v6;
	v16 =	vshra.s32 v7, $0xE;
	v7 =	vand.u32 $0x3FFF, v7  }
0x62: {  	v17 =	vadd.s32 $0x2720, v7;
	v18 =	vshra.s32 v8, $0xE;
	v8 =	vand.u32 $0x3FFF, v8;
	[tilespmem:v1+s13+$0x0] =	vst.idx.add.f32.msk $0xffff, v4  }
0x63: {  	v19 =	vadd.s32 $0x2720, v8;
	v4 =	vshra.s32 v9, $0xE;
	v9 =	vand.u32 $0x3FFF, v9;
	[tilespmem:v2+s13+$0x0] =	vst.idx.add.f32.msk $0xffff, v3  }
0x64: {  	v20 =	vadd.s32 $0x2720, v9;
	v3 =	vshra.s32 v10, $0xE;
	v10 =	vand.u32 $0x3FFF, v10;
	v11 =	vld.idx.msk [tilespmem:v11+s2+$0x0], $0xffff  }
0x65: {  	v12 =	vld.idx.msk [tilespmem:v12+s2+$0x0], $0xffff;
	v21 =	vadd.s32 $0x2720, v10;
	v22 =	vshra.s32 v13, $0xE;
	v1 =	vand.u32 $0x3FFF, v13  }
0x66: {  	v5 =	vand.u32 $0x3FFF, v5;
	v13 =	vshra.s32 v14, $0xE;
	v14 =	vand.u32 $0x3FFF, v14;
	v16 =	vld.idx.msk [tilespmem:v16+s2+$0x0], $0xffff  }
0x67: {  	v24 =	vadd.s32 $0x2720, v5;
	v2 =	vadd.s32 $0x2720, v1;
	v23 =	vadd.s32 $0x2720, v14;
	v18 =	vld.idx.msk [tilespmem:v18+s2+$0x0], $0xffff  }
0x68: {  	v4 =	vld.idx.msk [tilespmem:v4+s2+$0x0], $0xffff  }
0x69: {  	v3 =	vld.idx.msk [tilespmem:v3+s2+$0x0], $0xffff  }
0x6a: {  	v25 =	vshll.u32 v11, $0x10;
	v22 =	vld.idx.msk [tilespmem:v22+s2+$0x0], $0xffff  }
0x6b: {  	v11 =	vand.u32 $0xFFFF0000, v11;
	v26 =	vshll.u32 v12, $0x10;
	v12 =	vand.u32 $0xFFFF0000, v12;
	[tilespmem:v5+s13+$0x0] =	vst.idx.add.f32.msk $0xffff, v25  }
0x6c: {  	v5 =	vshll.u32 v16, $0x10;
	v16 =	vand.u32 $0xFFFF0000, v16;
	[tilespmem:v24+s13+$0x0] =	vst.idx.add.f32.msk $0xffff, v11  }
0x6d: {  	v11 =	vld.idx.msk [tilespmem:v13+s2+$0x0], $0xffff;
	v13 =	vshll.u32 v18, $0x10;
	v18 =	vand.u32 $0xFFFF0000, v18  }
0x6e: {  	v24 =	vand.u32 $0xFFFF0000, v4;
	[tilespmem:v6+s13+$0x0] =	vst.idx.add.f32.msk $0xffff, v26;
	v6 =	vshll.u32 v4, $0x10  }
0x6f: {  	[tilespmem:v15+s13+$0x0] =	vst.idx.add.f32.msk $0xffff, v12;
	v12 =	vshll.u32 v3, $0x10;
	v15 =	vand.u32 $0xFFFF0000, v3  }
0x70: {  	v4 =	vshll.u32 v22, $0x10;
	v3 =	vand.u32 $0xFFFF0000, v22;
	[tilespmem:v7+s13+$0x0] =	vst.idx.add.f32.msk $0xffff, v5  }
0x71: {  	[tilespmem:v17+s13+$0x0] =	vst.idx.add.f32.msk $0xffff, v16  }
0x72: {  	[tilespmem:v8+s13+$0x0] =	vst.idx.add.f32.msk $0xffff, v13  }
0x73: {  	v5 =	vshll.u32 v11, $0x10;
	v7 =	vand.u32 $0xFFFF0000, v11;
	[tilespmem:v19+s13+$0x0] =	vst.idx.add.f32.msk $0xffff, v18  }
0x74: {  	[tilespmem:v14+s13+$0x0] =	vst.idx.add.f32.msk $0xffff, v5  }
.Ltmp7:
0x75: {  	[tilespmem:v23+s13+$0x0] =	vst.idx.add.f32.msk $0xffff, v7;
	(pc) =	sbr.rel @p0 .LBB2_7-.Ltmp7, $4  }
0x76: {  	[tilespmem:v9+s13+$0x0] =	vst.idx.add.f32.msk $0xffff, v6  }
0x77: {  	[tilespmem:v20+s13+$0x0] =	vst.idx.add.f32.msk $0xffff, v24  }
0x78: {  	[tilespmem:v10+s13+$0x0] =	vst.idx.add.f32.msk $0xffff, v12  }
0x79: {  	s21 =	sadd.s32 $0x80, s21;
	[tilespmem:v21+s13+$0x0] =	vst.idx.add.f32.msk $0xffff, v15  }
.LBB2_8:
0x7a: {  	_ =	sdelay $0x3  }
0x7b: {  	[tilespmem:v1+s13+$0x0] =	vst.idx.add.f32.msk $0xffff, v4  }
0x7c: {  	[tilespmem:v2+s13+$0x0] =	vst.idx.add.f32.msk $0xffff, v3  }
.LBB2_9:
0x7d: {  	p0 =	seq.s32 s19, s18  }
.Ltmp8:
0x7e: {  	_ = 	snop;
	(pc) =	sbr.rel @p0 .LBB2_4-.Ltmp8, $1  }
0x7f: {  	_ =	sdelay $0x3  }
.LBB2_10:
0x80: {  	s20 =	sadd.s32 s19, s17  }
0x81: {  	s21 =	sand.u32 $0x70, s19;
	s20 =	sand.u32 $0xFFFFFF80, s20  }
0x82: {  	s20 =	sor.u32 s21, s20  }
0x83: {  	v1 =	vld [tilespmem:s20+$0x7600];
	_ =	sdelay $0x4  }
0x84: {  	v2 =	vshra.s32 v1, $0xE;
	_ =	sdelay $0x4  }
0x85: {  	v2 =	vld.idx.msk [tilespmem:v2+s2+$0x0], $0xffff  }
0x86: {  	s19 =	sadd.s32 $0x10, s19;
	v1 =	vand.u32 $0x3FFF, v1  }
0x87: {  	p0 =	slt.s32 s19, s18;
	v3 =	vadd.s32 $0x2720, v1  }
.Ltmp9:
0x88: {  	_ = 	snop;
	(pc) =	sbr.rel @p0 .LBB2_10-.Ltmp9, $4  }
0x89: {  	_ = 	snop  }
0x8a: {  	v4 =	vshll.u32 v2, $0x10  }
0x8b: {  	v2 =	vand.u32 $0xFFFF0000, v2;
	[tilespmem:v1+s13+$0x0] =	vst.idx.add.f32.msk $0xffff, v4  }
0x8c: {  	[tilespmem:v3+s13+$0x0] =	vst.idx.add.f32.msk $0xffff, v2  }
.Ltmp10:
0x8d: {  	_ = 	snop;
	(pc) =	sbr.rel .LBB2_4-.Ltmp10, $1  }
0x8e: {  	_ =	sdelay $0x3  }
.LBB2_12:
0x8f: {  	_ =	sfence.sel $0x180000  }
0x90: {  	[bflag:$0x0] =	sbarrier.arrive $0xFFFF  }
0x91: {  	p0 =	sne.s32 s0, $0x0;
	_ =	strace $0x9000004A  }
0x92: {  	s0 =	sadd.s32 @!p0 $0x100000, s1;
	[bflag:$0x2] =	sbarrier.arrive $0xFFFF  }
0x93: {  	[sflag:s0] =	ssyncadd.tile.s32 @!p0 $0x1;
	_ =	shalt  }
.Lfunc_end2:
_tile_overlayer_lowered:
.L_overlay_start_2:
0x94: {  	(tag) =	ssettag $0x2  }
0x95: {  	s0 =	rddreg [dreg:$0x0];
	s2 =	stileid.u32  }
0x96: {  	s1 =	rddreg [dreg:$0x1];
	p0 =	sne.s32 s2, $0x0  }
0x97: {  	s3 =	rddreg [dreg:$0x2];
	[bflag:$0x3] =	sbarrier.arrive $0xFFFF;
	s2 =	simm.s32 @!p0 $0x1C02  }
0x98: {  	[timem:s3], [sflag:s2] =	dma.local @!p0 [hbm:s0], s1  }
0x99: {  	s0 =	simm.s32 @!p0 $0x2  }
0x9a: {  	_ =	swait.ge @!p0 [sflag:s0], s1  }
0x9b: {  	s1 =	ssub.s32 @!p0 $0x0, s1;
	[sflag:s0] =	ssyncset.done @!p0 $0x0  }
0x9c: {  	[sflag:s0] =	ssyncadd.s32 @!p0 s1  }
0x9d: {  	[bflag:$0x3] =	sbarrier.arrive $0xFFFF  }
0x9e: {  	_ =	shalt  }

// kernel: kernel.16.cloned.1.call-start
scs
__scs_entry_jumppad:
0x0: {  	(pc) =	sbr.rel $0x88, $3  }
0x1: {  	(tag) =	ssettag $0x0;
	lr =	simm.s32 $0x1  }
0x2: {  	[smem:$0x3F99] =	sst lr;
	_ =	strace $0xD0000000  }
0x3: {  	_ = 	snop  }
0x4: {  	_ = 	snop  }
0x5: {  	_ = 	snop  }
0x6: {  	_ = 	snop  }
0x7: {  	_ = 	snop  }
__scs_overlays_trampoline_lowered:
0x8: {  	[smem:$0x3FA8] =	sst s0  }
0x9: {  	[smem:$0x3FA9] =	sst s1  }
0xa: {  	[smem:$0x3FAA] =	sst s2  }
0xb: {  	[smem:$0x3FAB] =	sst s3  }
0xc: {  	[smem:$0x3FAC] =	sst s4  }
0xd: {  	[smem:$0x3FAD] =	sst s5  }
0xe: {  	[smem:$0x3FAE] =	sst s6  }
0xf: {  	[smem:$0x3FAF] =	sst s7  }
0x10: {  	[smem:$0x3FB0] =	sst s8  }
0x11: {  	[smem:$0x3FB1] =	sst s9;
	s0 =	simm.s32 @!p0 $0x0  }
0x12: {  	s1 =	sld [smem:$0x3F97];
	s0 =	simm.s32 @p0 $0x1  }
0x13: {  	[smem:$0x3FB2] =	sst s0;
	s0 =	simm.s32 @!p1 $0x0  }
0x14: {  	s2 =	sld [smem:$0x3F96];
	s0 =	simm.s32 @p1 $0x1  }
0x15: {  	[smem:$0x3FB3] =	sst s0;
	s0 =	simm.s32 @!p2 $0x0  }
0x16: {  	s3 =	sld [smem:$0x3FDB];
	s0 =	simm.s32 @p2 $0x1  }
0x17: {  	s4 =	simm.s32 $0x1BF5;
	[smem:$0x3FB5] =	sst s0  }
0x18: {  	s0 =	sld [smem:$0x3F98];
	_ =	swait.ge [sflag:s4], $0x0  }
0x19: {  	s7 =	sld [smem:$0x3F99]  }
0x1a: {  	s8 =	sadd.s32 $0xFFFFE003, lr  }
0x1b: {  	s9 =	sadd.s32 $0xFFFFFEF7, lr;
	s5 =	simm.s32 $0xFFFFFFFF;
	p2 =	slt.u32 s8, $0xFFFFF086  }
0x1c: {  	p1 =	slt.u32 s9, $0xF7A;
	s5 =	simm.s32 @!p2 $0x0  }
0x1d: {  	s5 =	simm.s32 @p1 $0x1;
	p0 =	seq.s32 s7, s2  }
0x1e: {  	s7 =	smul.u32 @!p0 $0xF7A, s2;
	p2 =	seq.s32 @!p0 s5, $0x0  }
0x1f: {  	s9 =	smul.u32 $0xF7A, s1;
	s8 =	simm.s32 @!p0 $0x1BF5;
	p2 =	por !p2, p0  }
0x20: {  	[sflag:s8] =	ssyncset.s32 @!p0 $0xFFFFF086;
	s6 =	sadd.s32 @!p0 s3, s7;
	s7 =	simm.s32 @!p0 $0x108  }
0x21: {  	s3 =	sadd.s32 s3, s9;
	s6 =	sadd.s32 @!p0 $0x88, s6;
	s7 =	simm.s32 @p2 $0x1082  }
0x22: {  	[simem:s7], [sflag:s8] =	dma.local @!p0 [hbm:s6], $0xF7A  }
0x23: {  	s9 =	sor.u32 $0xD0000000, s2;
	s6 =	simm.s32 $0x108;
	_ =	swait.ge @!p0 [sflag:s8], $0x0  }
0x24: {  	s3 =	sadd.s32 $0x88, s3;
	s6 =	simm.s32 @!p1 $0x1082;
	[sflag:s4] =	ssyncset.s32 $0xFFFFF086  }
0x25: {  	[simem:s6], [sflag:s4] =	dma.local [hbm:s3], $0xF7A  }
0x26: {  	[smem:$0x3F99] =	sst s1;
	(tag) =	ssettag s2;
	_ =	strace s9  }
0x27: {  	s1 =	sld [smem:$0x3FA9]  }
0x28: {  	s2 =	sld [smem:$0x3FAA]  }
0x29: {  	s4 =	sld [smem:$0x3FAC]  }
0x2a: {  	p0 =	seq.s32 s5, $0x0;
	s5 =	sld [smem:$0x3FAD]  }
0x2b: {  	s6 =	sld [smem:$0x3FAE]  }
0x2c: {  	s7 =	sld [smem:$0x3FAF]  }
0x2d: {  	s3 =	simm.s32 $0x108;
	s8 =	sld [smem:$0x3FB0]  }
0x2e: {  	s3 =	simm.s32 @!p0 $0x1082;
	s9 =	sld [smem:$0x3FB1]  }
0x2f: {  	lr =	sadd.s32 s0, s3;
	s0 =	sld [smem:$0x3FA8]  }
0x30: {  	s3 =	sld [smem:$0x3FAB]  }
0x31: {  	[smem:$0x3FB4] =	sst s10  }
0x32: {  	s10 =	sld [smem:$0x3FB2];
	_ =	sdelay $0x3  }
0x33: {  	p0 =	seq.s32 s10, $0x1;
	s10 =	sld [smem:$0x3FB4];
	_ =	sdelay $0x3  }
0x34: {  	[smem:$0x3FB4] =	sst s10  }
0x35: {  	s10 =	sld [smem:$0x3FB3];
	_ =	sdelay $0x3  }
0x36: {  	p1 =	seq.s32 s10, $0x1;
	s10 =	sld [smem:$0x3FB4];
	_ =	sdelay $0x3  }
0x37: {  	[smem:$0x3FB4] =	sst s10  }
0x38: {  	s10 =	sld [smem:$0x3FB5]  }
0x39: {  	_ = 	snop;
	(pc) =	sbr.ind lr, $3  }
0x3a: {  	_ = 	snop  }
0x3b: {  	_ = 	snop  }
0x3c: {  	p2 =	seq.s32 s10, $0x1;
	s10 =	sld [smem:$0x3FB4]  }
0x3d: {  	_ =	shalt  }
0x3e: {  	_ =	shalt  }
0x3f: {  	_ =	shalt  }
0x40: {  	_ =	shalt  }
0x41: {  	_ =	shalt  }
0x42: {  	_ =	shalt  }
0x43: {  	_ =	shalt  }
0x44: {  	_ =	shalt  }
0x45: {  	_ =	shalt  }
0x46: {  	_ =	shalt  }
0x47: {  	_ =	shalt  }
0x48: {  	_ =	shalt  }
0x49: {  	_ =	shalt  }
0x4a: {  	_ =	shalt  }
0x4b: {  	_ =	shalt  }
0x4c: {  	_ =	shalt  }
0x4d: {  	_ =	shalt  }
0x4e: {  	_ =	shalt  }
0x4f: {  	_ =	shalt  }
0x50: {  	_ =	shalt  }
0x51: {  	_ =	shalt  }
0x52: {  	_ =	shalt  }
0x53: {  	_ =	shalt  }
0x54: {  	_ =	shalt  }
0x55: {  	_ =	shalt  }
0x56: {  	_ =	shalt  }
0x57: {  	_ =	shalt  }
0x58: {  	_ =	shalt  }
0x59: {  	_ =	shalt  }
0x5a: {  	_ =	shalt  }
0x5b: {  	_ =	shalt  }
0x5c: {  	_ =	shalt  }
0x5d: {  	_ =	shalt  }
0x5e: {  	_ =	shalt  }
0x5f: {  	_ =	shalt  }
0x60: {  	_ =	shalt  }
0x61: {  	_ =	shalt  }
0x62: {  	_ =	shalt  }
0x63: {  	_ =	shalt  }
0x64: {  	_ =	shalt  }
0x65: {  	_ =	shalt  }
0x66: {  	_ =	shalt  }
0x67: {  	_ =	shalt  }
0x68: {  	_ =	shalt  }
0x69: {  	_ =	shalt  }
0x6a: {  	_ =	shalt  }
0x6b: {  	_ =	shalt  }
0x6c: {  	_ =	shalt  }
0x6d: {  	_ =	shalt  }
0x6e: {  	_ =	shalt  }
0x6f: {  	_ =	shalt  }
0x70: {  	_ =	shalt  }
0x71: {  	_ =	shalt  }
0x72: {  	_ =	shalt  }
0x73: {  	_ =	shalt  }
0x74: {  	_ =	shalt  }
0x75: {  	_ =	shalt  }
0x76: {  	_ =	shalt  }
0x77: {  	_ =	shalt  }
0x78: {  	_ =	shalt  }
0x79: {  	_ =	shalt  }
0x7a: {  	_ =	shalt  }
0x7b: {  	_ =	shalt  }
0x7c: {  	_ =	shalt  }
0x7d: {  	_ =	shalt  }
0x7e: {  	_ =	shalt  }
0x7f: {  	_ =	shalt  }
0x80: {  	_ =	shalt  }
0x81: {  	_ =	shalt  }
0x82: {  	_ =	shalt  }
0x83: {  	_ =	shalt  }
0x84: {  	_ =	shalt  }
0x85: {  	_ =	shalt  }
0x86: {  	_ =	shalt  }
0x87: {  	_ =	shalt  }
.Lfunc_end0:
.L_simem_size_0:
called_computation.2_lowered:
.L_overlay_start_0:
0x88: {  	s2 =	sld [smem:$0x3FD9]  }
0x89: {  	s3 =	sld [smem:$0x3FFE];
	_ =	sdelay $0x1  }
0x8a: {  	s1 =	srdreg.scid  }
0x8b: {  	s0 =	sand.u32 $0x1, s1  }
0x8c: {  	s17 =	sshll.u32 s0, $0xA;
	s2 =	sadd.s32 s3, s2  }
0x8d: {  	s2 =	sadd.s32 s2, s17  }
0x8e: {  	[smem:$0x3FC0] =	sst s2  }
0x8f: {  	_ = 	snop  }
0x90: {  	s2 =	sld [smem:$0x3FD0];
	(tm) =	ssettm $0x1  }
0x91: {  	s18 =	sld [smem:$0x3FFB];
	_ =	sdelay $0x3  }
0x92: {  	_ =	strace s18  }
0x93: {  	s3 =	sld [smem:$0x3FFC];
	_ =	sdelay $0x3  }
0x94: {  	_ =	strace s3  }
0x95: {  	s3 =	sld [smem:$0x3FFD];
	_ =	sdelay $0x3  }
0x96: {  	_ =	strace s3  }
0x97: {  	_ =	strace $0x8FFFFFFF  }
0x98: {  	s19 =	sld [smem:$0x3FDB];
	_ =	sdelay $0x1  }
0x99: {  	s4 =	simm.s32 $_scs_section_size  }
0x9a: {  	s5 =	simm.s32 $_size__tile_overlayer_lowered;
	s6 =	simm.s32 $_tile_overlayer_lowered  }
0x9b: {  	s22 =	simm.s32 $0x1BFF;
	s21 =	sshll.u32 s6, $0x1;
	s3 =	sadd.s32 s4, s19  }
0x9c: {  	s7 =	simm.s32 $0x0;
	s20 =	sshll.u32 s5, $0x1;
	s5 =	sadd.s32 s21, s3  }
0x9d: {  	[timem:s7], [sflag:s22] =	dma.local [hbm:s5], s20  }
0x9e: {  	_ =	swait.ge [sflag:s22], s20  }
0x9f: {  	s4 =	ssub.s32 $0x0, s20;
	[sflag:s22] =	ssyncset.done $0x0  }
0xa0: {  	[sflag:s22] =	ssyncadd.s32 s4;
	_ =	sdelay $0x1  }
0xa1: {  	s23 =	simm.s32 $0x1B8B  }
0xa2: {  	_ =	swait.ge [sflag:s23], $0x1  }
0xa3: {  	[sflag:s23] =	ssyncset.done $0x0  }
0xa4: {  	s25 =	simm.s32 $0x1B8E;
	s24 =	sld [smem:$0x3FFE];
	[sflag:s23] =	ssyncadd.s32 $0xFFFFFFFF  }
0xa5: {  	s26 =	simm.s32 $execute0_lowered;
	[smem:$0x3FD2] =	sst s25  }
0xa6: {  	s5 =	sshll.u32 s26, $0x1;
	_ =	strace $0x8000004C;
	[dreg:$0x1] =	wrdreg $0xFFFFFFFF  }
0xa7: {  	s28 =	simm.s32 $_size_execute0_lowered;
	s3 =	sadd.s32 s3, s5;
	[dreg:$0x0] =	wrdreg $0x0  }
0xa8: {  	s5 =	sshll.u32 s28, $0x1;
	[dreg:$0x2] =	wrdreg s3  }
0xa9: {  	[dreg:$0x3] =	wrdreg s5  }
0xaa: {  	[dreg:$0x4] =	wrdreg $0xC0  }
0xab: {  	_ =	task [dreg:s7], $0x5FFFF  }
0xac: {  	[dreg:$0x1] =	wrdreg $0xFFFFFFFF  }
0xad: {  	[dreg:$0x0] =	wrdreg $0x60  }
0xae: {  	[dreg:$0x2] =	wrdreg s24  }
0xaf: {  	[dreg:$0x3] =	wrdreg s2  }
0xb0: {  	[dreg:$0x4] =	wrdreg $0x9  }
0xb1: {  	_ =	task.clear_ibuf [dreg:s7], $0x5FFFF;
	_ =	strace $0x9000004C  }
0xb2: {  	s29 =	simm.s32 $0x9;
	_ =	strace $0x8000004E  }
0xb3: {  	_ =	swait.ge [sflag:s29], $0x1  }
0xb4: {  	[sflag:s29] =	ssyncadd.s32 $0xFFFFFFFF  }
0xb5: {  	_ =	strace $0x9000004E  }
0xb6: {  	_ =	sfence  }
0xb7: {  	s30 =	sld [smem:$0x0];
	_ =	sdelay $0x2  }
0xb8: {  	s31 =	sshll.u32 s1, $0xD;
	s1 =	sshrl.u32 s1, $0x2  }
0xb9: {  	s3 =	sand.u32 $0x4000, s31;
	s1 =	sadd.s32 s1, s30  }
0xba: {  	s0 =	sor.u32 s3, s0;
	s1 =	sshll.u32 s1, $0x11  }
0xbb: {  	s0 =	sor.u32 s1, s0  }
0xbc: {  	s0 =	sadd.s32 $0x8F2B, s0  }
0xbd: {  	[sflag:s0] =	ssyncadd.remote.s32 $0x1  }
0xbe: {  	_ =	sfence.sel $0xFFFF  }
0xbf: {  	[dreg:$0x0] =	wrdreg $0xFFFFFFFF;
	(pc) =	sbr.abs _section_cstart, $3  }
0xc0: {  	[dreg:$0x1] =	wrdreg $0xFFFFFFFF  }
0xc1: {  	_ =	task.clear_ibuf [dreg:s7], $0x2FFFF;
	_ =	strace $0x9FFFFFFF  }
0xc2: {  	(tm) =	ssettm $0x7FFFFFFF  }
0xc3: {  	_ =	shalt  }
tec
execute0_lowered:
.L_overlay_start_1:
0x0: {  	(tag) =	ssettag $0x1  }
0x1: {  	s5 =	rddreg [dreg:$0x0]  }
0x2: {  	s1 =	srdreg.scid;
	s0 =	stileid.u32  }
0x3: {  	s7 =	rddreg [dreg:$0x1];
	s2 =	simm.s32 $0x0;
	s11 =	simm.s32 $0x7600  }
0x4: {  	s12 =	simm.s32 $0x1;
	s3 =	sand.u32 $0x1, s1;
	s4 =	sshll.u32 s0, $0x1  }
0x5: {  	s13 =	simm.s32 $0x2780;
	s14 =	simm.s32 $0x4EA0;
	s4 =	sor.u32 s3, s4  }
0x6: {  	s15 =	simm.s32 $0x0;
	s1 =	rddreg [dreg:$0x2];
	s6 =	smul.u32 $0x4E2, s4  }
0x7: {  	[smem:$0x7FF] =	sst s2;
	s8 =	ssub.s32 $0x2, s3;
	s9 =	smul.u32 $0x2710, s4  }
.Ltmp0:
0x8: {  	_ =	strace $0x8000004D;
	s10 =	sshrl.u32 s8, $0x1;
	(pc) =	sbr.rel .LBB2_1-.Ltmp0, $4  }
0x9: {  	s3 =	sadd.s32 $0x16200, s5;
	s4 =	sadd.s32 $0x22600, s5;
	s8 =	ssub.s32 s8, s10  }
0xa: {  	s10 =	simm.s32 $0x2;
	s5 =	sadd.s32 s6, s5;
	s9 =	sshrl.u32 s9, $0x3  }
0xb: {  	s6 =	sadd.s32 s7, s6;
	s8 =	smax.u32 s8, $0x1;
	s7 =	sadd.s32 s7, s9  }
0xc: {  	v0 =	vimm.f32 $0.0e+00;
	s5 =	sadd.s32 $0x2600, s5;
	s9 =	simm.s32 $0xD800;
	s7 =	sadd.s32 $0x9C40, s7  }
.LBB2_11:
0xd: {  	[hbm4b:s6+s2] =	stream.linear.scatter [tilespmem:s13], [sflag:$0x2], $0x2710, $0x38;
	[tilespmem:$0xDA00] =	vst v63  }
0xe: {  	s15 =	sadd.s32 $0x1, s15;
	_ =	swait.ge [sflag:s10], $0x2710  }
0xf: {  	p0 =	sne.s32 s15, s8;
	[sflag:s10] =	ssyncset.done $0x0  }
.Ltmp1:
0x10: {  	[sflag:s10] =	ssyncadd.s32 $0xFFFFD8F0;
	(pc) =	sbr.rel @!p0 .LBB2_12-.Ltmp1, $4  }
0x11: {  	[hbm4b:s7+s2] =	stream.linear.scatter [tilespmem:s14], [sflag:$0x2], $0x2710, $0x38;
	[tilespmem:$0xDA00] =	vst v63  }
0x12: {  	_ =	swait.ge [sflag:s10], $0x2710  }
0x13: {  	[sflag:s10] =	ssyncset.done $0x0  }
0x14: {  	[sflag:s10] =	ssyncadd.s32 $0xFFFFD8F0  }
.LBB2_1:
0x15: {  	[tilespmem:s9], [sflag:$0x2] =	stream.linear.gather [hbm4b:s4+s2], $0x200, $0x38;
	[tilespmem:$0xDA00] =	vst v63  }
0x16: {  	_ =	swait.ge [sflag:s10], $0x200  }
0x17: {  	[sflag:s10] =	ssyncset.done $0x0  }
0x18: {  	[sflag:s10] =	ssyncadd.s32 $0xFFFFFE00  }
0x19: {  	[tilespmem:s2], [sflag:$0x2] =	stream.linear.gather [hbm4b:s5+s2], $0x2710, $0x38;
	[tilespmem:$0xDA00] =	vst v63  }
0x1a: {  	_ =	swait.ge [sflag:s10], $0x2710  }
0x1b: {  	[sflag:s10] =	ssyncset.done $0x0  }
0x1c: {  	s16 =	simm.s32 $0x40;
	s17 =	simm.s32 $0x0;
	[sflag:s10] =	ssyncadd.s32 $0xFFFFD8F0  }
.LBB2_2:
0x1d: {  	p0 =	sne.s32 s16, $0x138C0;
	[tilespmem:s17+$0x2780] =	vst v0;
	s17 =	smov.u32 s16;
	s16 =	sadd.s32 $0x40, s16  }
.Ltmp2:
0x1e: {  	(pc) =	sbr.rel @p0 .LBB2_2-.Ltmp2, $2  }
0x1f: {  	_ =	sdelay $0x2  }
0x20: {  	s17 =	sshra.s32 s17, $0x2  }
.Ltmp3:
0x21: {  	(pc) =	sbr.rel .LBB2_5-.Ltmp3, $3  }
0x22: {  	_ =	sdelay $0x1  }
0x23: {  	[tilespmem:s17+$0x2780] =	vst v0;
	s16 =	simm.s32 $0x0  }
0x24: {  	[tilespmem:s11], [sflag:$0x1] =	stream.linear.gather [hbm4b:s3+s16], $0x3100, $0x38;
	[tilespmem:$0xDA00] =	vst v63  }
.LBB2_4:
0x25: {  	p0 =	seq.s32 s16, $0x20  }
.Ltmp4:
0x26: {  	_ = 	snop;
	(pc) =	sbr.rel @p0 .LBB2_11-.Ltmp4, $1  }
0x27: {  	_ =	sdelay $0x3  }
.LBB2_5:
0x28: {  	s18 =	smov.u32 s16  }
0x29: {  	s17 =	sand.u32 $0x1, s16;
	s16 =	sadd.s32 $0x1, s16;
	p0 =	seq.s32 s18, $0x1F  }
0x2a: {  	p1 =	seq.s32 s17, $0x1;
	s17 =	simm.s32 $0x3100;
	s19 =	smul.u32 @!p0 $0x620, s16  }
0x2b: {  	s17 =	simm.s32 @!p1 $0x0  }
0x2c: {  	s21 =	simm.s32 @!p0 $0x0;
	s20 =	ssub.s32 @!p0 $0xA700, s17;
	s19 =	sadd.s32 @!p0 s3, s19  }
0x2d: {  	[tilespmem:s20], [sflag:$0x1] =	stream.linear.gather @!p0 [hbm4b:s19+s21], $0x3100, $0x38;
	[tilespmem:$0xDA00] =	vst v63  }
0x2e: {  	_ =	swait.ge [sflag:s12], $0x3100  }
0x2f: {  	s18 =	sshll.u32 s18, $0x4;
	[sflag:s12] =	ssyncset.done $0x0  }
0x30: {  	s18 =	sand.u32 $0x3FFFFFF0, s18;
	[sflag:s12] =	ssyncadd.s32 $0xFFFFCF00  }
0x31: {  	v1 =	vld [tilespmem:s18+$0xD800];
	_ =	sdelay $0x4  }
0x32: {  	(v2sf) =	vpush v1, $0x0;
	_ =	sdelay $0xe  }
0x33: {  	s31 =	spop (v2sf)  }
0x34: {  	s18 =	sshll.u32 s31, $0x4  }
0x35: {  	p0 =	slt.s32 s18, $0x80  }
.Ltmp5:
0x36: {  	_ = 	snop;
	(pc) =	sbr.rel @p0 .LBB2_9-.Ltmp5, $2  }
0x37: {  	_ =	sdelay $0x2  }
0x38: {  	s19 =	sand.u32 $0xFFFFFF80, s18  }
0x39: {  	s21 =	sadd.s32 $0x7640, s17  }
0x3a: {  	v1 =	vld [tilespmem:s21+$0x30]  }
0x3b: {  	v2 =	vld [tilespmem:s21+$0xFFFFFFD0]  }
0x3c: {  	v3 =	vld [tilespmem:s21+$0xFFFFFFE0]  }
0x3d: {  	v4 =	vld [tilespmem:s21+$0xFFFFFFF0]  }
0x3e: {  	v5 =	vld [tilespmem:s21+$0x0]  }
0x3f: {  	v6 =	vld [tilespmem:s21+$0x10];
	v7 =	vshra.s32 v1, $0xE  }
0x40: {  	v9 =	vld [tilespmem:s21+$0x20];
	v8 =	vshra.s32 v2, $0xE  }
0x41: {  	v12 =	vld [tilespmem:s21+$0xFFFFFFC0];
	v10 =	vshra.s32 v3, $0xE  }
0x42: {  	v11 =	vshra.s32 v4, $0xE  }
0x43: {  	v13 =	vshra.s32 v5, $0xE  }
0x44: {  	v14 =	vshra.s32 v6, $0xE;
	v7 =	vld.idx.msk [tilespmem:v7+s2+$0x0], $0xffff  }
0x45: {  	v15 =	vshra.s32 v9, $0xE;
	v8 =	vld.idx.msk [tilespmem:v8+s2+$0x0], $0xffff  }
0x46: {  	v17 =	vshra.s32 v12, $0xE;
	v10 =	vld.idx.msk [tilespmem:v10+s2+$0x0], $0xffff  }
0x47: {  	v1 =	vand.u32 $0x3FFF, v1;
	v11 =	vld.idx.msk [tilespmem:v11+s2+$0x0], $0xffff  }
0x48: {  	v16 =	vadd.s32 $0x2720, v1;
	v13 =	vld.idx.msk [tilespmem:v13+s2+$0x0], $0xffff  }
0x49: {  	v2 =	vand.u32 $0x3FFF, v2;
	v14 =	vld.idx.msk [tilespmem:v14+s2+$0x0], $0xffff  }
0x4a: {  	v18 =	vadd.s32 $0x2720, v2;
	v15 =	vld.idx.msk [tilespmem:v15+s2+$0x0], $0xffff  }
0x4b: {  	v3 =	vand.u32 $0x3FFF, v3;
	v61 =	vld.idx.msk [tilespmem:v17+s2+$0x0], $0xffff;
	v19 =	vshll.u32 v7, $0x10  }
0x4c: {  	v4 =	vand.u32 $0x3FFF, v4;
	v7 =	vand.u32 $0xFFFF0000, v7;
	[tilespmem:v1+s13+$0x0] =	vst.idx.add.f32.msk $0xffff, v19  }
0x4d: {  	v1 =	vadd.s32 $0x2720, v3;
	[tilespmem:v16+s13+$0x0] =	vst.idx.add.f32.msk $0xffff, v7;
	v7 =	vshll.u32 v8, $0x10  }
0x4e: {  	v62 =	vadd.s32 $0x2720, v4;
	v8 =	vand.u32 $0xFFFF0000, v8;
	[tilespmem:v2+s13+$0x0] =	vst.idx.add.f32.msk $0xffff, v7  }
0x4f: {  	v2 =	vand.u32 $0x3FFF, v12;
	v7 =	vshll.u32 v10, $0x10;
	[tilespmem:v18+s13+$0x0] =	vst.idx.add.f32.msk $0xffff, v8  }
0x50: {  	v63 =	vadd.s32 $0x2720, v2;
	[tilespmem:v3+s13+$0x0] =	vst.idx.add.f32.msk $0xffff, v7;
	v3 =	vand.u32 $0x3FFF, v5;
	v5 =	vshll.u32 v11, $0x10  }
0x51: {  	v10 =	vand.u32 $0xFFFF0000, v10;
	[tilespmem:v4+s13+$0x0] =	vst.idx.add.f32.msk $0xffff, v5  }
0x52: {  	v7 =	vand.u32 $0xFFFF0000, v11;
	v4 =	vand.u32 $0x3FFF, v6;
	[tilespmem:v1+s13+$0x0] =	vst.idx.add.f32.msk $0xffff, v10  }
0x53: {  	v5 =	vshll.u32 v61, $0x10;
	v1 =	vadd.s32 $0x2720, v3;
	[tilespmem:v62+s13+$0x0] =	vst.idx.add.f32.msk $0xffff, v7  }
0x54: {  	p0 =	sgt.s32 s19, $0x80;
	v6 =	vadd.s32 $0x2720, v4;
	v7 =	vand.u32 $0xFFFF0000, v61;
	[tilespmem:v2+s13+$0x0] =	vst.idx.add.f32.msk $0xffff, v5  }
.Ltmp6:
0x55: {  	v2 =	vshll.u32 v13, $0x10;
	[tilespmem:v63+s13+$0x0] =	vst.idx.add.f32.msk $0xffff, v7;
	(pc) =	sbr.rel @!p0 .LBB2_8-.Ltmp6, $4  }
0x56: {  	[tilespmem:v3+s13+$0x0] =	vst.idx.add.f32.msk $0xffff, v2;
	v2 =	vshll.u32 v14, $0x10  }
0x57: {  	v5 =	vand.u32 $0xFFFF0000, v13;
	[tilespmem:v4+s13+$0x0] =	vst.idx.add.f32.msk $0xffff, v2  }
0x58: {  	[tilespmem:v1+s13+$0x0] =	vst.idx.add.f32.msk $0xffff, v5;
	v1 =	vand.u32 $0x3FFF, v9;
	v5 =	vand.u32 $0xFFFF0000, v14  }
0x59: {  	s20 =	simm.s32 $0x80;
	s21 =	sadd.s32 $0x80, s21;
	v3 =	vand.u32 $0xFFFF0000, v15;
	v4 =	vshll.u32 v15, $0x10;
	v2 =	vadd.s32 $0x2720, v1;
	[tilespmem:v6+s13+$0x0] =	vst.idx.add.f32.msk $0xffff, v5  }
.LBB2_7:
0x5a: {  	v5 =	vld [tilespmem:s21+$0x30]  }
0x5b: {  	s20 =	sadd.s32 $0x80, s20;
	v6 =	vld [tilespmem:s21+$0xFFFFFFD0]  }
0x5c: {  	p0 =	slt.s32 s20, s19;
	v7 =	vld [tilespmem:s21+$0xFFFFFFE0]  }
0x5d: {  	v8 =	vld [tilespmem:s21+$0xFFFFFFF0]  }
0x5e: {  	v9 =	vld [tilespmem:s21+$0x0]  }
0x5f: {  	v10 =	vld [tilespmem:s21+$0x10];
	v11 =	vshra.s32 v5, $0xE  }
0x60: {  	v12 =	vshra.s32 v6, $0xE;
	v6 =	vand.u32 $0x3FFF, v6;
	v13 =	vld [tilespmem:s21+$0x20]  }
0x61: {  	v14 =	vld [tilespmem:s21+$0xFFFFFFC0];
	v15 =	vadd.s32 $0x2720, v6;
	v16 =	vshra.s32 v7, $0xE;
	v7 =	vand.u32 $0x3FFF, v7  }
0x62: {  	v17 =	vadd.s32 $0x2720, v7;
	v18 =	vshra.s32 v8, $0xE;
	v8 =	vand.u32 $0x3FFF, v8;
	[tilespmem:v1+s13+$0x0] =	vst.idx.add.f32.msk $0xffff, v4  }
0x63: {  	v19 =	vadd.s32 $0x2720, v8;
	v4 =	vshra.s32 v9, $0xE;
	v9 =	vand.u32 $0x3FFF, v9;
	[tilespmem:v2+s13+$0x0] =	vst.idx.add.f32.msk $0xffff, v3  }
0x64: {  	v20 =	vadd.s32 $0x2720, v9;
	v3 =	vshra.s32 v10, $0xE;
	v10 =	vand.u32 $0x3FFF, v10;
	v11 =	vld.idx.msk [tilespmem:v11+s2+$0x0], $0xffff  }
0x65: {  	v12 =	vld.idx.msk [tilespmem:v12+s2+$0x0], $0xffff;
	v21 =	vadd.s32 $0x2720, v10;
	v22 =	vshra.s32 v13, $0xE;
	v1 =	vand.u32 $0x3FFF, v13  }
0x66: {  	v5 =	vand.u32 $0x3FFF, v5;
	v13 =	vshra.s32 v14, $0xE;
	v14 =	vand.u32 $0x3FFF, v14;
	v16 =	vld.idx.msk [tilespmem:v16+s2+$0x0], $0xffff  }
0x67: {  	v24 =	vadd.s32 $0x2720, v5;
	v2 =	vadd.s32 $0x2720, v1;
	v23 =	vadd.s32 $0x2720, v14;
	v18 =	vld.idx.msk [tilespmem:v18+s2+$0x0], $0xffff  }
0x68: {  	v4 =	vld.idx.msk [tilespmem:v4+s2+$0x0], $0xffff  }
0x69: {  	v3 =	vld.idx.msk [tilespmem:v3+s2+$0x0], $0xffff  }
0x6a: {  	v25 =	vshll.u32 v11, $0x10;
	v22 =	vld.idx.msk [tilespmem:v22+s2+$0x0], $0xffff  }
0x6b: {  	v11 =	vand.u32 $0xFFFF0000, v11;
	v26 =	vshll.u32 v12, $0x10;
	v12 =	vand.u32 $0xFFFF0000, v12;
	[tilespmem:v5+s13+$0x0] =	vst.idx.add.f32.msk $0xffff, v25  }
0x6c: {  	v5 =	vshll.u32 v16, $0x10;
	v16 =	vand.u32 $0xFFFF0000, v16;
	[tilespmem:v24+s13+$0x0] =	vst.idx.add.f32.msk $0xffff, v11  }
0x6d: {  	v11 =	vld.idx.msk [tilespmem:v13+s2+$0x0], $0xffff;
	v13 =	vshll.u32 v18, $0x10;
	v18 =	vand.u32 $0xFFFF0000, v18  }
0x6e: {  	v24 =	vand.u32 $0xFFFF0000, v4;
	[tilespmem:v6+s13+$0x0] =	vst.idx.add.f32.msk $0xffff, v26;
	v6 =	vshll.u32 v4, $0x10  }
0x6f: {  	[tilespmem:v15+s13+$0x0] =	vst.idx.add.f32.msk $0xffff, v12;
	v12 =	vshll.u32 v3, $0x10;
	v15 =	vand.u32 $0xFFFF0000, v3  }
0x70: {  	v4 =	vshll.u32 v22, $0x10;
	v3 =	vand.u32 $0xFFFF0000, v22;
	[tilespmem:v7+s13+$0x0] =	vst.idx.add.f32.msk $0xffff, v5  }
0x71: {  	[tilespmem:v17+s13+$0x0] =	vst.idx.add.f32.msk $0xffff, v16  }
0x72: {  	[tilespmem:v8+s13+$0x0] =	vst.idx.add.f32.msk $0xffff, v13  }
0x73: {  	v5 =	vshll.u32 v11, $0x10;
	v7 =	vand.u32 $0xFFFF0000, v11;
	[tilespmem:v19+s13+$0x0] =	vst.idx.add.f32.msk $0xffff, v18  }
0x74: {  	[tilespmem:v14+s13+$0x0] =	vst.idx.add.f32.msk $0xffff, v5  }
.Ltmp7:
0x75: {  	[tilespmem:v23+s13+$0x0] =	vst.idx.add.f32.msk $0xffff, v7;
	(pc) =	sbr.rel @p0 .LBB2_7-.Ltmp7, $4  }
0x76: {  	[tilespmem:v9+s13+$0x0] =	vst.idx.add.f32.msk $0xffff, v6  }
0x77: {  	[tilespmem:v20+s13+$0x0] =	vst.idx.add.f32.msk $0xffff, v24  }
0x78: {  	[tilespmem:v10+s13+$0x0] =	vst.idx.add.f32.msk $0xffff, v12  }
0x79: {  	s21 =	sadd.s32 $0x80, s21;
	[tilespmem:v21+s13+$0x0] =	vst.idx.add.f32.msk $0xffff, v15  }
.LBB2_8:
0x7a: {  	_ =	sdelay $0x3  }
0x7b: {  	[tilespmem:v1+s13+$0x0] =	vst.idx.add.f32.msk $0xffff, v4  }
0x7c: {  	[tilespmem:v2+s13+$0x0] =	vst.idx.add.f32.msk $0xffff, v3  }
.LBB2_9:
0x7d: {  	p0 =	seq.s32 s19, s18  }
.Ltmp8:
0x7e: {  	_ = 	snop;
	(pc) =	sbr.rel @p0 .LBB2_4-.Ltmp8, $1  }
0x7f: {  	_ =	sdelay $0x3  }
.LBB2_10:
0x80: {  	s20 =	sadd.s32 s19, s17  }
0x81: {  	s21 =	sand.u32 $0x70, s19;
	s20 =	sand.u32 $0xFFFFFF80, s20  }
0x82: {  	s20 =	sor.u32 s21, s20  }
0x83: {  	v1 =	vld [tilespmem:s20+$0x7600];
	_ =	sdelay $0x4  }
0x84: {  	v2 =	vshra.s32 v1, $0xE;
	_ =	sdelay $0x4  }
0x85: {  	v2 =	vld.idx.msk [tilespmem:v2+s2+$0x0], $0xffff  }
0x86: {  	s19 =	sadd.s32 $0x10, s19;
	v1 =	vand.u32 $0x3FFF, v1  }
0x87: {  	p0 =	slt.s32 s19, s18;
	v3 =	vadd.s32 $0x2720, v1  }
.Ltmp9:
0x88: {  	_ = 	snop;
	(pc) =	sbr.rel @p0 .LBB2_10-.Ltmp9, $4  }
0x89: {  	_ = 	snop  }
0x8a: {  	v4 =	vshll.u32 v2, $0x10  }
0x8b: {  	v2 =	vand.u32 $0xFFFF0000, v2;
	[tilespmem:v1+s13+$0x0] =	vst.idx.add.f32.msk $0xffff, v4  }
0x8c: {  	[tilespmem:v3+s13+$0x0] =	vst.idx.add.f32.msk $0xffff, v2  }
.Ltmp10:
0x8d: {  	_ = 	snop;
	(pc) =	sbr.rel .LBB2_4-.Ltmp10, $1  }
0x8e: {  	_ =	sdelay $0x3  }
.LBB2_12:
0x8f: {  	_ =	sfence.sel $0x180000  }
0x90: {  	[bflag:$0x0] =	sbarrier.arrive $0xFFFF  }
0x91: {  	p0 =	sne.s32 s0, $0x0;
	_ =	strace $0x9000004D  }
0x92: {  	s0 =	sadd.s32 @!p0 $0x100000, s1;
	[bflag:$0x2] =	sbarrier.arrive $0xFFFF  }
0x93: {  	[sflag:s0] =	ssyncadd.tile.s32 @!p0 $0x1;
	_ =	shalt  }
.Lfunc_end2:
_tile_overlayer_lowered:
.L_overlay_start_2:
0x94: {  	(tag) =	ssettag $0x2  }
0x95: {  	s0 =	rddreg [dreg:$0x0];
	s2 =	stileid.u32  }
0x96: {  	s1 =	rddreg [dreg:$0x1];
	p0 =	sne.s32 s2, $0x0  }
0x97: {  	s3 =	rddreg [dreg:$0x2];
	[bflag:$0x3] =	sbarrier.arrive $0xFFFF;
	s2 =	simm.s32 @!p0 $0x1C02  }
0x98: {  	[timem:s3], [sflag:s2] =	dma.local @!p0 [hbm:s0], s1  }
0x99: {  	s0 =	simm.s32 @!p0 $0x2  }
0x9a: {  	_ =	swait.ge @!p0 [sflag:s0], s1  }
0x9b: {  	s1 =	ssub.s32 @!p0 $0x0, s1;
	[sflag:s0] =	ssyncset.done @!p0 $0x0  }
0x9c: {  	[sflag:s0] =	ssyncadd.s32 @!p0 s1  }
0x9d: {  	[bflag:$0x3] =	sbarrier.arrive $0xFFFF  }
0x9e: {  	_ =	shalt  }

// kernel: kernel.19.cloned.1.call-start
scs
__scs_entry_jumppad:
0x0: {  	(pc) =	sbr.rel $0x88, $3  }
0x1: {  	(tag) =	ssettag $0x0;
	lr =	simm.s32 $0x1  }
0x2: {  	[smem:$0x3F99] =	sst lr;
	_ =	strace $0xD0000000  }
0x3: {  	_ = 	snop  }
0x4: {  	_ = 	snop  }
0x5: {  	_ = 	snop  }
0x6: {  	_ = 	snop  }
0x7: {  	_ = 	snop  }
__scs_overlays_trampoline_lowered:
0x8: {  	[smem:$0x3FA8] =	sst s0  }
0x9: {  	[smem:$0x3FA9] =	sst s1  }
0xa: {  	[smem:$0x3FAA] =	sst s2  }
0xb: {  	[smem:$0x3FAB] =	sst s3  }
0xc: {  	[smem:$0x3FAC] =	sst s4  }
0xd: {  	[smem:$0x3FAD] =	sst s5  }
0xe: {  	[smem:$0x3FAE] =	sst s6  }
0xf: {  	[smem:$0x3FAF] =	sst s7  }
0x10: {  	[smem:$0x3FB0] =	sst s8  }
0x11: {  	[smem:$0x3FB1] =	sst s9;
	s0 =	simm.s32 @!p0 $0x0  }
0x12: {  	s1 =	sld [smem:$0x3F97];
	s0 =	simm.s32 @p0 $0x1  }
0x13: {  	[smem:$0x3FB2] =	sst s0;
	s0 =	simm.s32 @!p1 $0x0  }
0x14: {  	s2 =	sld [smem:$0x3F96];
	s0 =	simm.s32 @p1 $0x1  }
0x15: {  	[smem:$0x3FB3] =	sst s0;
	s0 =	simm.s32 @!p2 $0x0  }
0x16: {  	s3 =	sld [smem:$0x3FDB];
	s0 =	simm.s32 @p2 $0x1  }
0x17: {  	s4 =	simm.s32 $0x1BF5;
	[smem:$0x3FB5] =	sst s0  }
0x18: {  	s0 =	sld [smem:$0x3F98];
	_ =	swait.ge [sflag:s4], $0x0  }
0x19: {  	s7 =	sld [smem:$0x3F99]  }
0x1a: {  	s8 =	sadd.s32 $0xFFFFE003, lr  }
0x1b: {  	s9 =	sadd.s32 $0xFFFFFEF7, lr;
	s5 =	simm.s32 $0xFFFFFFFF;
	p2 =	slt.u32 s8, $0xFFFFF086  }
0x1c: {  	p1 =	slt.u32 s9, $0xF7A;
	s5 =	simm.s32 @!p2 $0x0  }
0x1d: {  	s5 =	simm.s32 @p1 $0x1;
	p0 =	seq.s32 s7, s2  }
0x1e: {  	s7 =	smul.u32 @!p0 $0xF7A, s2;
	p2 =	seq.s32 @!p0 s5, $0x0  }
0x1f: {  	s9 =	smul.u32 $0xF7A, s1;
	s8 =	simm.s32 @!p0 $0x1BF5;
	p2 =	por !p2, p0  }
0x20: {  	[sflag:s8] =	ssyncset.s32 @!p0 $0xFFFFF086;
	s6 =	sadd.s32 @!p0 s3, s7;
	s7 =	simm.s32 @!p0 $0x108  }
0x21: {  	s3 =	sadd.s32 s3, s9;
	s6 =	sadd.s32 @!p0 $0x88, s6;
	s7 =	simm.s32 @p2 $0x1082  }
0x22: {  	[simem:s7], [sflag:s8] =	dma.local @!p0 [hbm:s6], $0xF7A  }
0x23: {  	s9 =	sor.u32 $0xD0000000, s2;
	s6 =	simm.s32 $0x108;
	_ =	swait.ge @!p0 [sflag:s8], $0x0  }
0x24: {  	s3 =	sadd.s32 $0x88, s3;
	s6 =	simm.s32 @!p1 $0x1082;
	[sflag:s4] =	ssyncset.s32 $0xFFFFF086  }
0x25: {  	[simem:s6], [sflag:s4] =	dma.local [hbm:s3], $0xF7A  }
0x26: {  	[smem:$0x3F99] =	sst s1;
	(tag) =	ssettag s2;
	_ =	strace s9  }
0x27: {  	s1 =	sld [smem:$0x3FA9]  }
0x28: {  	s2 =	sld [smem:$0x3FAA]  }
0x29: {  	s4 =	sld [smem:$0x3FAC]  }
0x2a: {  	p0 =	seq.s32 s5, $0x0;
	s5 =	sld [smem:$0x3FAD]  }
0x2b: {  	s6 =	sld [smem:$0x3FAE]  }
0x2c: {  	s7 =	sld [smem:$0x3FAF]  }
0x2d: {  	s3 =	simm.s32 $0x108;
	s8 =	sld [smem:$0x3FB0]  }
0x2e: {  	s3 =	simm.s32 @!p0 $0x1082;
	s9 =	sld [smem:$0x3FB1]  }
0x2f: {  	lr =	sadd.s32 s0, s3;
	s0 =	sld [smem:$0x3FA8]  }
0x30: {  	s3 =	sld [smem:$0x3FAB]  }
0x31: {  	[smem:$0x3FB4] =	sst s10  }
0x32: {  	s10 =	sld [smem:$0x3FB2];
	_ =	sdelay $0x3  }
0x33: {  	p0 =	seq.s32 s10, $0x1;
	s10 =	sld [smem:$0x3FB4];
	_ =	sdelay $0x3  }
0x34: {  	[smem:$0x3FB4] =	sst s10  }
0x35: {  	s10 =	sld [smem:$0x3FB3];
	_ =	sdelay $0x3  }
0x36: {  	p1 =	seq.s32 s10, $0x1;
	s10 =	sld [smem:$0x3FB4];
	_ =	sdelay $0x3  }
0x37: {  	[smem:$0x3FB4] =	sst s10  }
0x38: {  	s10 =	sld [smem:$0x3FB5]  }
0x39: {  	_ = 	snop;
	(pc) =	sbr.ind lr, $3  }
0x3a: {  	_ = 	snop  }
0x3b: {  	_ = 	snop  }
0x3c: {  	p2 =	seq.s32 s10, $0x1;
	s10 =	sld [smem:$0x3FB4]  }
0x3d: {  	_ =	shalt  }
0x3e: {  	_ =	shalt  }
0x3f: {  	_ =	shalt  }
0x40: {  	_ =	shalt  }
0x41: {  	_ =	shalt  }
0x42: {  	_ =	shalt  }
0x43: {  	_ =	shalt  }
0x44: {  	_ =	shalt  }
0x45: {  	_ =	shalt  }
0x46: {  	_ =	shalt  }
0x47: {  	_ =	shalt  }
0x48: {  	_ =	shalt  }
0x49: {  	_ =	shalt  }
0x4a: {  	_ =	shalt  }
0x4b: {  	_ =	shalt  }
0x4c: {  	_ =	shalt  }
0x4d: {  	_ =	shalt  }
0x4e: {  	_ =	shalt  }
0x4f: {  	_ =	shalt  }
0x50: {  	_ =	shalt  }
0x51: {  	_ =	shalt  }
0x52: {  	_ =	shalt  }
0x53: {  	_ =	shalt  }
0x54: {  	_ =	shalt  }
0x55: {  	_ =	shalt  }
0x56: {  	_ =	shalt  }
0x57: {  	_ =	shalt  }
0x58: {  	_ =	shalt  }
0x59: {  	_ =	shalt  }
0x5a: {  	_ =	shalt  }
0x5b: {  	_ =	shalt  }
0x5c: {  	_ =	shalt  }
0x5d: {  	_ =	shalt  }
0x5e: {  	_ =	shalt  }
0x5f: {  	_ =	shalt  }
0x60: {  	_ =	shalt  }
0x61: {  	_ =	shalt  }
0x62: {  	_ =	shalt  }
0x63: {  	_ =	shalt  }
0x64: {  	_ =	shalt  }
0x65: {  	_ =	shalt  }
0x66: {  	_ =	shalt  }
0x67: {  	_ =	shalt  }
0x68: {  	_ =	shalt  }
0x69: {  	_ =	shalt  }
0x6a: {  	_ =	shalt  }
0x6b: {  	_ =	shalt  }
0x6c: {  	_ =	shalt  }
0x6d: {  	_ =	shalt  }
0x6e: {  	_ =	shalt  }
0x6f: {  	_ =	shalt  }
0x70: {  	_ =	shalt  }
0x71: {  	_ =	shalt  }
0x72: {  	_ =	shalt  }
0x73: {  	_ =	shalt  }
0x74: {  	_ =	shalt  }
0x75: {  	_ =	shalt  }
0x76: {  	_ =	shalt  }
0x77: {  	_ =	shalt  }
0x78: {  	_ =	shalt  }
0x79: {  	_ =	shalt  }
0x7a: {  	_ =	shalt  }
0x7b: {  	_ =	shalt  }
0x7c: {  	_ =	shalt  }
0x7d: {  	_ =	shalt  }
0x7e: {  	_ =	shalt  }
0x7f: {  	_ =	shalt  }
0x80: {  	_ =	shalt  }
0x81: {  	_ =	shalt  }
0x82: {  	_ =	shalt  }
0x83: {  	_ =	shalt  }
0x84: {  	_ =	shalt  }
0x85: {  	_ =	shalt  }
0x86: {  	_ =	shalt  }
0x87: {  	_ =	shalt  }
.Lfunc_end0:
.L_simem_size_0:
called_computation.3_lowered:
.L_overlay_start_0:
0x88: {  	s2 =	sld [smem:$0x3FD9]  }
0x89: {  	s3 =	sld [smem:$0x3FFE];
	_ =	sdelay $0x1  }
0x8a: {  	s1 =	srdreg.scid  }
0x8b: {  	s0 =	sand.u32 $0x1, s1  }
0x8c: {  	s17 =	sshll.u32 s0, $0xA;
	s2 =	sadd.s32 s3, s2  }
0x8d: {  	s2 =	sadd.s32 s2, s17  }
0x8e: {  	[smem:$0x3FC0] =	sst s2  }
0x8f: {  	_ = 	snop  }
0x90: {  	s2 =	sld [smem:$0x3FD0];
	(tm) =	ssettm $0x1  }
0x91: {  	s18 =	sld [smem:$0x3FFB];
	_ =	sdelay $0x3  }
0x92: {  	_ =	strace s18  }
0x93: {  	s3 =	sld [smem:$0x3FFC];
	_ =	sdelay $0x3  }
0x94: {  	_ =	strace s3  }
0x95: {  	s3 =	sld [smem:$0x3FFD];
	_ =	sdelay $0x3  }
0x96: {  	_ =	strace s3  }
0x97: {  	_ =	strace $0x8FFFFFFF  }
0x98: {  	s19 =	sld [smem:$0x3FDB];
	_ =	sdelay $0x1  }
0x99: {  	s4 =	simm.s32 $_scs_section_size  }
0x9a: {  	s5 =	simm.s32 $_size__tile_overlayer_lowered;
	s6 =	simm.s32 $_tile_overlayer_lowered  }
0x9b: {  	s22 =	simm.s32 $0x1BFF;
	s21 =	sshll.u32 s6, $0x1;
	s3 =	sadd.s32 s4, s19  }
0x9c: {  	s7 =	simm.s32 $0x0;
	s20 =	sshll.u32 s5, $0x1;
	s5 =	sadd.s32 s21, s3  }
0x9d: {  	[timem:s7], [sflag:s22] =	dma.local [hbm:s5], s20  }
0x9e: {  	_ =	swait.ge [sflag:s22], s20  }
0x9f: {  	s4 =	ssub.s32 $0x0, s20;
	[sflag:s22] =	ssyncset.done $0x0  }
0xa0: {  	[sflag:s22] =	ssyncadd.s32 s4;
	_ =	sdelay $0x1  }
0xa1: {  	s23 =	simm.s32 $0x1B8B  }
0xa2: {  	_ =	swait.ge [sflag:s23], $0x1  }
0xa3: {  	[sflag:s23] =	ssyncset.done $0x0  }
0xa4: {  	s25 =	simm.s32 $0x1B8E;
	s24 =	sld [smem:$0x3FFE];
	[sflag:s23] =	ssyncadd.s32 $0xFFFFFFFF  }
0xa5: {  	s26 =	simm.s32 $execute0_lowered;
	[smem:$0x3FD2] =	sst s25  }
0xa6: {  	s5 =	sshll.u32 s26, $0x1;
	_ =	strace $0x8000004F;
	[dreg:$0x1] =	wrdreg $0xFFFFFFFF  }
0xa7: {  	s28 =	simm.s32 $_size_execute0_lowered;
	s3 =	sadd.s32 s3, s5;
	[dreg:$0x0] =	wrdreg $0x0  }
0xa8: {  	s5 =	sshll.u32 s28, $0x1;
	[dreg:$0x2] =	wrdreg s3  }
0xa9: {  	[dreg:$0x3] =	wrdreg s5  }
0xaa: {  	[dreg:$0x4] =	wrdreg $0xC0  }
0xab: {  	_ =	task [dreg:s7], $0x5FFFF  }
0xac: {  	[dreg:$0x1] =	wrdreg $0xFFFFFFFF  }
0xad: {  	[dreg:$0x0] =	wrdreg $0x60  }
0xae: {  	[dreg:$0x2] =	wrdreg s24  }
0xaf: {  	[dreg:$0x3] =	wrdreg s2  }
0xb0: {  	[dreg:$0x4] =	wrdreg $0x9  }
0xb1: {  	_ =	task.clear_ibuf [dreg:s7], $0x5FFFF;
	_ =	strace $0x9000004F  }
0xb2: {  	s29 =	simm.s32 $0x9;
	_ =	strace $0x80000051  }
0xb3: {  	_ =	swait.ge [sflag:s29], $0x1  }
0xb4: {  	[sflag:s29] =	ssyncadd.s32 $0xFFFFFFFF  }
0xb5: {  	_ =	strace $0x90000051  }
0xb6: {  	_ =	sfence  }
0xb7: {  	s30 =	sld [smem:$0x0];
	_ =	sdelay $0x2  }
0xb8: {  	s31 =	sshll.u32 s1, $0xD;
	s1 =	sshrl.u32 s1, $0x2  }
0xb9: {  	s3 =	sand.u32 $0x4000, s31;
	s1 =	sadd.s32 s1, s30  }
0xba: {  	s0 =	sor.u32 s3, s0;
	s1 =	sshll.u32 s1, $0x11  }
0xbb: {  	s0 =	sor.u32 s1, s0  }
0xbc: {  	s0 =	sadd.s32 $0x8F2B, s0  }
0xbd: {  	[sflag:s0] =	ssyncadd.remote.s32 $0x1  }
0xbe: {  	_ =	sfence.sel $0xFFFF  }
0xbf: {  	[dreg:$0x0] =	wrdreg $0xFFFFFFFF;
	(pc) =	sbr.abs _section_cstart, $3  }
0xc0: {  	[dreg:$0x1] =	wrdreg $0xFFFFFFFF  }
0xc1: {  	_ =	task.clear_ibuf [dreg:s7], $0x2FFFF;
	_ =	strace $0x9FFFFFFF  }
0xc2: {  	(tm) =	ssettm $0x7FFFFFFF  }
0xc3: {  	_ =	shalt  }
tec
execute0_lowered:
.L_overlay_start_1:
0x0: {  	(tag) =	ssettag $0x1  }
0x1: {  	s5 =	rddreg [dreg:$0x0]  }
0x2: {  	s9 =	rddreg [dreg:$0x1]  }
0x3: {  	s0 =	rddreg [dreg:$0x2];
	s3 =	srdreg.scid  }
0x4: {  	s1 =	stileid.u32;
	s2 =	simm.s32 $0x0;
	s13 =	simm.s32 $0x2  }
0x5: {  	s14 =	simm.s32 $0x2720;
	s15 =	simm.s32 $0xEB00;
	s16 =	simm.s32 $0x1  }
0x6: {  	s17 =	simm.s32 $0x4E80;
	s18 =	simm.s32 $0x9CC0;
	s19 =	simm.s32 $0x75A0  }
0x7: {  	s20 =	simm.s32 $0xC3E0;
	s6 =	sand.u32 $0x1, s3;
	s29 =	sshll.u32 s1, $0x1  }
0x8: {  	s21 =	simm.s32 $0x0;
	[smem:$0x7FF] =	sst s2;
	s7 =	sor.u32 s6, s29  }
0x9: {  	s3 =	sadd.s32 $0x16200, s5;
	s4 =	sadd.s32 $0x22600, s5;
	s8 =	smul.u32 $0x4E20, s7  }
0xa: {  	s11 =	sadd.s32 $0x2600, s5;
	s6 =	ssub.s32 $0x2, s6;
	s7 =	smul.u32 $0x9C4, s7  }
.Ltmp0:
0xb: {  	_ =	strace $0x80000050;
	s10 =	sshrl.u32 s6, $0x1;
	(pc) =	sbr.rel .LBB2_1-.Ltmp0, $4  }
0xc: {  	s12 =	ssub.s32 s6, s10;
	s8 =	sshrl.u32 s8, $0x3;
	s5 =	sadd.s32 s11, s7  }
0xd: {  	s7 =	sadd.s32 s9, s7;
	s30 =	sadd.s32 $0x4E2, s8;
	s31 =	sadd.s32 s9, s8  }
0xe: {  	s6 =	sadd.s32 s11, s30;
	s8 =	sadd.s32 $0x13880, s31;
	s9 =	sadd.s32 s9, s30  }
0xf: {  	v0 =	vimm.f32 $0.0e+00;
	s10 =	sadd.s32 $0x13D62, s31;
	s11 =	smax.u32 s12, $0x1;
	s12 =	simm.s32 $0x14D00  }
.LBB2_15:
0x10: {  	[hbm4b:s7+s2] =	stream.linear.scatter [tilespmem:s17], [sflag:$0x2], $0x2710, $0x38;
	[tilespmem:$0x14F00] =	vst v63  }
0x11: {  	_ =	swait.ge [sflag:s13], $0x2710  }
0x12: {  	[sflag:s13] =	ssyncset.done $0x0  }
0x13: {  	[sflag:s13] =	ssyncadd.s32 $0xFFFFD8F0  }
0x14: {  	[hbm4b:s8+s2] =	stream.linear.scatter [tilespmem:s18], [sflag:$0x2], $0x2710, $0x38;
	[tilespmem:$0x14F00] =	vst v63  }
0x15: {  	_ =	swait.ge [sflag:s13], $0x2710  }
0x16: {  	[sflag:s13] =	ssyncset.done $0x0  }
0x17: {  	[sflag:s13] =	ssyncadd.s32 $0xFFFFD8F0  }
0x18: {  	[hbm4b:s9+s2] =	stream.linear.scatter [tilespmem:s19], [sflag:$0x2], $0x2710, $0x38;
	[tilespmem:$0x14F00] =	vst v63  }
0x19: {  	s21 =	sadd.s32 $0x1, s21;
	_ =	swait.ge [sflag:s13], $0x2710  }
0x1a: {  	p0 =	sne.s32 s21, s11;
	[sflag:s13] =	ssyncset.done $0x0  }
.Ltmp1:
0x1b: {  	[sflag:s13] =	ssyncadd.s32 $0xFFFFD8F0;
	(pc) =	sbr.rel @!p0 .LBB2_16-.Ltmp1, $4  }
0x1c: {  	[hbm4b:s10+s2] =	stream.linear.scatter [tilespmem:s20], [sflag:$0x2], $0x2710, $0x38;
	[tilespmem:$0x14F00] =	vst v63  }
0x1d: {  	_ =	swait.ge [sflag:s13], $0x2710  }
0x1e: {  	[sflag:s13] =	ssyncset.done $0x0  }
0x1f: {  	[sflag:s13] =	ssyncadd.s32 $0xFFFFD8F0  }
.LBB2_1:
0x20: {  	[tilespmem:s12], [sflag:$0x2] =	stream.linear.gather [hbm4b:s4+s2], $0x200, $0x38;
	[tilespmem:$0x14F00] =	vst v63  }
0x21: {  	_ =	swait.ge [sflag:s13], $0x200  }
0x22: {  	[sflag:s13] =	ssyncset.done $0x0  }
0x23: {  	[sflag:s13] =	ssyncadd.s32 $0xFFFFFE00  }
0x24: {  	[tilespmem:s2], [sflag:$0x2] =	stream.linear.gather [hbm4b:s5+s2], $0x2710, $0x38;
	[tilespmem:$0x14F00] =	vst v63  }
0x25: {  	_ =	swait.ge [sflag:s13], $0x2710  }
0x26: {  	[sflag:s13] =	ssyncset.done $0x0  }
0x27: {  	[sflag:s13] =	ssyncadd.s32 $0xFFFFD8F0  }
0x28: {  	[tilespmem:s14], [sflag:$0x2] =	stream.linear.gather [hbm4b:s6+s2], $0x2710, $0x38;
	[tilespmem:$0x14F00] =	vst v63  }
0x29: {  	_ =	swait.ge [sflag:s13], $0x2710  }
0x2a: {  	[sflag:s13] =	ssyncset.done $0x0  }
0x2b: {  	s22 =	simm.s32 $0x40;
	s23 =	simm.s32 $0x0;
	[sflag:s13] =	ssyncadd.s32 $0xFFFFD8F0  }
.LBB2_2:
0x2c: {  	p0 =	sne.s32 s22, $0x271C0;
	[tilespmem:s23+$0x4E80] =	vst v0;
	s23 =	smov.u32 s22;
	s22 =	sadd.s32 $0x40, s22  }
.Ltmp2:
0x2d: {  	(pc) =	sbr.rel @p0 .LBB2_2-.Ltmp2, $2  }
0x2e: {  	_ =	sdelay $0x2  }
0x2f: {  	s23 =	sshra.s32 s23, $0x2  }
.Ltmp3:
0x30: {  	(pc) =	sbr.rel .LBB2_5-.Ltmp3, $3  }
0x31: {  	_ =	sdelay $0x1  }
0x32: {  	[tilespmem:s23+$0x4E80] =	vst v0;
	s22 =	simm.s32 $0x0  }
0x33: {  	[tilespmem:s15], [sflag:$0x1] =	stream.linear.gather [hbm4b:s3+s22], $0x3100, $0x38;
	[tilespmem:$0x14F00] =	vst v63  }
.LBB2_4:
0x34: {  	p0 =	seq.s32 s22, $0x20  }
.Ltmp4:
0x35: {  	_ = 	snop;
	(pc) =	sbr.rel @p0 .LBB2_15-.Ltmp4, $1  }
0x36: {  	_ =	sdelay $0x3  }
.LBB2_5:
0x37: {  	s24 =	smov.u32 s22  }
0x38: {  	s23 =	sand.u32 $0x1, s22;
	s22 =	sadd.s32 $0x1, s22;
	p0 =	seq.s32 s24, $0x1F  }
0x39: {  	p1 =	seq.s32 s23, $0x1;
	s23 =	simm.s32 $0x3100;
	s25 =	smul.u32 @!p0 $0x620, s22  }
0x3a: {  	s23 =	simm.s32 @!p1 $0x0  }
0x3b: {  	s28 =	simm.s32 @!p0 $0x0;
	s26 =	ssub.s32 @!p0 $0x11C00, s23;
	s25 =	sadd.s32 @!p0 s3, s25  }
0x3c: {  	[tilespmem:s26], [sflag:$0x1] =	stream.linear.gather @!p0 [hbm4b:s25+s28], $0x3100, $0x38;
	[tilespmem:$0x14F00] =	vst v63  }
0x3d: {  	_ =	swait.ge [sflag:s16], $0x3100  }
0x3e: {  	s24 =	sshll.u32 s24, $0x4;
	[sflag:s16] =	ssyncset.done $0x0  }
0x3f: {  	s24 =	sand.u32 $0x3FFFFFF0, s24;
	[sflag:s16] =	ssyncadd.s32 $0xFFFFCF00  }
0x40: {  	v1 =	vld [tilespmem:s24+$0x14D00];
	_ =	sdelay $0x4  }
0x41: {  	(v2sf) =	vpush v1, $0x0;
	_ =	sdelay $0xe  }
0x42: {  	s31 =	spop (v2sf)  }
0x43: {  	s24 =	sshll.u32 s31, $0x4  }
0x44: {  	p0 =	slt.s32 s24, $0x40  }
.Ltmp5:
0x45: {  	_ = 	snop;
	(pc) =	sbr.rel @p0 .LBB2_13-.Ltmp5, $2  }
0x46: {  	_ =	sdelay $0x2  }
0x47: {  	s25 =	sand.u32 $0xFFFFFFC0, s24  }
0x48: {  	s26 =	simm.s32 $0x0;
	s28 =	sadd.s32 $0x0, s23  }
0x49: {  	s28 =	sand.u32 $0xFFFFFF80, s28;
	s26 =	sand.u32 $0x40, s26  }
0x4a: {  	s26 =	sor.u32 s26, s28  }
0x4b: {  	v1 =	vld [tilespmem:s26+$0xEB30];
	_ =	sdelay $0x2  }
0x4c: {  	v2 =	vld [tilespmem:s26+$0xEB00]  }
0x4d: {  	v4 =	vld [tilespmem:s26+$0xEB20]  }
0x4e: {  	v3 =	vld [tilespmem:s26+$0xEB10];
	v5 =	vshra.s32 v1, $0xE;
	_ =	sdelay $0x2  }
0x4f: {  	v6 =	vshra.s32 v2, $0xE  }
0x50: {  	v8 =	vshra.s32 v4, $0xE  }
0x51: {  	v7 =	vshra.s32 v3, $0xE;
	v9 =	vld.idx.msk [tilespmem:v5+s2+$0x0], $0xffff  }
0x52: {  	v10 =	vand.u32 $0x3FFF, v1  }
0x53: {  	v1 =	vadd.s32 $0x4E40, v10  }
0x54: {  	v12 =	vadd.s32 $0x2720, v5;
	v11 =	vld.idx.msk [tilespmem:v6+s2+$0x0], $0xffff  }
0x55: {  	v2 =	vand.u32 $0x3FFF, v2;
	v16 =	vld.idx.msk [tilespmem:v8+s2+$0x0], $0xffff  }
0x56: {  	v21 =	vand.u32 $0x3FFF, v4;
	v15 =	vld.idx.msk [tilespmem:v7+s2+$0x0], $0xffff;
	v5 =	vshll.u32 v9, $0x10  }
0x57: {  	v3 =	vand.u32 $0x3FFF, v3;
	v13 =	vadd.s32 $0x4E40, v2;
	v9 =	vand.u32 $0xFFFF0000, v9;
	[tilespmem:v10+s17+$0x0] =	vst.idx.add.f32.msk $0xffff, v5  }
0x58: {  	v17 =	vadd.s32 $0x4E40, v3;
	[tilespmem:v1+s17+$0x0] =	vst.idx.add.f32.msk $0xffff, v9  }
0x59: {  	p1 =	sgt.s32 s25, $0x40;
	v4 =	vadd.s32 $0x2720, v7;
	v19 =	vadd.s32 $0x2720, v10;
	v1 =	vshll.u32 v11, $0x10;
	v14 =	vld.idx.msk [tilespmem:v12+s2+$0x0], $0xffff  }
.Ltmp6:
0x5a: {  	v18 =	vadd.s32 $0x7560, v10;
	v9 =	vand.u32 $0xFFFF0000, v11;
	v11 =	vshll.u32 v16, $0x10;
	[tilespmem:v2+s17+$0x0] =	vst.idx.add.f32.msk $0xffff, v1;
	(pc) =	sbr.rel @!p1 .LBB2_7-.Ltmp6, $4  }
0x5b: {  	v7 =	vadd.s32 $0x4E40, v21;
	v5 =	vadd.s32 $0x2720, v6;
	v6 =	vadd.s32 $0x2720, v8;
	[tilespmem:v21+s17+$0x0] =	vst.idx.add.f32.msk $0xffff, v11  }
0x5c: {  	v8 =	vadd.s32 $0x2720, v2;
	v12 =	vadd.s32 $0x7560, v2;
	v2 =	vshll.u32 v15, $0x10;
	[tilespmem:v13+s17+$0x0] =	vst.idx.add.f32.msk $0xffff, v9  }
0x5d: {  	v20 =	vand.u32 $0xFFFF0000, v16;
	v1 =	vadd.s32 $0x7560, v3;
	v9 =	vand.u32 $0xFFFF0000, v15;
	[tilespmem:v3+s17+$0x0] =	vst.idx.add.f32.msk $0xffff, v2  }
0x5e: {  	p0 =	por $0x0, $0x0;
	s26 =	simm.s32 $0x40;
	v13 =	vadd.s32 $0x2720, v3;
	v2 =	vadd.s32 $0x2720, v21;
	v3 =	vadd.s32 $0x7560, v21;
	[tilespmem:v17+s17+$0x0] =	vst.idx.add.f32.msk $0xffff, v9  }
0x5f: {  	_ =	sdelay $0x1  }
0x60: {  	s28 =	sadd.s32 $0x40, s23  }
0x61: {  	s26 =	sand.u32 $0x40, s26;
	s28 =	sand.u32 $0xFFFFFF80, s28  }
0x62: {  	[tilespmem:v7+s17+$0x0] =	vst.idx.add.f32.msk $0xffff, v20;
	s26 =	sor.u32 s26, s28  }
0x63: {  	v9 =	vld [tilespmem:s26+$0xEB30]  }
0x64: {  	v11 =	vld [tilespmem:s26+$0xEB10]  }
0x65: {  	v7 =	vshll.u32 v14, $0x10;
	v5 =	vld.idx.msk [tilespmem:v5+s2+$0x0], $0xffff  }
0x66: {  	[tilespmem:v19+s17+$0x0] =	vst.idx.add.f32.msk $0xffff, v7  }
0x67: {  	v10 =	vld [tilespmem:s26+$0xEB00]  }
0x68: {  	v15 =	vld [tilespmem:s26+$0xEB20];
	v7 =	vshra.s32 v9, $0xE  }
0x69: {  	v17 =	vld.idx.msk [tilespmem:v4+s2+$0x0], $0xffff;
	v16 =	vshra.s32 v11, $0xE  }
0x6a: {  	v14 =	vand.u32 $0xFFFF0000, v14;
	v19 =	vld.idx.msk [tilespmem:v6+s2+$0x0], $0xffff  }
0x6b: {  	[tilespmem:v18+s17+$0x0] =	vst.idx.add.f32.msk $0xffff, v14;
	v6 =	vshll.u32 v5, $0x10  }
0x6c: {  	[tilespmem:v8+s17+$0x0] =	vst.idx.add.f32.msk $0xffff, v6;
	v14 =	vshra.s32 v10, $0xE  }
0x6d: {  	v18 =	vshra.s32 v15, $0xE;
	v4 =	vld.idx.msk [tilespmem:v7+s2+$0x0], $0xffff  }
0x6e: {  	v5 =	vand.u32 $0xFFFF0000, v5;
	v22 =	vand.u32 $0x3FFF, v9;
	v21 =	vld.idx.msk [tilespmem:v16+s2+$0x0], $0xffff  }
0x6f: {  	v6 =	vshll.u32 v17, $0x10;
	[tilespmem:v12+s17+$0x0] =	vst.idx.add.f32.msk $0xffff, v5;
	v27 =	vand.u32 $0x3FFF, v11  }
0x70: {  	[tilespmem:v13+s17+$0x0] =	vst.idx.add.f32.msk $0xffff, v6;
	v9 =	vadd.s32 $0x4E40, v22  }
0x71: {  	v24 =	vadd.s32 $0x2720, v7;
	v20 =	vld.idx.msk [tilespmem:v14+s2+$0x0], $0xffff  }
0x72: {  	v25 =	vand.u32 $0x3FFF, v10;
	v29 =	vand.u32 $0x3FFF, v15;
	v23 =	vld.idx.msk [tilespmem:v18+s2+$0x0], $0xffff;
	v5 =	vshll.u32 v4, $0x10  }
0x73: {  	v10 =	vand.u32 $0xFFFF0000, v17;
	v28 =	vadd.s32 $0x4E40, v27;
	v15 =	vshll.u32 v21, $0x10;
	[tilespmem:v22+s17+$0x0] =	vst.idx.add.f32.msk $0xffff, v5  }
0x74: {  	v11 =	vshll.u32 v19, $0x10;
	v26 =	vadd.s32 $0x4E40, v25;
	v6 =	vand.u32 $0xFFFF0000, v4;
	[tilespmem:v27+s17+$0x0] =	vst.idx.add.f32.msk $0xffff, v15  }
0x75: {  	p1 =	sgt.s32 s25, $0x80;
	v8 =	vadd.s32 $0x2720, v25;
	v12 =	vadd.s32 $0x7560, v25;
	v7 =	vadd.s32 $0x4E40, v29;
	[tilespmem:v9+s17+$0x0] =	vst.idx.add.f32.msk $0xffff, v6  }
.Ltmp7:
0x76: {  	v5 =	vadd.s32 $0x2720, v14;
	v6 =	vadd.s32 $0x2720, v18;
	v9 =	vshll.u32 v20, $0x10;
	v14 =	vld.idx.msk [tilespmem:v24+s2+$0x0], $0xffff;
	(pc) =	sbr.rel @!p1 .LBB2_9-.Ltmp7, $4  }
0x77: {  	v18 =	vand.u32 $0xFFFF0000, v21;
	[tilespmem:v25+s17+$0x0] =	vst.idx.add.f32.msk $0xffff, v9;
	v9 =	vand.u32 $0xFFFF0000, v19;
	v19 =	vadd.s32 $0x2720, v22  }
0x78: {  	v17 =	vadd.s32 $0x7560, v27;
	v21 =	vshll.u32 v23, $0x10;
	[tilespmem:v28+s17+$0x0] =	vst.idx.add.f32.msk $0xffff, v18;
	v18 =	vadd.s32 $0x7560, v22  }
0x79: {  	v4 =	vadd.s32 $0x2720, v16;
	v13 =	vand.u32 $0xFFFF0000, v20;
	v16 =	vadd.s32 $0x2720, v29;
	[tilespmem:v29+s17+$0x0] =	vst.idx.add.f32.msk $0xffff, v21  }
0x7a: {  	p0 =	por $0x1, $0x1;
	s26 =	simm.s32 $0x80;
	v15 =	vadd.s32 $0x7560, v29;
	v20 =	vand.u32 $0xFFFF0000, v23;
	[tilespmem:v26+s17+$0x0] =	vst.idx.add.f32.msk $0xffff, v13;
	v13 =	vadd.s32 $0x2720, v27  }
.LBB2_10:
0x7b: {  	s28 =	sadd.s32 s26, s23;
	[tilespmem:v7+s17+$0x0] =	vst.idx.add.f32.msk $0xffff, v20;
	v7 =	vshll.u32 v14, $0x10  }
0x7c: {  	s29 =	sand.u32 $0x40, s26;
	v14 =	vand.u32 $0xFFFF0000, v14;
	s28 =	sand.u32 $0xFFFFFF80, s28;
	[tilespmem:v19+s17+$0x0] =	vst.idx.add.f32.msk $0xffff, v7  }
0x7d: {  	s26 =	sadd.s32 $0x40, s26;
	s28 =	sor.u32 s29, s28;
	[tilespmem:v18+s17+$0x0] =	vst.idx.add.f32.msk $0xffff, v14  }
0x7e: {  	p1 =	slt.s32 s26, s25;
	v14 =	vld [tilespmem:s28+$0xEB30]  }
0x7f: {  	v7 =	vld [tilespmem:s28+$0xEB00]  }
0x80: {  	v18 =	vld [tilespmem:s28+$0xEB10]  }
0x81: {  	v19 =	vld [tilespmem:s28+$0xEB20]  }
0x82: {  	v20 =	vld.idx.msk [tilespmem:v5+s2+$0x0], $0xffff  }
0x83: {  	v21 =	vshra.s32 v14, $0xE;
	v22 =	vld.idx.msk [tilespmem:v4+s2+$0x0], $0xffff  }
0x84: {  	v23 =	vshra.s32 v7, $0xE;
	v24 =	vand.u32 $0x3FFF, v7;
	v25 =	vld.idx.msk [tilespmem:v6+s2+$0x0], $0xffff  }
0x85: {  	v26 =	vadd.s32 $0x4E40, v24;
	v27 =	vshra.s32 v18, $0xE;
	v18 =	vand.u32 $0x3FFF, v18;
	[tilespmem:v1+s17+$0x0] =	vst.idx.add.f32.msk $0xffff, v10;
	v1 =	vmovc v17  }
0x86: {  	v28 =	vadd.s32 $0x4E40, v18;
	v17 =	vshra.s32 v19, $0xE;
	v29 =	vand.u32 $0x3FFF, v19;
	[tilespmem:v2+s17+$0x0] =	vst.idx.add.f32.msk $0xffff, v11;
	v2 =	vmovc v16  }
0x87: {  	v5 =	vadd.s32 $0x2720, v23;
	v4 =	vadd.s32 $0x2720, v27;
	v7 =	vadd.s32 $0x4E40, v29;
	[tilespmem:v3+s17+$0x0] =	vst.idx.add.f32.msk $0xffff, v9;
	v3 =	vmovc v15  }
0x88: {  	v6 =	vadd.s32 $0x2720, v17;
	v15 =	vshll.u32 v20, $0x10;
	v20 =	vand.u32 $0xFFFF0000, v20;
	v19 =	vld.idx.msk [tilespmem:v21+s2+$0x0], $0xffff  }
0x89: {  	v30 =	vadd.s32 $0x2720, v24;
	v31 =	vshll.u32 v22, $0x10;
	v10 =	vand.u32 $0xFFFF0000, v22;
	v23 =	vld.idx.msk [tilespmem:v23+s2+$0x0], $0xffff  }
0x8a: {  	v11 =	vshll.u32 v25, $0x10;
	v9 =	vand.u32 $0xFFFF0000, v25;
	v22 =	vld.idx.msk [tilespmem:v27+s2+$0x0], $0xffff;
	v27 =	vand.u32 $0x3FFF, v14  }
0x8b: {  	v25 =	vadd.s32 $0x2720, v18;
	v14 =	vadd.s32 $0x7560, v24;
	v32 =	vld.idx.msk [tilespmem:v17+s2+$0x0], $0xffff;
	v33 =	vadd.s32 $0x4E40, v27  }
0x8c: {  	v16 =	vadd.s32 $0x2720, v29;
	v21 =	vadd.s32 $0x2720, v21;
	v17 =	vadd.s32 $0x7560, v18;
	[tilespmem:v8+s17+$0x0] =	vst.idx.add.f32.msk $0xffff, v15;
	v8 =	vmovc v30  }
0x8d: {  	v15 =	vadd.s32 $0x7560, v29;
	[tilespmem:v12+s17+$0x0] =	vst.idx.add.f32.msk $0xffff, v20;
	v12 =	vmov v14  }
0x8e: {  	v14 =	vshll.u32 v19, $0x10;
	[tilespmem:v13+s17+$0x0] =	vst.idx.add.f32.msk $0xffff, v31;
	v13 =	vmov v25  }
0x8f: {  	v19 =	vand.u32 $0xFFFF0000, v19;
	v25 =	vshll.u32 v23, $0x10;
	v23 =	vand.u32 $0xFFFF0000, v23;
	[tilespmem:v27+s17+$0x0] =	vst.idx.add.f32.msk $0xffff, v14  }
0x90: {  	v30 =	vshll.u32 v22, $0x10;
	v22 =	vand.u32 $0xFFFF0000, v22;
	[tilespmem:v33+s17+$0x0] =	vst.idx.add.f32.msk $0xffff, v19  }
0x91: {  	v31 =	vshll.u32 v32, $0x10;
	v20 =	vand.u32 $0xFFFF0000, v32;
	v14 =	vld.idx.msk [tilespmem:v21+s2+$0x0], $0xffff  }
.Ltmp8:
0x92: {  	[tilespmem:v24+s17+$0x0] =	vst.idx.add.f32.msk $0xffff, v25;
	(pc) =	sbr.rel @p1 .LBB2_10-.Ltmp8, $4  }
0x93: {  	v19 =	vadd.s32 $0x2720, v27;
	[tilespmem:v26+s17+$0x0] =	vst.idx.add.f32.msk $0xffff, v23  }
0x94: {  	[tilespmem:v18+s17+$0x0] =	vst.idx.add.f32.msk $0xffff, v30;
	v18 =	vadd.s32 $0x7560, v27  }
0x95: {  	[tilespmem:v28+s17+$0x0] =	vst.idx.add.f32.msk $0xffff, v22  }
0x96: {  	[tilespmem:v29+s17+$0x0] =	vst.idx.add.f32.msk $0xffff, v31  }
0x97: {  	v21 =	vmov v1  }
0x98: {  	v22 =	vmovc v2;
	v23 =	vmovc v3;
	v1 =	vmov v17;
	v2 =	vmov v16;
	v3 =	vmov v15  }
.LBB2_12:
0x99: {  	_ =	sdelay $0x3  }
0x9a: {  	[tilespmem:v7+s17+$0x0] =	vst.idx.add.f32.msk $0xffff, v20  }
0x9b: {  	v5 =	vld.idx.msk [tilespmem:v5+s2+$0x0], $0xffff  }
0x9c: {  	v4 =	vld.idx.msk [tilespmem:v4+s2+$0x0], $0xffff  }
0x9d: {  	[tilespmem:v21+s17+$0x0] =	vst.idx.add.f32.msk @p0 $0xffff, v10  }
0x9e: {  	v59 =	vshll.u32 v14, $0x10;
	[tilespmem:v22+s17+$0x0] =	vst.idx.add.f32.msk @p0 $0xffff, v11  }
0x9f: {  	[tilespmem:v19+s17+$0x0] =	vst.idx.add.f32.msk $0xffff, v59  }
0xa0: {  	v6 =	vld.idx.msk [tilespmem:v6+s2+$0x0], $0xffff  }
0xa1: {  	v60 =	vand.u32 $0xFFFF0000, v14;
	[tilespmem:v23+s17+$0x0] =	vst.idx.add.f32.msk @p0 $0xffff, v9  }
0xa2: {  	[tilespmem:v18+s17+$0x0] =	vst.idx.add.f32.msk $0xffff, v60;
	v61 =	vshll.u32 v5, $0x10  }
0xa3: {  	v62 =	vshll.u32 v4, $0x10;
	[tilespmem:v8+s17+$0x0] =	vst.idx.add.f32.msk $0xffff, v61  }
0xa4: {  	v5 =	vand.u32 $0xFFFF0000, v5;
	[tilespmem:v13+s17+$0x0] =	vst.idx.add.f32.msk $0xffff, v62  }
0xa5: {  	v4 =	vand.u32 $0xFFFF0000, v4;
	[tilespmem:v12+s17+$0x0] =	vst.idx.add.f32.msk $0xffff, v5  }
0xa6: {  	v63 =	vshll.u32 v6, $0x10;
	[tilespmem:v1+s17+$0x0] =	vst.idx.add.f32.msk $0xffff, v4  }
0xa7: {  	v1 =	vand.u32 $0xFFFF0000, v6;
	[tilespmem:v2+s17+$0x0] =	vst.idx.add.f32.msk $0xffff, v63  }
0xa8: {  	[tilespmem:v3+s17+$0x0] =	vst.idx.add.f32.msk $0xffff, v1  }
.LBB2_13:
0xa9: {  	p0 =	seq.s32 s25, s24  }
.Ltmp9:
0xaa: {  	_ = 	snop;
	(pc) =	sbr.rel @p0 .LBB2_4-.Ltmp9, $1  }
0xab: {  	_ =	sdelay $0x3  }
.LBB2_14:
0xac: {  	s26 =	sadd.s32 s25, s23  }
0xad: {  	s28 =	sand.u32 $0x70, s25;
	s26 =	sand.u32 $0xFFFFFF80, s26  }
0xae: {  	s26 =	sor.u32 s28, s26  }
0xaf: {  	v1 =	vld [tilespmem:s26+$0xEB00];
	_ =	sdelay $0x4  }
0xb0: {  	v2 =	vshra.s32 v1, $0xE;
	_ =	sdelay $0x4  }
0xb1: {  	v3 =	vld.idx.msk [tilespmem:v2+s2+$0x0], $0xffff  }
0xb2: {  	v1 =	vand.u32 $0x3FFF, v1  }
0xb3: {  	v4 =	vadd.s32 $0x4E40, v1  }
0xb4: {  	v2 =	vadd.s32 $0x2720, v2;
	_ =	sdelay $0x1  }
0xb5: {  	v5 =	vshll.u32 v3, $0x10  }
0xb6: {  	v3 =	vand.u32 $0xFFFF0000, v3;
	[tilespmem:v1+s17+$0x0] =	vst.idx.add.f32.msk $0xffff, v5  }
0xb7: {  	[tilespmem:v4+s17+$0x0] =	vst.idx.add.f32.msk $0xffff, v3  }
0xb8: {  	v2 =	vld.idx.msk [tilespmem:v2+s2+$0x0], $0xffff  }
0xb9: {  	s25 =	sadd.s32 $0x10, s25;
	v3 =	vadd.s32 $0x2720, v1  }
0xba: {  	p0 =	slt.s32 s25, s24;
	v1 =	vadd.s32 $0x7560, v1  }
.Ltmp10:
0xbb: {  	_ = 	snop;
	(pc) =	sbr.rel @p0 .LBB2_14-.Ltmp10, $4  }
0xbc: {  	_ = 	snop  }
0xbd: {  	v63 =	vshll.u32 v2, $0x10  }
0xbe: {  	v2 =	vand.u32 $0xFFFF0000, v2;
	[tilespmem:v3+s17+$0x0] =	vst.idx.add.f32.msk $0xffff, v63  }
0xbf: {  	[tilespmem:v1+s17+$0x0] =	vst.idx.add.f32.msk $0xffff, v2  }
.Ltmp11:
0xc0: {  	_ = 	snop;
	(pc) =	sbr.rel .LBB2_4-.Ltmp11, $1  }
0xc1: {  	_ =	sdelay $0x3  }
.LBB2_7:
.Ltmp12:
0xc2: {  	(pc) =	sbr.rel .LBB2_12-.Ltmp12, $2  }
0xc3: {  	_ =	sdelay $0x2  }
0xc4: {  	_ = 	snop  }
.LBB2_9:
.Ltmp13:
0xc5: {  	(pc) =	sbr.rel .LBB2_12-.Ltmp13, $3  }
0xc6: {  	_ =	sdelay $0x1  }
0xc7: {  	v21 =	vmov v1  }
0xc8: {  	v22 =	vmovc v2;
	v23 =	vmovc v3;
	v1 =	vmov v17;
	v2 =	vmov v16;
	v3 =	vmov v15  }
.LBB2_16:
0xc9: {  	_ =	sfence.sel $0x180000  }
0xca: {  	[bflag:$0x0] =	sbarrier.arrive $0xFFFF  }
0xcb: {  	p0 =	sne.s32 s1, $0x0;
	_ =	strace $0x90000050  }
0xcc: {  	s0 =	sadd.s32 @!p0 $0x100000, s0;
	[bflag:$0x2] =	sbarrier.arrive $0xFFFF  }
0xcd: {  	[sflag:s0] =	ssyncadd.tile.s32 @!p0 $0x1;
	_ =	shalt  }
.Lfunc_end2:
_tile_overlayer_lowered:
.L_overlay_start_2:
0xce: {  	(tag) =	ssettag $0x2  }
0xcf: {  	s0 =	rddreg [dreg:$0x0];
	s2 =	stileid.u32  }
0xd0: {  	s1 =	rddreg [dreg:$0x1];
	p0 =	sne.s32 s2, $0x0  }
0xd1: {  	s3 =	rddreg [dreg:$0x2];
	[bflag:$0x3] =	sbarrier.arrive $0xFFFF;
	s2 =	simm.s32 @!p0 $0x1C02  }
0xd2: {  	[timem:s3], [sflag:s2] =	dma.local @!p0 [hbm:s0], s1  }
0xd3: {  	s0 =	simm.s32 @!p0 $0x2  }
0xd4: {  	_ =	swait.ge @!p0 [sflag:s0], s1  }
0xd5: {  	s1 =	ssub.s32 @!p0 $0x0, s1;
	[sflag:s0] =	ssyncset.done @!p0 $0x0  }
0xd6: {  	[sflag:s0] =	ssyncadd.s32 @!p0 s1  }
0xd7: {  	[bflag:$0x3] =	sbarrier.arrive $0xFFFF  }
0xd8: {  	_ =	shalt  }

</sc_bundles>
